<compile_context>
chip_gen: v7x
topology: tpu7x:2x2x1
jax: 0.10.2.dev20260603
libtpu: 0.0.44.dev20260713+nightly
codegen_flags: <defaults>
</compile_context>

<pallas_src>
import functools

import jax
import jax.numpy as jnp
from jax import lax
from jax.experimental import pallas as pl
from jax.experimental.pallas import tpu as pltpu
from jax.experimental.pallas import tpu_sc as plsc

E = 320000
N = 10000
C = 128
G = 64

NC = 2
NS = 16
NW = NC * NS

CHUNK = 128
NCHUNKS = E // CHUNK
NMAIN = 78
ZROWS = 200
NZ = N // ZROWS
GCH = 80
NGCH = N // GCH
NB = G * N
ZEL = 12800
NZEL = NB // ZEL
HCH = 512
NHCH = E // HCH

_mesh = plsc.VectorSubcoreMesh(core_axis_name="c", subcore_axis_name="s")


@functools.partial(
    pl.kernel,
    out_type=jax.ShapeDtypeStruct((NC, N, C), jnp.float32),
    mesh=_mesh,
    scratch_types=[
        [pltpu.VMEM((CHUNK,), jnp.int32) for _ in range(3)],
        [pltpu.VMEM((CHUNK, C), jnp.float32) for _ in range(3)],
        pltpu.VMEM_SHARED((N, C), jnp.float32),
        [pltpu.SemaphoreType.DMA for _ in range(3)],
        [pltpu.SemaphoreType.DMA for _ in range(3)],
    ],
)
def _agg_kernel(x_hbm, iu_hbm, zrows_hbm, agg_hbm, iu_s, rows_s, agg_sh,
                lsem, ssem):
    cid = lax.axis_index("c")
    sid = lax.axis_index("s")
    wid = sid * NC + cid

    def _issue_loads(slot, c):
        e0 = c * CHUNK
        pltpu.async_copy(iu_hbm.at[pl.ds(e0, CHUNK)], iu_s[slot], lsem[slot])
        pltpu.async_copy(x_hbm.at[pl.ds(e0, CHUNK)], rows_s[slot], lsem[slot])

    _issue_loads(0, wid)
    _issue_loads(1, wid + NW)
    nz_t = NZ // NS + jnp.where(sid < (NZ % NS), 1, 0)

    def zbody(k, _):
        pltpu.sync_copy(zrows_hbm, agg_sh.at[pl.ds((sid + k * NS) * ZROWS, ZROWS)])
        return 0

    lax.fori_loop(0, nz_t, zbody, 0)
    plsc.subcore_barrier()

    def _process(slot):
        pltpu.make_async_copy(iu_hbm.at[pl.ds(0, CHUNK)], iu_s[slot], lsem[slot]).wait()
        pltpu.make_async_copy(x_hbm.at[pl.ds(0, CHUNK)], rows_s[slot], lsem[slot]).wait()
        pltpu.async_copy(rows_s[slot], agg_sh.at[iu_s[slot]], ssem[slot], add=True)

    def _wait_scatter(slot):
        pltpu.make_async_copy(rows_s[slot], agg_sh.at[iu_s[slot]], ssem[slot]).wait()

    def group(g, _):
        for s in range(3):
            k = g * 3 + s
            _process(s)
            s2 = (s + 2) % 3

            @pl.when(k >= 1)
            def _():
                _wait_scatter(s2)

            c2 = wid + (k + 2) * NW

            @pl.when(c2 < NCHUNKS)
            def _():
                _issue_loads(s2, c2)
        return 0

    lax.fori_loop(0, NMAIN // 3, group, 0)
    _wait_scatter(2)

    @pl.when(wid < (NCHUNKS - NMAIN * NW))
    def _():
        _process(0)
        _wait_scatter(0)

    plsc.subcore_barrier()

    def awb(k, _):
        r0 = (sid + k * NS) * ZROWS
        pltpu.async_copy(agg_sh.at[pl.ds(r0, ZROWS)],
                         agg_hbm.at[cid, pl.ds(r0, ZROWS)], lsem[0])
        return 0

    lax.fori_loop(0, nz_t, awb, 0)

    def awb_wait(k, _):
        r0 = (sid + k * NS) * ZROWS
        pltpu.make_async_copy(agg_sh.at[pl.ds(r0, ZROWS)],
                              agg_hbm.at[cid, pl.ds(r0, ZROWS)], lsem[0]).wait()
        return 0

    lax.fori_loop(0, nz_t, awb_wait, 0)


@functools.partial(
    pl.kernel,
    out_type=[
        jax.ShapeDtypeStruct((NB,), jnp.float32),
        jax.ShapeDtypeStruct((NB,), jnp.float32),
        jax.ShapeDtypeStruct((N, C), jnp.float32),
    ],
    mesh=_mesh,
    scratch_types=[
        [pltpu.VMEM((HCH,), jnp.int32) for _ in range(2)],
        [pltpu.VMEM((HCH,), jnp.int32) for _ in range(2)],
        [[pltpu.VMEM((CHUNK,), jnp.int32) for _ in range(HCH // CHUNK)]
         for _ in range(2)],
        pltpu.VMEM((CHUNK,), jnp.float32),
        [pltpu.VMEM((GCH,), jnp.int32) for _ in range(4)],
        [pltpu.VMEM((GCH, C), jnp.float32) for _ in range(4)],
        pltpu.VMEM_SHARED((NB,), jnp.float32),
        [pltpu.SemaphoreType.DMA for _ in range(2)],
        [pltpu.SemaphoreType.DMA for _ in range(2)],
        pltpu.SemaphoreType.DMA,
        pltpu.SemaphoreType.DMA,
        pltpu.SemaphoreType.DMA,
    ],
)
def _hist_kernel(x_hbm, iu_hbm, batch_hbm, ispd_hbm, zel_hbm,
                 cnt0_hbm, cnt1_hbm, h0_hbm,
                 iu_s, bt_s, flat_s, ones_v, gidx_s, grow_s, count_sh,
                 lsem, ssem, gisem, grsem, gosem):
    cid = lax.axis_index("c")
    sid = lax.axis_index("s")
    wid = sid * NC + cid

    nh_t = NHCH // NW + jnp.where(wid < (NHCH % NW), 1, 0)
    ng_t = NGCH // NW + jnp.where(wid < (NGCH % NW), 1, 0)

    def _issue_loads(slot, c):
        e0 = c * HCH
        pltpu.async_copy(iu_hbm.at[pl.ds(e0, HCH)], iu_s[slot], lsem[slot])
        pltpu.async_copy(batch_hbm.at[pl.ds(e0, HCH)], bt_s[slot], lsem[slot])

    def _wait_scats(slot):
        for q in range(HCH // CHUNK):
            pltpu.make_async_copy(
                ones_v, count_sh.at[flat_s[slot][q]], ssem[slot]).wait()

    _issue_loads(0, wid)

    @pl.when(NW + wid < NHCH)
    def _():
        _issue_loads(1, wid + NW)

    for k in range(4):
        @pl.when(k < ng_t)
        def _(k=k):
            r0 = (wid + k * NW) * GCH
            pltpu.async_copy(ispd_hbm.at[pl.ds(r0, GCH)], gidx_s[k], gisem)

    nzel_t = NZEL // NS + jnp.where(sid < (NZEL % NS), 1, 0)

    def zbody(k, _):
        pltpu.sync_copy(zel_hbm, count_sh.at[pl.ds((sid + k * NS) * ZEL, ZEL)])
        return 0

    lax.fori_loop(0, nzel_t, zbody, 0)
    for j in range(CHUNK // 16):
        ones_v[pl.ds(j * 16, 16)] = jnp.ones((16,), jnp.float32)
    plsc.subcore_barrier()

    def visit(k, _):
        for s in range(2):
            ck = 2 * k + s

            @pl.when(ck < nh_t)
            def _():
                @pl.when(ck >= 2)
                def _():
                    _wait_scats(s)

                pltpu.make_async_copy(iu_hbm.at[pl.ds(0, HCH)], iu_s[s], lsem[s]).wait()
                pltpu.make_async_copy(batch_hbm.at[pl.ds(0, HCH)], bt_s[s], lsem[s]).wait()
                for q in range(HCH // CHUNK):
                    for j in range(CHUNK // 16):
                        sl_src = pl.ds(q * CHUNK + j * 16, 16)
                        sl_dst = pl.ds(j * 16, 16)
                        flat_s[s][q][sl_dst] = iu_s[s][sl_src] * G + bt_s[s][sl_src]
                for q in range(HCH // CHUNK):
                    pltpu.async_copy(ones_v, count_sh.at[flat_s[s][q]],
                                     ssem[s], add=True)
                c2 = wid + (ck + 2) * NW

                @pl.when(c2 < NHCH)
                def _():
                    _issue_loads(s, c2)

        return 0

    lax.fori_loop(0, (NHCH // NW + 2) // 2, visit, 0)
    _wait_scats(0)
    _wait_scats(1)

    for k in range(4):
        @pl.when(k < ng_t)
        def _(k=k):
            pltpu.make_async_copy(ispd_hbm.at[pl.ds(0, GCH)], gidx_s[k], gisem).wait()
            pltpu.async_copy(x_hbm.at[gidx_s[k]], grow_s[k], grsem)

    for k in range(4):
        @pl.when(k < ng_t)
        def _(k=k):
            r0 = (wid + k * NW) * GCH
            pltpu.make_async_copy(x_hbm.at[pl.ds(0, GCH)], grow_s[k], grsem).wait()
            pltpu.async_copy(grow_s[k], h0_hbm.at[pl.ds(r0, GCH)], gosem)

    for k in range(4):
        @pl.when(k < ng_t)
        def _(k=k):
            r0 = (wid + k * NW) * GCH
            pltpu.make_async_copy(grow_s[k], h0_hbm.at[pl.ds(r0, GCH)], gosem).wait()

    plsc.subcore_barrier()

    def cwb0(k, _):
        o = (sid + k * NS) * ZEL
        pltpu.async_copy(count_sh.at[pl.ds(o, ZEL)], cnt0_hbm.at[pl.ds(o, ZEL)],
                         lsem[0])
        return 0

    def cwb0_wait(k, _):
        o = (sid + k * NS) * ZEL
        pltpu.make_async_copy(count_sh.at[pl.ds(o, ZEL)],
                              cnt0_hbm.at[pl.ds(o, ZEL)], lsem[0]).wait()
        return 0

    def cwb1(k, _):
        o = (sid + k * NS) * ZEL
        pltpu.async_copy(count_sh.at[pl.ds(o, ZEL)], cnt1_hbm.at[pl.ds(o, ZEL)],
                         lsem[0])
        return 0

    def cwb1_wait(k, _):
        o = (sid + k * NS) * ZEL
        pltpu.make_async_copy(count_sh.at[pl.ds(o, ZEL)],
                              cnt1_hbm.at[pl.ds(o, ZEL)], lsem[0]).wait()
        return 0

    @pl.when(cid == 0)
    def _():
        lax.fori_loop(0, nzel_t, cwb0, 0)
        lax.fori_loop(0, nzel_t, cwb0_wait, 0)

    @pl.when(cid == 1)
    def _():
        lax.fori_loop(0, nzel_t, cwb1, 0)
        lax.fori_loop(0, nzel_t, cwb1_wait, 0)


_MLP_R = 2000


def _fused_body(h0_ref, a0_ref, a1_ref, c0_ref, c1_ref, eps_ref,
                w1_ref, b1_ref, w2_ref, b2_ref, out_ref):
    i = pl.program_id(0)
    scale = 1.0 + eps_ref[0, 0]
    hin = h0_ref[...] * scale + a0_ref[...] + a1_ref[...]
    h1 = jnp.dot(hin, w1_ref[...], preferred_element_type=jnp.float32) + b1_ref[...]
    h1 = jnp.maximum(h1, 0.0)
    h2 = jnp.dot(h1, w2_ref[...], preferred_element_type=jnp.float32) + b2_ref[...]
    h2 = jnp.maximum(h2, 0.0)
    cnt = c0_ref[...] + c1_ref[...]
    contrib = lax.dot_general(cnt, h2, (((0,), (0,)), ((), ())),
                              preferred_element_type=jnp.float32)

    @pl.when(i == 0)
    def _():
        out_ref[...] = contrib

    @pl.when(i > 0)
    def _():
        out_ref[...] += contrib


def _fused_tc(h0, a0, a1, c0, c1, eps, w1t, b1, w2t, b2):
    grid = (N // _MLP_R,)
    return pl.pallas_call(
        _fused_body,
        grid=grid,
        in_specs=[
            pl.BlockSpec((_MLP_R, C), lambda i: (i, 0)),
            pl.BlockSpec((_MLP_R, C), lambda i: (i, 0)),
            pl.BlockSpec((_MLP_R, C), lambda i: (i, 0)),
            pl.BlockSpec((_MLP_R, G), lambda i: (i, 0)),
            pl.BlockSpec((_MLP_R, G), lambda i: (i, 0)),
            pl.BlockSpec((1, 1), lambda i: (0, 0)),
            pl.BlockSpec((C, C), lambda i: (0, 0)),
            pl.BlockSpec((1, C), lambda i: (0, 0)),
            pl.BlockSpec((C, C), lambda i: (0, 0)),
            pl.BlockSpec((1, C), lambda i: (0, 0)),
        ],
        out_specs=pl.BlockSpec((G, C), lambda i: (0, 0)),
        out_shape=jax.ShapeDtypeStruct((G, C), jnp.float32),
    )(h0, a0, a1, c0, c1, eps, w1t, b1, w2t, b2)


def kernel(x, index_u, index_shortest_path_distance, batch, W1, b1, W2, b2, eps):
    zrows = jnp.zeros((ZROWS, C), jnp.float32)
    zel = jnp.zeros((ZEL,), jnp.float32)
    agg2 = _agg_kernel(x, index_u, zrows)
    c0, c1, h0 = _hist_kernel(x, index_u, batch,
                              index_shortest_path_distance, zel)
    return _fused_tc(h0, agg2[0], agg2[1],
                     c0.reshape(N, G), c1.reshape(N, G), eps.reshape(1, 1),
                     W1.T, b1.reshape(1, C), W2.T, b2.reshape(1, C))

# --- scband reference (transcript-rebuilt; emitter-appended) ---
"""Pipeline reference for scband-pooling-76201309765889 (READ-ONLY COPY).

The authoritative reference and input builder live on the scoring server;
editing this copy changes nothing except your own understanding.
"""

import jax, jax.numpy as jnp
import numpy as np

N_NODES = 10000
N_EDGES = 320000
C = 128
N_GRAPHS = 64


def setup_inputs(seed: int = 0) -> dict:
    key = jax.random.key(seed)
    ks = jax.random.split(key, 8)
    x = jax.random.normal(ks[0], (N_EDGES, C), dtype=jnp.float32)
    index_u = jax.random.randint(ks[1], (N_EDGES,), 0, N_NODES, dtype=jnp.int32)
    index_shortest_path_distance = jax.random.randint(ks[2], (N_NODES,), 0, N_EDGES, dtype=jnp.int32)
    batch = jnp.sort(jax.random.randint(ks[3], (N_EDGES,), 0, N_GRAPHS, dtype=jnp.int32))
    # learned params: pooling MLP (Linear -> ReLU -> Linear, biases since norm=False) and GIN eps
    W1 = jax.random.normal(ks[4], (C, C), dtype=jnp.float32) * 0.05
    b1 = jnp.zeros((C,), dtype=jnp.float32)
    W2 = jax.random.normal(ks[5], (C, C), dtype=jnp.float32) * 0.05
    b2 = jnp.zeros((C,), dtype=jnp.float32)
    eps = jnp.zeros((1,), dtype=jnp.float32)
    return {
        "x": x,
        "index_u": index_u,
        "index_shortest_path_distance": index_shortest_path_distance,
        "batch": batch,
        "W1": W1,
        "b1": b1,
        "W2": W2,
        "b2": b2,
        "eps": eps,
    }


def reference(x, index_u, index_shortest_path_distance, batch, W1, b1, W2, b2, eps):
    # x = scatter(batch.x, dim=0, index=batch.index_u)  (reduce='sum')
    agg = jax.ops.segment_sum(x, index_u, num_segments=N_NODES)
    # gin: x = index_select(batch.x, 0, index_shortest_path_distance) * (1 + eps) + x
    h = jnp.take(x, index_shortest_path_distance, axis=0) * (1.0 + eps) + agg
    # x = relu(bn(pooling(x)))  with bn = Identity, pooling = Linear->ReLU->Linear
    h = jnp.maximum(h @ W1.T + b1, 0.0)
    h = h @ W2.T + b2
    h = jnp.maximum(h, 0.0)
    # task == 'g': x = scatter(index_select(x, 0, index_u), batch, dim=0, reduce='sum')
    g = jnp.take(h, index_u, axis=0)
    out = jax.ops.segment_sum(g, batch, num_segments=N_GRAPHS)
    return out

if __name__ == "__main__":
    import jax
    _d = setup_inputs()
    print(jax.jit(kernel)(*tuple(_d.values())))

</pallas_src>

<mosaic_0001>
#map = affine_map<(d0, d1) -> (0, 0)>
#map1 = affine_map<(d0, d1) -> (0)>
#map2 = affine_map<(d0, d1) -> (0, 0, 0)>
module attributes {stable_mosaic.version = 14 : i64} {
  func.func @_agg_kernel(%arg0: i32, %arg1: i32, %arg2: memref<320000x128xf32, #tpu.memory_space<hbm>>, %arg3: memref<320000xi32, #tpu.memory_space<hbm>>, %arg4: memref<200x128xf32, #tpu.memory_space<hbm>>, %arg5: memref<2x10000x128xf32, #tpu.memory_space<hbm>>, %arg6: memref<128xi32, #tpu.memory_space<vmem>>, %arg7: memref<128xi32, #tpu.memory_space<vmem>>, %arg8: memref<128xi32, #tpu.memory_space<vmem>>, %arg9: memref<128x128xf32, #tpu.memory_space<vmem>>, %arg10: memref<128x128xf32, #tpu.memory_space<vmem>>, %arg11: memref<128x128xf32, #tpu.memory_space<vmem>>, %arg12: memref<10000x128xf32, #tpu.memory_space<vmem_shared>>, %arg13: memref<!tpu.dma_semaphore, #tpu.memory_space<semaphore_mem>>, %arg14: memref<!tpu.dma_semaphore, #tpu.memory_space<semaphore_mem>>, %arg15: memref<!tpu.dma_semaphore, #tpu.memory_space<semaphore_mem>>, %arg16: memref<!tpu.dma_semaphore, #tpu.memory_space<semaphore_mem>>, %arg17: memref<!tpu.dma_semaphore, #tpu.memory_space<semaphore_mem>>, %arg18: memref<!tpu.dma_semaphore, #tpu.memory_space<semaphore_mem>>) attributes {dimension_semantics = [#tpu.dimension_semantics<core_parallel>, #tpu.dimension_semantics<subcore_parallel>], iteration_bounds = array<i64: 2, 16>, scalar_prefetch = 0 : i64, scratch_operands = 13 : i64, tpu.core_type = #tpu.core_type<sc_vector_subcore>, window_params = [{transform_indices = #map}, {transform_indices = #map1}, {transform_indices = #map}, {transform_indices = #map2}]} {
    %mul3A = arith.constant 2 : i32
    %mul3A_0 = arith.muli %arg1, %mul3A : i32
    %add3A = arith.addi %mul3A_0, %arg0 : i32
    %mul3A_1 = arith.constant 128 : i32
    %mul3A_2 = arith.muli %add3A, %mul3A_1 : i32
    %dma_start3A = tpu.memref_slice %arg3[%mul3A_2] : memref<320000xi32, #tpu.memory_space<hbm>> -> memref<128xi32, #tpu.memory_space<hbm>>
    %dma_start3A_3 = tpu.memref_slice %arg3[%mul3A_2] : memref<320000xi32, #tpu.memory_space<hbm>> -> memref<128xi32, #tpu.memory_space<hbm>>
    tpu.enqueue_dma source(%dma_start3A_3 : memref<128xi32, #tpu.memory_space<hbm>>) target(%arg6 : memref<128xi32, #tpu.memory_space<vmem>>) target_semaphore(%arg13 : memref<!tpu.dma_semaphore, #tpu.memory_space<semaphore_mem>>)
    %dma_start3A_4 = arith.constant 0 : i32
    %dma_start3A_5 = tpu.memref_slice %arg2[%mul3A_2, %dma_start3A_4] : memref<320000x128xf32, #tpu.memory_space<hbm>> -> memref<128x128xf32, #tpu.memory_space<hbm>>
    %dma_start3A_6 = arith.constant 0 : i32
    %dma_start3A_7 = tpu.memref_slice %arg2[%mul3A_2, %dma_start3A_6] : memref<320000x128xf32, #tpu.memory_space<hbm>> -> memref<128x128xf32, #tpu.memory_space<hbm>>
    tpu.enqueue_dma source(%dma_start3A_7 : memref<128x128xf32, #tpu.memory_space<hbm>>) target(%arg9 : memref<128x128xf32, #tpu.memory_space<vmem>>) target_semaphore(%arg13 : memref<!tpu.dma_semaphore, #tpu.memory_space<semaphore_mem>>)
    %add3A_8 = arith.constant 32 : i32
    %add3A_9 = arith.addi %add3A, %add3A_8 : i32
    %mul3A_10 = arith.constant 128 : i32
    %mul3A_11 = arith.muli %add3A_9, %mul3A_10 : i32
    %dma_start3A_12 = tpu.memref_slice %arg3[%mul3A_11] : memref<320000xi32, #tpu.memory_space<hbm>> -> memref<128xi32, #tpu.memory_space<hbm>>
    %dma_start3A_13 = tpu.memref_slice %arg3[%mul3A_11] : memref<320000xi32, #tpu.memory_space<hbm>> -> memref<128xi32, #tpu.memory_space<hbm>>
    tpu.enqueue_dma source(%dma_start3A_13 : memref<128xi32, #tpu.memory_space<hbm>>) target(%arg7 : memref<128xi32, #tpu.memory_space<vmem>>) target_semaphore(%arg14 : memref<!tpu.dma_semaphore, #tpu.memory_space<semaphore_mem>>)
    %dma_start3A_14 = arith.constant 0 : i32
    %dma_start3A_15 = tpu.memref_slice %arg2[%mul3A_11, %dma_start3A_14] : memref<320000x128xf32, #tpu.memory_space<hbm>> -> memref<128x128xf32, #tpu.memory_space<hbm>>
    %dma_start3A_16 = arith.constant 0 : i32
    %dma_start3A_17 = tpu.memref_slice %arg2[%mul3A_11, %dma_start3A_16] : memref<320000x128xf32, #tpu.memory_space<hbm>> -> memref<128x128xf32, #tpu.memory_space<hbm>>
    tpu.enqueue_dma source(%dma_start3A_17 : memref<128x128xf32, #tpu.memory_space<hbm>>) target(%arg10 : memref<128x128xf32, #tpu.memory_space<vmem>>) target_semaphore(%arg14 : memref<!tpu.dma_semaphore, #tpu.memory_space<semaphore_mem>>)
    %lt3A = arith.constant 2 : i32
    %lt3A_18 = arith.cmpi slt, %arg1, %lt3A : i32
    %jit3A = arith.constant 1 : i32
    %jit3A_19 = arith.constant 0 : i32
    %select_n3A = arith.select %lt3A_18, %jit3A, %jit3A_19 : i32
    %add3A_20 = arith.constant 3 : i32
    %add3A_21 = arith.addi %add3A_20, %select_n3A : i32
    %while3A = arith.constant 0 : i32
    %while3A_22 = arith.constant 0 : i32
    %while3A_23 = arith.subi %add3A_21, %while3A : i32
    %while3A_24 = arith.addi %while3A, %while3A_23 : i32
    %while3A_25 = arith.constant 1 : i32
    %while3A_26 = arith.divsi %while3A_23, %while3A_25 : i32
    %while3A_27 = arith.muli %while3A_26, %while3A_25 : i32
    %while3A_28 = arith.addi %while3A, %while3A_27 : i32
    %while3A_29 = arith.constant 1 : i32
    %while3A_30 = scf.for %while3A_69 = %while3A to %while3A_28 step %while3A_29 iter_args(%while3A_70 = %while3A_22) -> (i32)  : i32 {
      %mul3A_71 = arith.constant 16 : i32
      %mul3A_72 = arith.muli %while3A_69, %mul3A_71 : i32
      %add3A_73 = arith.addi %arg1, %mul3A_72 : i32
      %mul3A_74 = arith.constant 200 : i32
      %mul3A_75 = arith.muli %add3A_73, %mul3A_74 : i32
      "tpu.region"() ({
        %run_scoped3A = tpu.sem_alloc : memref<!tpu.dma_semaphore, #tpu.memory_space<semaphore_mem>>
        %dma_start3A_77 = arith.constant 0 : i32
        %dma_start3A_78 = tpu.memref_slice %arg12[%mul3A_75, %dma_start3A_77] : memref<10000x128xf32, #tpu.memory_space<vmem_shared>> -> memref<200x128xf32, #tpu.memory_space<vmem_shared>>
        tpu.enqueue_dma source(%arg4 : memref<200x128xf32, #tpu.memory_space<hbm>>) target(%dma_start3A_78 : memref<200x128xf32, #tpu.memory_space<vmem_shared>>) target_semaphore(%run_scoped3A : memref<!tpu.dma_semaphore, #tpu.memory_space<semaphore_mem>>)
        %dma_wait3A_79 = arith.constant 0 : i32
        %dma_wait3A_80 = tpu.memref_slice %arg12[%mul3A_75, %dma_wait3A_79] : memref<10000x128xf32, #tpu.memory_space<vmem_shared>> -> memref<200x128xf32, #tpu.memory_space<vmem_shared>>
        tpu.wait_dma2 semaphore(%run_scoped3A : memref<!tpu.dma_semaphore, #tpu.memory_space<semaphore_mem>>) src(%arg4 : memref<200x128xf32, #tpu.memory_space<hbm>>) dst(%dma_wait3A_80 : memref<200x128xf32, #tpu.memory_space<vmem_shared>>)
        tpu.yield
      }) : () -> ()
      %while3A_76 = arith.constant 0 : i32
      scf.yield %while3A_76 : i32
    }
    %while3A_31 = arith.constant 1 : i32
    %while3A_32 = scf.for %while3A_69 = %while3A_28 to %while3A_24 step %while3A_31 iter_args(%while3A_70 = %while3A_30) -> (i32)  : i32 {
      %mul3A_71 = arith.constant 16 : i32
      %mul3A_72 = arith.muli %while3A_69, %mul3A_71 : i32
      %add3A_73 = arith.addi %arg1, %mul3A_72 : i32
      %mul3A_74 = arith.constant 200 : i32
      %mul3A_75 = arith.muli %add3A_73, %mul3A_74 : i32
      "tpu.region"() ({
        %run_scoped3A = tpu.sem_alloc : memref<!tpu.dma_semaphore, #tpu.memory_space<semaphore_mem>>
        %dma_start3A_77 = arith.constant 0 : i32
        %dma_start3A_78 = tpu.memref_slice %arg12[%mul3A_75, %dma_start3A_77] : memref<10000x128xf32, #tpu.memory_space<vmem_shared>> -> memref<200x128xf32, #tpu.memory_space<vmem_shared>>
        tpu.enqueue_dma source(%arg4 : memref<200x128xf32, #tpu.memory_space<hbm>>) target(%dma_start3A_78 : memref<200x128xf32, #tpu.memory_space<vmem_shared>>) target_semaphore(%run_scoped3A : memref<!tpu.dma_semaphore, #tpu.memory_space<semaphore_mem>>)
        %dma_wait3A_79 = arith.constant 0 : i32
        %dma_wait3A_80 = tpu.memref_slice %arg12[%mul3A_75, %dma_wait3A_79] : memref<10000x128xf32, #tpu.memory_space<vmem_shared>> -> memref<200x128xf32, #tpu.memory_space<vmem_shared>>
        tpu.wait_dma2 semaphore(%run_scoped3A : memref<!tpu.dma_semaphore, #tpu.memory_space<semaphore_mem>>) src(%arg4 : memref<200x128xf32, #tpu.memory_space<hbm>>) dst(%dma_wait3A_80 : memref<200x128xf32, #tpu.memory_space<vmem_shared>>)
        tpu.yield
      }) : () -> ()
      %while3A_76 = arith.constant 0 : i32
      scf.yield %while3A_76 : i32
    }
    %barrier3A = arith.constant 0 : index
    tpu.barrier barrier_id(%barrier3A)
    %scan3A = arith.constant 0 : i32
    %scan3A_33 = arith.constant 0 : i32
    %scan3A_34 = arith.constant 26 : i32
    %scan3A_35 = arith.addi %scan3A_33, %scan3A_34 : i32
    %scan3A_36 = arith.constant 1 : i32
    %scan3A_37 = scf.for %scan3A_69 = %scan3A_33 to %scan3A_35 step %scan3A_36 iter_args(%scan3A_70 = %scan3A) -> (i32)  : i32 {
      %mul3A_71 = arith.constant 3 : i32
      %mul3A_72 = arith.muli %scan3A_69, %mul3A_71 : i32
      %add3A_73 = arith.constant 0 : i32
      %add3A_74 = arith.addi %mul3A_72, %add3A_73 : i32
      %dma_wait3A_75 = arith.constant 0 : i32
      %dma_wait3A_76 = tpu.memref_slice %arg3[%dma_wait3A_75] : memref<320000xi32, #tpu.memory_space<hbm>> -> memref<128xi32, #tpu.memory_space<hbm>>
      %dma_wait3A_77 = arith.constant 0 : i32
      %dma_wait3A_78 = tpu.memref_slice %arg3[%dma_wait3A_77] : memref<320000xi32, #tpu.memory_space<hbm>> -> memref<128xi32, #tpu.memory_space<hbm>>
      tpu.wait_dma2 semaphore(%arg13 : memref<!tpu.dma_semaphore, #tpu.memory_space<semaphore_mem>>) src(%dma_wait3A_78 : memref<128xi32, #tpu.memory_space<hbm>>) dst(%arg6 : memref<128xi32, #tpu.memory_space<vmem>>)
      %dma_wait3A_79 = arith.constant 0 : i32
      %dma_wait3A_80 = arith.constant 0 : i32
      %dma_wait3A_81 = tpu.memref_slice %arg2[%dma_wait3A_79, %dma_wait3A_80] : memref<320000x128xf32, #tpu.memory_space<hbm>> -> memref<128x128xf32, #tpu.memory_space<hbm>>
      %dma_wait3A_82 = arith.constant 0 : i32
      %dma_wait3A_83 = arith.constant 0 : i32
      %dma_wait3A_84 = tpu.memref_slice %arg2[%dma_wait3A_82, %dma_wait3A_83] : memref<320000x128xf32, #tpu.memory_space<hbm>> -> memref<128x128xf32, #tpu.memory_space<hbm>>
      tpu.wait_dma2 semaphore(%arg13 : memref<!tpu.dma_semaphore, #tpu.memory_space<semaphore_mem>>) src(%dma_wait3A_84 : memref<128x128xf32, #tpu.memory_space<hbm>>) dst(%arg9 : memref<128x128xf32, #tpu.memory_space<vmem>>)
      %dma_start3A_85 = arith.constant 0 : i32
      %dma_start3A_86 = arith.constant 0 : i32
      %dma_start3A_87 = tpu.memref_slice %arg12[%dma_start3A_85, %dma_start3A_86] : memref<10000x128xf32, #tpu.memory_space<vmem_shared>> -> memref<10000x128xf32, #tpu.memory_space<vmem_shared>>
      tpu.enqueue_indirect_dma source(%arg9 : memref<128x128xf32, #tpu.memory_space<vmem>>) target(%dma_start3A_87 : memref<10000x128xf32, #tpu.memory_space<vmem_shared>>) offsets(%arg6 : memref<128xi32, #tpu.memory_space<vmem>>) semaphore(%arg16 : memref<!tpu.dma_semaphore, #tpu.memory_space<semaphore_mem>>) {add = true}
      %ge3A = arith.constant 1 : i32
      %ge3A_88 = arith.cmpi sge, %add3A_74, %ge3A : i32
      %convert_element_type3A_89 = arith.extui %ge3A_88 : i1 to i32
      %cond3A_90 = arith.constant 0 : i32
      %cond3A_91 = arith.cmpi ne, %convert_element_type3A_89, %cond3A_90 : i32
      scf.if %cond3A_91 {
        %dma_wait3A_167 = arith.constant 0 : i32
        %dma_wait3A_168 = arith.constant 0 : i32
        %dma_wait3A_169 = tpu.memref_slice %arg12[%dma_wait3A_167, %dma_wait3A_168] : memref<10000x128xf32, #tpu.memory_space<vmem_shared>> -> memref<10000x128xf32, #tpu.memory_space<vmem_shared>>
        tpu.wait_indirect_dma semaphore(%arg18 : memref<!tpu.dma_semaphore, #tpu.memory_space<semaphore_mem>>) src(%arg11 : memref<128x128xf32, #tpu.memory_space<vmem>>) dst(%dma_wait3A_169 : memref<10000x128xf32, #tpu.memory_space<vmem_shared>>)
      } else {
      }
      %add3A_92 = arith.constant 2 : i32
      %add3A_93 = arith.addi %add3A_74, %add3A_92 : i32
      %mul3A_94 = arith.constant 32 : i32
      %mul3A_95 = arith.muli %add3A_93, %mul3A_94 : i32
      %add3A_96 = arith.addi %add3A, %mul3A_95 : i32
      %lt3A_97 = arith.constant 2500 : i32
      %lt3A_98 = arith.cmpi slt, %add3A_96, %lt3A_97 : i32
      %convert_element_type3A_99 = arith.extui %lt3A_98 : i1 to i32
      %cond3A_100 = arith.constant 0 : i32
      %cond3A_101 = arith.cmpi ne, %convert_element_type3A_99, %cond3A_100 : i32
      scf.if %cond3A_101 {
        %mul3A_167 = arith.constant 128 : i32
        %mul3A_168 = arith.muli %add3A_96, %mul3A_167 : i32
        %dma_start3A_169 = tpu.memref_slice %arg3[%mul3A_168] : memref<320000xi32, #tpu.memory_space<hbm>> -> memref<128xi32, #tpu.memory_space<hbm>>
        %dma_start3A_170 = tpu.memref_slice %arg3[%mul3A_168] : memref<320000xi32, #tpu.memory_space<hbm>> -> memref<128xi32, #tpu.memory_space<hbm>>
        tpu.enqueue_dma source(%dma_start3A_170 : memref<128xi32, #tpu.memory_space<hbm>>) target(%arg8 : memref<128xi32, #tpu.memory_space<vmem>>) target_semaphore(%arg15 : memref<!tpu.dma_semaphore, #tpu.memory_space<semaphore_mem>>)
        %dma_start3A_171 = arith.constant 0 : i32
        %dma_start3A_172 = tpu.memref_slice %arg2[%mul3A_168, %dma_start3A_171] : memref<320000x128xf32, #tpu.memory_space<hbm>> -> memref<128x128xf32, #tpu.memory_space<hbm>>
        %dma_start3A_173 = arith.constant 0 : i32
        %dma_start3A_174 = tpu.memref_slice %arg2[%mul3A_168, %dma_start3A_173] : memref<320000x128xf32, #tpu.memory_space<hbm>> -> memref<128x128xf32, #tpu.memory_space<hbm>>
        tpu.enqueue_dma source(%dma_start3A_174 : memref<128x128xf32, #tpu.memory_space<hbm>>) target(%arg11 : memref<128x128xf32, #tpu.memory_space<vmem>>) target_semaphore(%arg15 : memref<!tpu.dma_semaphore, #tpu.memory_space<semaphore_mem>>)
      } else {
      }
      %mul3A_102 = arith.constant 3 : i32
      %mul3A_103 = arith.muli %scan3A_69, %mul3A_102 : i32
      %add3A_104 = arith.constant 1 : i32
      %add3A_105 = arith.addi %mul3A_103, %add3A_104 : i32
      %dma_wait3A_106 = arith.constant 0 : i32
      %dma_wait3A_107 = tpu.memref_slice %arg3[%dma_wait3A_106] : memref<320000xi32, #tpu.memory_space<hbm>> -> memref<128xi32, #tpu.memory_space<hbm>>
      %dma_wait3A_108 = arith.constant 0 : i32
      %dma_wait3A_109 = tpu.memref_slice %arg3[%dma_wait3A_108] : memref<320000xi32, #tpu.memory_space<hbm>> -> memref<128xi32, #tpu.memory_space<hbm>>
      tpu.wait_dma2 semaphore(%arg14 : memref<!tpu.dma_semaphore, #tpu.memory_space<semaphore_mem>>) src(%dma_wait3A_109 : memref<128xi32, #tpu.memory_space<hbm>>) dst(%arg7 : memref<128xi32, #tpu.memory_space<vmem>>)
      %dma_wait3A_110 = arith.constant 0 : i32
      %dma_wait3A_111 = arith.constant 0 : i32
      %dma_wait3A_112 = tpu.memref_slice %arg2[%dma_wait3A_110, %dma_wait3A_111] : memref<320000x128xf32, #tpu.memory_space<hbm>> -> memref<128x128xf32, #tpu.memory_space<hbm>>
      %dma_wait3A_113 = arith.constant 0 : i32
      %dma_wait3A_114 = arith.constant 0 : i32
      %dma_wait3A_115 = tpu.memref_slice %arg2[%dma_wait3A_113, %dma_wait3A_114] : memref<320000x128xf32, #tpu.memory_space<hbm>> -> memref<128x128xf32, #tpu.memory_space<hbm>>
      tpu.wait_dma2 semaphore(%arg14 : memref<!tpu.dma_semaphore, #tpu.memory_space<semaphore_mem>>) src(%dma_wait3A_115 : memref<128x128xf32, #tpu.memory_space<hbm>>) dst(%arg10 : memref<128x128xf32, #tpu.memory_space<vmem>>)
      %dma_start3A_116 = arith.constant 0 : i32
      %dma_start3A_117 = arith.constant 0 : i32
      %dma_start3A_118 = tpu.memref_slice %arg12[%dma_start3A_116, %dma_start3A_117] : memref<10000x128xf32, #tpu.memory_space<vmem_shared>> -> memref<10000x128xf32, #tpu.memory_space<vmem_shared>>
      tpu.enqueue_indirect_dma source(%arg10 : memref<128x128xf32, #tpu.memory_space<vmem>>) target(%dma_start3A_118 : memref<10000x128xf32, #tpu.memory_space<vmem_shared>>) offsets(%arg7 : memref<128xi32, #tpu.memory_space<vmem>>) semaphore(%arg17 : memref<!tpu.dma_semaphore, #tpu.memory_space<semaphore_mem>>) {add = true}
      %ge3A_119 = arith.constant 1 : i32
      %ge3A_120 = arith.cmpi sge, %add3A_105, %ge3A_119 : i32
      %convert_element_type3A_121 = arith.extui %ge3A_120 : i1 to i32
      %cond3A_122 = arith.constant 0 : i32
      %cond3A_123 = arith.cmpi ne, %convert_element_type3A_121, %cond3A_122 : i32
      scf.if %cond3A_123 {
        %dma_wait3A_167 = arith.constant 0 : i32
        %dma_wait3A_168 = arith.constant 0 : i32
        %dma_wait3A_169 = tpu.memref_slice %arg12[%dma_wait3A_167, %dma_wait3A_168] : memref<10000x128xf32, #tpu.memory_space<vmem_shared>> -> memref<10000x128xf32, #tpu.memory_space<vmem_shared>>
        tpu.wait_indirect_dma semaphore(%arg16 : memref<!tpu.dma_semaphore, #tpu.memory_space<semaphore_mem>>) src(%arg9 : memref<128x128xf32, #tpu.memory_space<vmem>>) dst(%dma_wait3A_169 : memref<10000x128xf32, #tpu.memory_space<vmem_shared>>)
      } else {
      }
      %add3A_124 = arith.constant 2 : i32
      %add3A_125 = arith.addi %add3A_105, %add3A_124 : i32
      %mul3A_126 = arith.constant 32 : i32
      %mul3A_127 = arith.muli %add3A_125, %mul3A_126 : i32
      %add3A_128 = arith.addi %add3A, %mul3A_127 : i32
      %lt3A_129 = arith.constant 2500 : i32
      %lt3A_130 = arith.cmpi slt, %add3A_128, %lt3A_129 : i32
      %convert_element_type3A_131 = arith.extui %lt3A_130 : i1 to i32
      %cond3A_132 = arith.constant 0 : i32
      %cond3A_133 = arith.cmpi ne, %convert_element_type3A_131, %cond3A_132 : i32
      scf.if %cond3A_133 {
        %mul3A_167 = arith.constant 128 : i32
        %mul3A_168 = arith.muli %add3A_128, %mul3A_167 : i32
        %dma_start3A_169 = tpu.memref_slice %arg3[%mul3A_168] : memref<320000xi32, #tpu.memory_space<hbm>> -> memref<128xi32, #tpu.memory_space<hbm>>
        %dma_start3A_170 = tpu.memref_slice %arg3[%mul3A_168] : memref<320000xi32, #tpu.memory_space<hbm>> -> memref<128xi32, #tpu.memory_space<hbm>>
        tpu.enqueue_dma source(%dma_start3A_170 : memref<128xi32, #tpu.memory_space<hbm>>) target(%arg6 : memref<128xi32, #tpu.memory_space<vmem>>) target_semaphore(%arg13 : memref<!tpu.dma_semaphore, #tpu.memory_space<semaphore_mem>>)
        %dma_start3A_171 = arith.constant 0 : i32
        %dma_start3A_172 = tpu.memref_slice %arg2[%mul3A_168, %dma_start3A_171] : memref<320000x128xf32, #tpu.memory_space<hbm>> -> memref<128x128xf32, #tpu.memory_space<hbm>>
        %dma_start3A_173 = arith.constant 0 : i32
        %dma_start3A_174 = tpu.memref_slice %arg2[%mul3A_168, %dma_start3A_173] : memref<320000x128xf32, #tpu.memory_space<hbm>> -> memref<128x128xf32, #tpu.memory_space<hbm>>
        tpu.enqueue_dma source(%dma_start3A_174 : memref<128x128xf32, #tpu.memory_space<hbm>>) target(%arg9 : memref<128x128xf32, #tpu.memory_space<vmem>>) target_semaphore(%arg13 : memref<!tpu.dma_semaphore, #tpu.memory_space<semaphore_mem>>)
      } else {
      }
      %mul3A_134 = arith.constant 3 : i32
      %mul3A_135 = arith.muli %scan3A_69, %mul3A_134 : i32
      %add3A_136 = arith.constant 2 : i32
      %add3A_137 = arith.addi %mul3A_135, %add3A_136 : i32
      %dma_wait3A_138 = arith.constant 0 : i32
      %dma_wait3A_139 = tpu.memref_slice %arg3[%dma_wait3A_138] : memref<320000xi32, #tpu.memory_space<hbm>> -> memref<128xi32, #tpu.memory_space<hbm>>
      %dma_wait3A_140 = arith.constant 0 : i32
      %dma_wait3A_141 = tpu.memref_slice %arg3[%dma_wait3A_140] : memref<320000xi32, #tpu.memory_space<hbm>> -> memref<128xi32, #tpu.memory_space<hbm>>
      tpu.wait_dma2 semaphore(%arg15 : memref<!tpu.dma_semaphore, #tpu.memory_space<semaphore_mem>>) src(%dma_wait3A_141 : memref<128xi32, #tpu.memory_space<hbm>>) dst(%arg8 : memref<128xi32, #tpu.memory_space<vmem>>)
      %dma_wait3A_142 = arith.constant 0 : i32
      %dma_wait3A_143 = arith.constant 0 : i32
      %dma_wait3A_144 = tpu.memref_slice %arg2[%dma_wait3A_142, %dma_wait3A_143] : memref<320000x128xf32, #tpu.memory_space<hbm>> -> memref<128x128xf32, #tpu.memory_space<hbm>>
      %dma_wait3A_145 = arith.constant 0 : i32
      %dma_wait3A_146 = arith.constant 0 : i32
      %dma_wait3A_147 = tpu.memref_slice %arg2[%dma_wait3A_145, %dma_wait3A_146] : memref<320000x128xf32, #tpu.memory_space<hbm>> -> memref<128x128xf32, #tpu.memory_space<hbm>>
      tpu.wait_dma2 semaphore(%arg15 : memref<!tpu.dma_semaphore, #tpu.memory_space<semaphore_mem>>) src(%dma_wait3A_147 : memref<128x128xf32, #tpu.memory_space<hbm>>) dst(%arg11 : memref<128x128xf32, #tpu.memory_space<vmem>>)
      %dma_start3A_148 = arith.constant 0 : i32
      %dma_start3A_149 = arith.constant 0 : i32
      %dma_start3A_150 = tpu.memref_slice %arg12[%dma_start3A_148, %dma_start3A_149] : memref<10000x128xf32, #tpu.memory_space<vmem_shared>> -> memref<10000x128xf32, #tpu.memory_space<vmem_shared>>
      tpu.enqueue_indirect_dma source(%arg11 : memref<128x128xf32, #tpu.memory_space<vmem>>) target(%dma_start3A_150 : memref<10000x128xf32, #tpu.memory_space<vmem_shared>>) offsets(%arg8 : memref<128xi32, #tpu.memory_space<vmem>>) semaphore(%arg18 : memref<!tpu.dma_semaphore, #tpu.memory_space<semaphore_mem>>) {add = true}
      %ge3A_151 = arith.constant 1 : i32
      %ge3A_152 = arith.cmpi sge, %add3A_137, %ge3A_151 : i32
      %convert_element_type3A_153 = arith.extui %ge3A_152 : i1 to i32
      %cond3A_154 = arith.constant 0 : i32
      %cond3A_155 = arith.cmpi ne, %convert_element_type3A_153, %cond3A_154 : i32
      scf.if %cond3A_155 {
        %dma_wait3A_167 = arith.constant 0 : i32
        %dma_wait3A_168 = arith.constant 0 : i32
        %dma_wait3A_169 = tpu.memref_slice %arg12[%dma_wait3A_167, %dma_wait3A_168] : memref<10000x128xf32, #tpu.memory_space<vmem_shared>> -> memref<10000x128xf32, #tpu.memory_space<vmem_shared>>
        tpu.wait_indirect_dma semaphore(%arg17 : memref<!tpu.dma_semaphore, #tpu.memory_space<semaphore_mem>>) src(%arg10 : memref<128x128xf32, #tpu.memory_space<vmem>>) dst(%dma_wait3A_169 : memref<10000x128xf32, #tpu.memory_space<vmem_shared>>)
      } else {
      }
      %add3A_156 = arith.constant 2 : i32
      %add3A_157 = arith.addi %add3A_137, %add3A_156 : i32
      %mul3A_158 = arith.constant 32 : i32
      %mul3A_159 = arith.muli %add3A_157, %mul3A_158 : i32
      %add3A_160 = arith.addi %add3A, %mul3A_159 : i32
      %lt3A_161 = arith.constant 2500 : i32
      %lt3A_162 = arith.cmpi slt, %add3A_160, %lt3A_161 : i32
      %convert_element_type3A_163 = arith.extui %lt3A_162 : i1 to i32
      %cond3A_164 = arith.constant 0 : i32
      %cond3A_165 = arith.cmpi ne, %convert_element_type3A_163, %cond3A_164 : i32
      scf.if %cond3A_165 {
        %mul3A_167 = arith.constant 128 : i32
        %mul3A_168 = arith.muli %add3A_160, %mul3A_167 : i32
        %dma_start3A_169 = tpu.memref_slice %arg3[%mul3A_168] : memref<320000xi32, #tpu.memory_space<hbm>> -> memref<128xi32, #tpu.memory_space<hbm>>
        %dma_start3A_170 = tpu.memref_slice %arg3[%mul3A_168] : memref<320000xi32, #tpu.memory_space<hbm>> -> memref<128xi32, #tpu.memory_space<hbm>>
        tpu.enqueue_dma source(%dma_start3A_170 : memref<128xi32, #tpu.memory_space<hbm>>) target(%arg7 : memref<128xi32, #tpu.memory_space<vmem>>) target_semaphore(%arg14 : memref<!tpu.dma_semaphore, #tpu.memory_space<semaphore_mem>>)
        %dma_start3A_171 = arith.constant 0 : i32
        %dma_start3A_172 = tpu.memref_slice %arg2[%mul3A_168, %dma_start3A_171] : memref<320000x128xf32, #tpu.memory_space<hbm>> -> memref<128x128xf32, #tpu.memory_space<hbm>>
        %dma_start3A_173 = arith.constant 0 : i32
        %dma_start3A_174 = tpu.memref_slice %arg2[%mul3A_168, %dma_start3A_173] : memref<320000x128xf32, #tpu.memory_space<hbm>> -> memref<128x128xf32, #tpu.memory_space<hbm>>
        tpu.enqueue_dma source(%dma_start3A_174 : memref<128x128xf32, #tpu.memory_space<hbm>>) target(%arg10 : memref<128x128xf32, #tpu.memory_space<vmem>>) target_semaphore(%arg14 : memref<!tpu.dma_semaphore, #tpu.memory_space<semaphore_mem>>)
      } else {
      }
      %scan3A_166 = arith.constant 0 : i32
      scf.yield %scan3A_166 : i32
    }
    %scan3A_38 = arith.constant 26 : i32
    %dma_wait3A = arith.constant 0 : i32
    %dma_wait3A_39 = arith.constant 0 : i32
    %dma_wait3A_40 = tpu.memref_slice %arg12[%dma_wait3A, %dma_wait3A_39] : memref<10000x128xf32, #tpu.memory_space<vmem_shared>> -> memref<10000x128xf32, #tpu.memory_space<vmem_shared>>
    tpu.wait_indirect_dma semaphore(%arg18 : memref<!tpu.dma_semaphore, #tpu.memory_space<semaphore_mem>>) src(%arg11 : memref<128x128xf32, #tpu.memory_space<vmem>>) dst(%dma_wait3A_40 : memref<10000x128xf32, #tpu.memory_space<vmem_shared>>)
    %lt3A_41 = arith.constant 4 : i32
    %lt3A_42 = arith.cmpi slt, %add3A, %lt3A_41 : i32
    %convert_element_type3A = arith.extui %lt3A_42 : i1 to i32
    %cond3A = arith.constant 0 : i32
    %cond3A_43 = arith.cmpi ne, %convert_element_type3A, %cond3A : i32
    scf.if %cond3A_43 {
      %dma_wait3A_69 = arith.constant 0 : i32
      %dma_wait3A_70 = tpu.memref_slice %arg3[%dma_wait3A_69] : memref<320000xi32, #tpu.memory_space<hbm>> -> memref<128xi32, #tpu.memory_space<hbm>>
      %dma_wait3A_71 = arith.constant 0 : i32
      %dma_wait3A_72 = tpu.memref_slice %arg3[%dma_wait3A_71] : memref<320000xi32, #tpu.memory_space<hbm>> -> memref<128xi32, #tpu.memory_space<hbm>>
      tpu.wait_dma2 semaphore(%arg13 : memref<!tpu.dma_semaphore, #tpu.memory_space<semaphore_mem>>) src(%dma_wait3A_72 : memref<128xi32, #tpu.memory_space<hbm>>) dst(%arg6 : memref<128xi32, #tpu.memory_space<vmem>>)
      %dma_wait3A_73 = arith.constant 0 : i32
      %dma_wait3A_74 = arith.constant 0 : i32
      %dma_wait3A_75 = tpu.memref_slice %arg2[%dma_wait3A_73, %dma_wait3A_74] : memref<320000x128xf32, #tpu.memory_space<hbm>> -> memref<128x128xf32, #tpu.memory_space<hbm>>
      %dma_wait3A_76 = arith.constant 0 : i32
      %dma_wait3A_77 = arith.constant 0 : i32
      %dma_wait3A_78 = tpu.memref_slice %arg2[%dma_wait3A_76, %dma_wait3A_77] : memref<320000x128xf32, #tpu.memory_space<hbm>> -> memref<128x128xf32, #tpu.memory_space<hbm>>
      tpu.wait_dma2 semaphore(%arg13 : memref<!tpu.dma_semaphore, #tpu.memory_space<semaphore_mem>>) src(%dma_wait3A_78 : memref<128x128xf32, #tpu.memory_space<hbm>>) dst(%arg9 : memref<128x128xf32, #tpu.memory_space<vmem>>)
      %dma_start3A_79 = arith.constant 0 : i32
      %dma_start3A_80 = arith.constant 0 : i32
      %dma_start3A_81 = tpu.memref_slice %arg12[%dma_start3A_79, %dma_start3A_80] : memref<10000x128xf32, #tpu.memory_space<vmem_shared>> -> memref<10000x128xf32, #tpu.memory_space<vmem_shared>>
      tpu.enqueue_indirect_dma source(%arg9 : memref<128x128xf32, #tpu.memory_space<vmem>>) target(%dma_start3A_81 : memref<10000x128xf32, #tpu.memory_space<vmem_shared>>) offsets(%arg6 : memref<128xi32, #tpu.memory_space<vmem>>) semaphore(%arg16 : memref<!tpu.dma_semaphore, #tpu.memory_space<semaphore_mem>>) {add = true}
      %dma_wait3A_82 = arith.constant 0 : i32
      %dma_wait3A_83 = arith.constant 0 : i32
      %dma_wait3A_84 = tpu.memref_slice %arg12[%dma_wait3A_82, %dma_wait3A_83] : memref<10000x128xf32, #tpu.memory_space<vmem_shared>> -> memref<10000x128xf32, #tpu.memory_space<vmem_shared>>
      tpu.wait_indirect_dma semaphore(%arg16 : memref<!tpu.dma_semaphore, #tpu.memory_space<semaphore_mem>>) src(%arg9 : memref<128x128xf32, #tpu.memory_space<vmem>>) dst(%dma_wait3A_84 : memref<10000x128xf32, #tpu.memory_space<vmem_shared>>)
    } else {
    }
    %barrier3A_44 = arith.constant 0 : index
    tpu.barrier barrier_id(%barrier3A_44)
    %while3A_45 = arith.constant 0 : i32
    %while3A_46 = arith.constant 0 : i32
    %while3A_47 = arith.subi %add3A_21, %while3A_45 : i32
    %while3A_48 = arith.addi %while3A_45, %while3A_47 : i32
    %while3A_49 = arith.constant 1 : i32
    %while3A_50 = arith.divsi %while3A_47, %while3A_49 : i32
    %while3A_51 = arith.muli %while3A_50, %while3A_49 : i32
    %while3A_52 = arith.addi %while3A_45, %while3A_51 : i32
    %while3A_53 = arith.constant 1 : i32
    %while3A_54 = scf.for %while3A_69 = %while3A_45 to %while3A_52 step %while3A_53 iter_args(%while3A_70 = %while3A_46) -> (i32)  : i32 {
      %mul3A_71 = arith.constant 16 : i32
      %mul3A_72 = arith.muli %while3A_69, %mul3A_71 : i32
      %add3A_73 = arith.addi %arg1, %mul3A_72 : i32
      %mul3A_74 = arith.constant 200 : i32
      %mul3A_75 = arith.muli %add3A_73, %mul3A_74 : i32
      %dma_start3A_76 = arith.constant 0 : i32
      %dma_start3A_77 = tpu.memref_slice %arg5[%arg0, %mul3A_75, %dma_start3A_76] : memref<2x10000x128xf32, #tpu.memory_space<hbm>> -> memref<1x200x128xf32, #tpu.memory_space<hbm>>
      %dma_start3A_78 = tpu.memref_squeeze %dma_start3A_77 : memref<1x200x128xf32, #tpu.memory_space<hbm>> -> memref<200x128xf32, #tpu.memory_space<hbm>>
      %dma_start3A_79 = arith.constant 0 : i32
      %dma_start3A_80 = tpu.memref_slice %arg12[%mul3A_75, %dma_start3A_79] : memref<10000x128xf32, #tpu.memory_space<vmem_shared>> -> memref<200x128xf32, #tpu.memory_space<vmem_shared>>
      tpu.enqueue_dma source(%dma_start3A_80 : memref<200x128xf32, #tpu.memory_space<vmem_shared>>) target(%dma_start3A_78 : memref<200x128xf32, #tpu.memory_space<hbm>>) target_semaphore(%arg13 : memref<!tpu.dma_semaphore, #tpu.memory_space<semaphore_mem>>)
      %while3A_81 = arith.constant 0 : i32
      scf.yield %while3A_81 : i32
    }
    %while3A_55 = arith.constant 1 : i32
    %while3A_56 = scf.for %while3A_69 = %while3A_52 to %while3A_48 step %while3A_55 iter_args(%while3A_70 = %while3A_54) -> (i32)  : i32 {
      %mul3A_71 = arith.constant 16 : i32
      %mul3A_72 = arith.muli %while3A_69, %mul3A_71 : i32
      %add3A_73 = arith.addi %arg1, %mul3A_72 : i32
      %mul3A_74 = arith.constant 200 : i32
      %mul3A_75 = arith.muli %add3A_73, %mul3A_74 : i32
      %dma_start3A_76 = arith.constant 0 : i32
      %dma_start3A_77 = tpu.memref_slice %arg5[%arg0, %mul3A_75, %dma_start3A_76] : memref<2x10000x128xf32, #tpu.memory_space<hbm>> -> memref<1x200x128xf32, #tpu.memory_space<hbm>>
      %dma_start3A_78 = tpu.memref_squeeze %dma_start3A_77 : memref<1x200x128xf32, #tpu.memory_space<hbm>> -> memref<200x128xf32, #tpu.memory_space<hbm>>
      %dma_start3A_79 = arith.constant 0 : i32
      %dma_start3A_80 = tpu.memref_slice %arg12[%mul3A_75, %dma_start3A_79] : memref<10000x128xf32, #tpu.memory_space<vmem_shared>> -> memref<200x128xf32, #tpu.memory_space<vmem_shared>>
      tpu.enqueue_dma source(%dma_start3A_80 : memref<200x128xf32, #tpu.memory_space<vmem_shared>>) target(%dma_start3A_78 : memref<200x128xf32, #tpu.memory_space<hbm>>) target_semaphore(%arg13 : memref<!tpu.dma_semaphore, #tpu.memory_space<semaphore_mem>>)
      %while3A_81 = arith.constant 0 : i32
      scf.yield %while3A_81 : i32
    }
    %while3A_57 = arith.constant 0 : i32
    %while3A_58 = arith.constant 0 : i32
    %while3A_59 = arith.subi %add3A_21, %while3A_57 : i32
    %while3A_60 = arith.addi %while3A_57, %while3A_59 : i32
    %while3A_61 = arith.constant 1 : i32
    %while3A_62 = arith.divsi %while3A_59, %while3A_61 : i32
    %while3A_63 = arith.muli %while3A_62, %while3A_61 : i32
    %while3A_64 = arith.addi %while3A_57, %while3A_63 : i32
    %while3A_65 = arith.constant 1 : i32
    %while3A_66 = scf.for %while3A_69 = %while3A_57 to %while3A_64 step %while3A_65 iter_args(%while3A_70 = %while3A_58) -> (i32)  : i32 {
      %mul3A_71 = arith.constant 16 : i32
      %mul3A_72 = arith.muli %while3A_69, %mul3A_71 : i32
      %add3A_73 = arith.addi %arg1, %mul3A_72 : i32
      %mul3A_74 = arith.constant 200 : i32
      %mul3A_75 = arith.muli %add3A_73, %mul3A_74 : i32
      %dma_wait3A_76 = arith.constant 0 : i32
      %dma_wait3A_77 = tpu.memref_slice %arg5[%arg0, %mul3A_75, %dma_wait3A_76] : memref<2x10000x128xf32, #tpu.memory_space<hbm>> -> memref<1x200x128xf32, #tpu.memory_space<hbm>>
      %dma_wait3A_78 = tpu.memref_squeeze %dma_wait3A_77 : memref<1x200x128xf32, #tpu.memory_space<hbm>> -> memref<200x128xf32, #tpu.memory_space<hbm>>
      %dma_wait3A_79 = arith.constant 0 : i32
      %dma_wait3A_80 = tpu.memref_slice %arg12[%mul3A_75, %dma_wait3A_79] : memref<10000x128xf32, #tpu.memory_space<vmem_shared>> -> memref<200x128xf32, #tpu.memory_space<vmem_shared>>
      tpu.wait_dma2 semaphore(%arg13 : memref<!tpu.dma_semaphore, #tpu.memory_space<semaphore_mem>>) src(%dma_wait3A_80 : memref<200x128xf32, #tpu.memory_space<vmem_shared>>) dst(%dma_wait3A_78 : memref<200x128xf32, #tpu.memory_space<hbm>>)
      %while3A_81 = arith.constant 0 : i32
      scf.yield %while3A_81 : i32
    }
    %while3A_67 = arith.constant 1 : i32
    %while3A_68 = scf.for %while3A_69 = %while3A_64 to %while3A_60 step %while3A_67 iter_args(%while3A_70 = %while3A_66) -> (i32)  : i32 {
      %mul3A_71 = arith.constant 16 : i32
      %mul3A_72 = arith.muli %while3A_69, %mul3A_71 : i32
      %add3A_73 = arith.addi %arg1, %mul3A_72 : i32
      %mul3A_74 = arith.constant 200 : i32
      %mul3A_75 = arith.muli %add3A_73, %mul3A_74 : i32
      %dma_wait3A_76 = arith.constant 0 : i32
      %dma_wait3A_77 = tpu.memref_slice %arg5[%arg0, %mul3A_75, %dma_wait3A_76] : memref<2x10000x128xf32, #tpu.memory_space<hbm>> -> memref<1x200x128xf32, #tpu.memory_space<hbm>>
      %dma_wait3A_78 = tpu.memref_squeeze %dma_wait3A_77 : memref<1x200x128xf32, #tpu.memory_space<hbm>> -> memref<200x128xf32, #tpu.memory_space<hbm>>
      %dma_wait3A_79 = arith.constant 0 : i32
      %dma_wait3A_80 = tpu.memref_slice %arg12[%mul3A_75, %dma_wait3A_79] : memref<10000x128xf32, #tpu.memory_space<vmem_shared>> -> memref<200x128xf32, #tpu.memory_space<vmem_shared>>
      tpu.wait_dma2 semaphore(%arg13 : memref<!tpu.dma_semaphore, #tpu.memory_space<semaphore_mem>>) src(%dma_wait3A_80 : memref<200x128xf32, #tpu.memory_space<vmem_shared>>) dst(%dma_wait3A_78 : memref<200x128xf32, #tpu.memory_space<hbm>>)
      %while3A_81 = arith.constant 0 : i32
      scf.yield %while3A_81 : i32
    }
    return
  }
}

#map = affine_map<(d0, d1) -> (0, 0)>
#map1 = affine_map<(d0, d1) -> (0)>
module attributes {stable_mosaic.version = 14 : i64} {
  func.func @_hist_kernel(%arg0: i32, %arg1: i32, %arg2: memref<320000x128xf32, #tpu.memory_space<hbm>>, %arg3: memref<320000xi32, #tpu.memory_space<hbm>>, %arg4: memref<320000xi32, #tpu.memory_space<hbm>>, %arg5: memref<10000xi32, #tpu.memory_space<hbm>>, %arg6: memref<12800xf32, #tpu.memory_space<hbm>>, %arg7: memref<640000xf32, #tpu.memory_space<hbm>>, %arg8: memref<640000xf32, #tpu.memory_space<hbm>>, %arg9: memref<10000x128xf32, #tpu.memory_space<hbm>>, %arg10: memref<512xi32, #tpu.memory_space<vmem>>, %arg11: memref<512xi32, #tpu.memory_space<vmem>>, %arg12: memref<512xi32, #tpu.memory_space<vmem>>, %arg13: memref<512xi32, #tpu.memory_space<vmem>>, %arg14: memref<128xi32, #tpu.memory_space<vmem>>, %arg15: memref<128xi32, #tpu.memory_space<vmem>>, %arg16: memref<128xi32, #tpu.memory_space<vmem>>, %arg17: memref<128xi32, #tpu.memory_space<vmem>>, %arg18: memref<128xi32, #tpu.memory_space<vmem>>, %arg19: memref<128xi32, #tpu.memory_space<vmem>>, %arg20: memref<128xi32, #tpu.memory_space<vmem>>, %arg21: memref<128xi32, #tpu.memory_space<vmem>>, %arg22: memref<128xf32, #tpu.memory_space<vmem>>, %arg23: memref<80xi32, #tpu.memory_space<vmem>>, %arg24: memref<80xi32, #tpu.memory_space<vmem>>, %arg25: memref<80xi32, #tpu.memory_space<vmem>>, %arg26: memref<80xi32, #tpu.memory_space<vmem>>, %arg27: memref<80x128xf32, #tpu.memory_space<vmem>>, %arg28: memref<80x128xf32, #tpu.memory_space<vmem>>, %arg29: memref<80x128xf32, #tpu.memory_space<vmem>>, %arg30: memref<80x128xf32, #tpu.memory_space<vmem>>, %arg31: memref<640000xf32, #tpu.memory_space<vmem_shared>>, %arg32: memref<!tpu.dma_semaphore, #tpu.memory_space<semaphore_mem>>, %arg33: memref<!tpu.dma_semaphore, #tpu.memory_space<semaphore_mem>>, %arg34: memref<!tpu.dma_semaphore, #tpu.memory_space<semaphore_mem>>, %arg35: memref<!tpu.dma_semaphore, #tpu.memory_space<semaphore_mem>>, %arg36: memref<!tpu.dma_semaphore, #tpu.memory_space<semaphore_mem>>, %arg37: memref<!tpu.dma_semaphore, #tpu.memory_space<semaphore_mem>>, %arg38: memref<!tpu.dma_semaphore, #tpu.memory_space<semaphore_mem>>) attributes {dimension_semantics = [#tpu.dimension_semantics<core_parallel>, #tpu.dimension_semantics<subcore_parallel>], iteration_bounds = array<i64: 2, 16>, scalar_prefetch = 0 : i64, scratch_operands = 29 : i64, tpu.core_type = #tpu.core_type<sc_vector_subcore>, window_params = [{transform_indices = #map}, {transform_indices = #map1}, {transform_indices = #map1}, {transform_indices = #map1}, {transform_indices = #map1}, {transform_indices = #map1}, {transform_indices = #map1}, {transform_indices = #map}]} {
    %mul3A = arith.constant 2 : i32
    %mul3A_0 = arith.muli %arg1, %mul3A : i32
    %add3A = arith.addi %mul3A_0, %arg0 : i32
    %lt3A = arith.constant 17 : i32
    %lt3A_1 = arith.cmpi slt, %add3A, %lt3A : i32
    %jit3A = arith.constant 1 : i32
    %jit3A_2 = arith.constant 0 : i32
    %select_n3A = arith.select %lt3A_1, %jit3A, %jit3A_2 : i32
    %add3A_3 = arith.constant 19 : i32
    %add3A_4 = arith.addi %add3A_3, %select_n3A : i32
    %lt3A_5 = arith.constant 29 : i32
    %lt3A_6 = arith.cmpi slt, %add3A, %lt3A_5 : i32
    %jit3A_7 = arith.constant 1 : i32
    %jit3A_8 = arith.constant 0 : i32
    %select_n3A_9 = arith.select %lt3A_6, %jit3A_7, %jit3A_8 : i32
    %add3A_10 = arith.constant 3 : i32
    %add3A_11 = arith.addi %add3A_10, %select_n3A_9 : i32
    %mul3A_12 = arith.constant 512 : i32
    %mul3A_13 = arith.muli %add3A, %mul3A_12 : i32
    %dma_start3A = tpu.memref_slice %arg3[%mul3A_13] : memref<320000xi32, #tpu.memory_space<hbm>> -> memref<512xi32, #tpu.memory_space<hbm>>
    %dma_start3A_14 = tpu.memref_slice %arg3[%mul3A_13] : memref<320000xi32, #tpu.memory_space<hbm>> -> memref<512xi32, #tpu.memory_space<hbm>>
    tpu.enqueue_dma source(%dma_start3A_14 : memref<512xi32, #tpu.memory_space<hbm>>) target(%arg10 : memref<512xi32, #tpu.memory_space<vmem>>) target_semaphore(%arg32 : memref<!tpu.dma_semaphore, #tpu.memory_space<semaphore_mem>>)
    %dma_start3A_15 = tpu.memref_slice %arg4[%mul3A_13] : memref<320000xi32, #tpu.memory_space<hbm>> -> memref<512xi32, #tpu.memory_space<hbm>>
    %dma_start3A_16 = tpu.memref_slice %arg4[%mul3A_13] : memref<320000xi32, #tpu.memory_space<hbm>> -> memref<512xi32, #tpu.memory_space<hbm>>
    tpu.enqueue_dma source(%dma_start3A_16 : memref<512xi32, #tpu.memory_space<hbm>>) target(%arg12 : memref<512xi32, #tpu.memory_space<vmem>>) target_semaphore(%arg32 : memref<!tpu.dma_semaphore, #tpu.memory_space<semaphore_mem>>)
    %add3A_17 = arith.constant 32 : i32
    %add3A_18 = arith.addi %add3A_17, %add3A : i32
    %lt3A_19 = arith.constant 625 : i32
    %lt3A_20 = arith.cmpi slt, %add3A_18, %lt3A_19 : i32
    %convert_element_type3A = arith.extui %lt3A_20 : i1 to i32
    %cond3A = arith.constant 0 : i32
    %cond3A_21 = arith.cmpi ne, %convert_element_type3A, %cond3A : i32
    scf.if %cond3A_21 {
      %add3A_196 = arith.constant 32 : i32
      %add3A_197 = arith.addi %add3A, %add3A_196 : i32
      %mul3A_198 = arith.constant 512 : i32
      %mul3A_199 = arith.muli %add3A_197, %mul3A_198 : i32
      %dma_start3A_200 = tpu.memref_slice %arg3[%mul3A_199] : memref<320000xi32, #tpu.memory_space<hbm>> -> memref<512xi32, #tpu.memory_space<hbm>>
      %dma_start3A_201 = tpu.memref_slice %arg3[%mul3A_199] : memref<320000xi32, #tpu.memory_space<hbm>> -> memref<512xi32, #tpu.memory_space<hbm>>
      tpu.enqueue_dma source(%dma_start3A_201 : memref<512xi32, #tpu.memory_space<hbm>>) target(%arg11 : memref<512xi32, #tpu.memory_space<vmem>>) target_semaphore(%arg33 : memref<!tpu.dma_semaphore, #tpu.memory_space<semaphore_mem>>)
      %dma_start3A_202 = tpu.memref_slice %arg4[%mul3A_199] : memref<320000xi32, #tpu.memory_space<hbm>> -> memref<512xi32, #tpu.memory_space<hbm>>
      %dma_start3A_203 = tpu.memref_slice %arg4[%mul3A_199] : memref<320000xi32, #tpu.memory_space<hbm>> -> memref<512xi32, #tpu.memory_space<hbm>>
      tpu.enqueue_dma source(%dma_start3A_203 : memref<512xi32, #tpu.memory_space<hbm>>) target(%arg13 : memref<512xi32, #tpu.memory_space<vmem>>) target_semaphore(%arg33 : memref<!tpu.dma_semaphore, #tpu.memory_space<semaphore_mem>>)
    } else {
    }
    %gt3A = arith.constant 0 : i32
    %gt3A_22 = arith.cmpi sgt, %add3A_11, %gt3A : i32
    %convert_element_type3A_23 = arith.extui %gt3A_22 : i1 to i32
    %cond3A_24 = arith.constant 0 : i32
    %cond3A_25 = arith.cmpi ne, %convert_element_type3A_23, %cond3A_24 : i32
    scf.if %cond3A_25 {
      %add3A_196 = arith.constant 0 : i32
      %add3A_197 = arith.addi %add3A, %add3A_196 : i32
      %mul3A_198 = arith.constant 80 : i32
      %mul3A_199 = arith.muli %add3A_197, %mul3A_198 : i32
      %dma_start3A_200 = tpu.memref_slice %arg5[%mul3A_199] : memref<10000xi32, #tpu.memory_space<hbm>> -> memref<80xi32, #tpu.memory_space<hbm>>
      %dma_start3A_201 = tpu.memref_slice %arg5[%mul3A_199] : memref<10000xi32, #tpu.memory_space<hbm>> -> memref<80xi32, #tpu.memory_space<hbm>>
      tpu.enqueue_dma source(%dma_start3A_201 : memref<80xi32, #tpu.memory_space<hbm>>) target(%arg23 : memref<80xi32, #tpu.memory_space<vmem>>) target_semaphore(%arg36 : memref<!tpu.dma_semaphore, #tpu.memory_space<semaphore_mem>>)
    } else {
    }
    %gt3A_26 = arith.constant 1 : i32
    %gt3A_27 = arith.cmpi sgt, %add3A_11, %gt3A_26 : i32
    %convert_element_type3A_28 = arith.extui %gt3A_27 : i1 to i32
    %cond3A_29 = arith.constant 0 : i32
    %cond3A_30 = arith.cmpi ne, %convert_element_type3A_28, %cond3A_29 : i32
    scf.if %cond3A_30 {
      %add3A_196 = arith.constant 32 : i32
      %add3A_197 = arith.addi %add3A, %add3A_196 : i32
      %mul3A_198 = arith.constant 80 : i32
      %mul3A_199 = arith.muli %add3A_197, %mul3A_198 : i32
      %dma_start3A_200 = tpu.memref_slice %arg5[%mul3A_199] : memref<10000xi32, #tpu.memory_space<hbm>> -> memref<80xi32, #tpu.memory_space<hbm>>
      %dma_start3A_201 = tpu.memref_slice %arg5[%mul3A_199] : memref<10000xi32, #tpu.memory_space<hbm>> -> memref<80xi32, #tpu.memory_space<hbm>>
      tpu.enqueue_dma source(%dma_start3A_201 : memref<80xi32, #tpu.memory_space<hbm>>) target(%arg24 : memref<80xi32, #tpu.memory_space<vmem>>) target_semaphore(%arg36 : memref<!tpu.dma_semaphore, #tpu.memory_space<semaphore_mem>>)
    } else {
    }
    %gt3A_31 = arith.constant 2 : i32
    %gt3A_32 = arith.cmpi sgt, %add3A_11, %gt3A_31 : i32
    %convert_element_type3A_33 = arith.extui %gt3A_32 : i1 to i32
    %cond3A_34 = arith.constant 0 : i32
    %cond3A_35 = arith.cmpi ne, %convert_element_type3A_33, %cond3A_34 : i32
    scf.if %cond3A_35 {
      %add3A_196 = arith.constant 64 : i32
      %add3A_197 = arith.addi %add3A, %add3A_196 : i32
      %mul3A_198 = arith.constant 80 : i32
      %mul3A_199 = arith.muli %add3A_197, %mul3A_198 : i32
      %dma_start3A_200 = tpu.memref_slice %arg5[%mul3A_199] : memref<10000xi32, #tpu.memory_space<hbm>> -> memref<80xi32, #tpu.memory_space<hbm>>
      %dma_start3A_201 = tpu.memref_slice %arg5[%mul3A_199] : memref<10000xi32, #tpu.memory_space<hbm>> -> memref<80xi32, #tpu.memory_space<hbm>>
      tpu.enqueue_dma source(%dma_start3A_201 : memref<80xi32, #tpu.memory_space<hbm>>) target(%arg25 : memref<80xi32, #tpu.memory_space<vmem>>) target_semaphore(%arg36 : memref<!tpu.dma_semaphore, #tpu.memory_space<semaphore_mem>>)
    } else {
    }
    %gt3A_36 = arith.constant 3 : i32
    %gt3A_37 = arith.cmpi sgt, %add3A_11, %gt3A_36 : i32
    %convert_element_type3A_38 = arith.extui %gt3A_37 : i1 to i32
    %cond3A_39 = arith.constant 0 : i32
    %cond3A_40 = arith.cmpi ne, %convert_element_type3A_38, %cond3A_39 : i32
    scf.if %cond3A_40 {
      %add3A_196 = arith.constant 96 : i32
      %add3A_197 = arith.addi %add3A, %add3A_196 : i32
      %mul3A_198 = arith.constant 80 : i32
      %mul3A_199 = arith.muli %add3A_197, %mul3A_198 : i32
      %dma_start3A_200 = tpu.memref_slice %arg5[%mul3A_199] : memref<10000xi32, #tpu.memory_space<hbm>> -> memref<80xi32, #tpu.memory_space<hbm>>
      %dma_start3A_201 = tpu.memref_slice %arg5[%mul3A_199] : memref<10000xi32, #tpu.memory_space<hbm>> -> memref<80xi32, #tpu.memory_space<hbm>>
      tpu.enqueue_dma source(%dma_start3A_201 : memref<80xi32, #tpu.memory_space<hbm>>) target(%arg26 : memref<80xi32, #tpu.memory_space<vmem>>) target_semaphore(%arg36 : memref<!tpu.dma_semaphore, #tpu.memory_space<semaphore_mem>>)
    } else {
    }
    %lt3A_41 = arith.constant 2 : i32
    %lt3A_42 = arith.cmpi slt, %arg1, %lt3A_41 : i32
    %jit3A_43 = arith.constant 1 : i32
    %jit3A_44 = arith.constant 0 : i32
    %select_n3A_45 = arith.select %lt3A_42, %jit3A_43, %jit3A_44 : i32
    %add3A_46 = arith.constant 3 : i32
    %add3A_47 = arith.addi %add3A_46, %select_n3A_45 : i32
    %while3A = arith.constant 0 : i32
    %while3A_48 = arith.constant 0 : i32
    %while3A_49 = arith.subi %add3A_47, %while3A : i32
    %while3A_50 = arith.addi %while3A, %while3A_49 : i32
    %while3A_51 = arith.constant 1 : i32
    %while3A_52 = arith.divsi %while3A_49, %while3A_51 : i32
    %while3A_53 = arith.muli %while3A_52, %while3A_51 : i32
    %while3A_54 = arith.addi %while3A, %while3A_53 : i32
    %while3A_55 = arith.constant 1 : i32
    %while3A_56 = scf.for %while3A_196 = %while3A to %while3A_54 step %while3A_55 iter_args(%while3A_197 = %while3A_48) -> (i32)  : i32 {
      %mul3A_198 = arith.constant 16 : i32
      %mul3A_199 = arith.muli %while3A_196, %mul3A_198 : i32
      %add3A_200 = arith.addi %arg1, %mul3A_199 : i32
      %mul3A_201 = arith.constant 12800 : i32
      %mul3A_202 = arith.muli %add3A_200, %mul3A_201 : i32
      "tpu.region"() ({
        %run_scoped3A = tpu.sem_alloc : memref<!tpu.dma_semaphore, #tpu.memory_space<semaphore_mem>>
        %dma_start3A_204 = tpu.memref_slice %arg31[%mul3A_202] : memref<640000xf32, #tpu.memory_space<vmem_shared>> -> memref<12800xf32, #tpu.memory_space<vmem_shared>>
        tpu.enqueue_dma source(%arg6 : memref<12800xf32, #tpu.memory_space<hbm>>) target(%dma_start3A_204 : memref<12800xf32, #tpu.memory_space<vmem_shared>>) target_semaphore(%run_scoped3A : memref<!tpu.dma_semaphore, #tpu.memory_space<semaphore_mem>>)
        %dma_wait3A_205 = tpu.memref_slice %arg31[%mul3A_202] : memref<640000xf32, #tpu.memory_space<vmem_shared>> -> memref<12800xf32, #tpu.memory_space<vmem_shared>>
        tpu.wait_dma2 semaphore(%run_scoped3A : memref<!tpu.dma_semaphore, #tpu.memory_space<semaphore_mem>>) src(%arg6 : memref<12800xf32, #tpu.memory_space<hbm>>) dst(%dma_wait3A_205 : memref<12800xf32, #tpu.memory_space<vmem_shared>>)
        tpu.yield
      }) : () -> ()
      %while3A_203 = arith.constant 0 : i32
      scf.yield %while3A_203 : i32
    }
    %while3A_57 = arith.constant 1 : i32
    %while3A_58 = scf.for %while3A_196 = %while3A_54 to %while3A_50 step %while3A_57 iter_args(%while3A_197 = %while3A_56) -> (i32)  : i32 {
      %mul3A_198 = arith.constant 16 : i32
      %mul3A_199 = arith.muli %while3A_196, %mul3A_198 : i32
      %add3A_200 = arith.addi %arg1, %mul3A_199 : i32
      %mul3A_201 = arith.constant 12800 : i32
      %mul3A_202 = arith.muli %add3A_200, %mul3A_201 : i32
      "tpu.region"() ({
        %run_scoped3A = tpu.sem_alloc : memref<!tpu.dma_semaphore, #tpu.memory_space<semaphore_mem>>
        %dma_start3A_204 = tpu.memref_slice %arg31[%mul3A_202] : memref<640000xf32, #tpu.memory_space<vmem_shared>> -> memref<12800xf32, #tpu.memory_space<vmem_shared>>
        tpu.enqueue_dma source(%arg6 : memref<12800xf32, #tpu.memory_space<hbm>>) target(%dma_start3A_204 : memref<12800xf32, #tpu.memory_space<vmem_shared>>) target_semaphore(%run_scoped3A : memref<!tpu.dma_semaphore, #tpu.memory_space<semaphore_mem>>)
        %dma_wait3A_205 = tpu.memref_slice %arg31[%mul3A_202] : memref<640000xf32, #tpu.memory_space<vmem_shared>> -> memref<12800xf32, #tpu.memory_space<vmem_shared>>
        tpu.wait_dma2 semaphore(%run_scoped3A : memref<!tpu.dma_semaphore, #tpu.memory_space<semaphore_mem>>) src(%arg6 : memref<12800xf32, #tpu.memory_space<hbm>>) dst(%dma_wait3A_205 : memref<12800xf32, #tpu.memory_space<vmem_shared>>)
        tpu.yield
      }) : () -> ()
      %while3A_203 = arith.constant 0 : i32
      scf.yield %while3A_203 : i32
    }
    %broadcast_in_dim3A = arith.constant 1.000000e+00 : f32
    %broadcast_in_dim3A_59 = vector.broadcast %broadcast_in_dim3A : f32 to vector<16xf32>
    %swap3A = arith.constant 0 : index
    %swap3A_60 = tpu.vector_load %arg22[%swap3A] {strides = array<i32>} : memref<128xf32, #tpu.memory_space<vmem>>, vector<16xf32>,
    %swap3A_61 = vector.shape_cast %swap3A_60 : vector<16xf32> to vector<16xf32>
    %swap3A_62 = vector.shape_cast %broadcast_in_dim3A_59 : vector<16xf32> to vector<16xf32>
    tpu.vector_store %arg22[%swap3A], %swap3A_62 {strides = array<i32>} : memref<128xf32, #tpu.memory_space<vmem>>, vector<16xf32>,
    %broadcast_in_dim3A_63 = arith.constant 1.000000e+00 : f32
    %broadcast_in_dim3A_64 = vector.broadcast %broadcast_in_dim3A_63 : f32 to vector<16xf32>
    %swap3A_65 = arith.constant 16 : index
    %swap3A_66 = tpu.vector_load %arg22[%swap3A_65] {strides = array<i32>} : memref<128xf32, #tpu.memory_space<vmem>>, vector<16xf32>,
    %swap3A_67 = vector.shape_cast %swap3A_66 : vector<16xf32> to vector<16xf32>
    %swap3A_68 = vector.shape_cast %broadcast_in_dim3A_64 : vector<16xf32> to vector<16xf32>
    tpu.vector_store %arg22[%swap3A_65], %swap3A_68 {strides = array<i32>} : memref<128xf32, #tpu.memory_space<vmem>>, vector<16xf32>,
    %broadcast_in_dim3A_69 = arith.constant 1.000000e+00 : f32
    %broadcast_in_dim3A_70 = vector.broadcast %broadcast_in_dim3A_69 : f32 to vector<16xf32>
    %swap3A_71 = arith.constant 32 : index
    %swap3A_72 = tpu.vector_load %arg22[%swap3A_71] {strides = array<i32>} : memref<128xf32, #tpu.memory_space<vmem>>, vector<16xf32>,
    %swap3A_73 = vector.shape_cast %swap3A_72 : vector<16xf32> to vector<16xf32>
    %swap3A_74 = vector.shape_cast %broadcast_in_dim3A_70 : vector<16xf32> to vector<16xf32>
    tpu.vector_store %arg22[%swap3A_71], %swap3A_74 {strides = array<i32>} : memref<128xf32, #tpu.memory_space<vmem>>, vector<16xf32>,
    %broadcast_in_dim3A_75 = arith.constant 1.000000e+00 : f32
    %broadcast_in_dim3A_76 = vector.broadcast %broadcast_in_dim3A_75 : f32 to vector<16xf32>
    %swap3A_77 = arith.constant 48 : index
    %swap3A_78 = tpu.vector_load %arg22[%swap3A_77] {strides = array<i32>} : memref<128xf32, #tpu.memory_space<vmem>>, vector<16xf32>,
    %swap3A_79 = vector.shape_cast %swap3A_78 : vector<16xf32> to vector<16xf32>
    %swap3A_80 = vector.shape_cast %broadcast_in_dim3A_76 : vector<16xf32> to vector<16xf32>
    tpu.vector_store %arg22[%swap3A_77], %swap3A_80 {strides = array<i32>} : memref<128xf32, #tpu.memory_space<vmem>>, vector<16xf32>,
    %broadcast_in_dim3A_81 = arith.constant 1.000000e+00 : f32
    %broadcast_in_dim3A_82 = vector.broadcast %broadcast_in_dim3A_81 : f32 to vector<16xf32>
    %swap3A_83 = arith.constant 64 : index
    %swap3A_84 = tpu.vector_load %arg22[%swap3A_83] {strides = array<i32>} : memref<128xf32, #tpu.memory_space<vmem>>, vector<16xf32>,
    %swap3A_85 = vector.shape_cast %swap3A_84 : vector<16xf32> to vector<16xf32>
    %swap3A_86 = vector.shape_cast %broadcast_in_dim3A_82 : vector<16xf32> to vector<16xf32>
    tpu.vector_store %arg22[%swap3A_83], %swap3A_86 {strides = array<i32>} : memref<128xf32, #tpu.memory_space<vmem>>, vector<16xf32>,
    %broadcast_in_dim3A_87 = arith.constant 1.000000e+00 : f32
    %broadcast_in_dim3A_88 = vector.broadcast %broadcast_in_dim3A_87 : f32 to vector<16xf32>
    %swap3A_89 = arith.constant 80 : index
    %swap3A_90 = tpu.vector_load %arg22[%swap3A_89] {strides = array<i32>} : memref<128xf32, #tpu.memory_space<vmem>>, vector<16xf32>,
    %swap3A_91 = vector.shape_cast %swap3A_90 : vector<16xf32> to vector<16xf32>
    %swap3A_92 = vector.shape_cast %broadcast_in_dim3A_88 : vector<16xf32> to vector<16xf32>
    tpu.vector_store %arg22[%swap3A_89], %swap3A_92 {strides = array<i32>} : memref<128xf32, #tpu.memory_space<vmem>>, vector<16xf32>,
    %broadcast_in_dim3A_93 = arith.constant 1.000000e+00 : f32
    %broadcast_in_dim3A_94 = vector.broadcast %broadcast_in_dim3A_93 : f32 to vector<16xf32>
    %swap3A_95 = arith.constant 96 : index
    %swap3A_96 = tpu.vector_load %arg22[%swap3A_95] {strides = array<i32>} : memref<128xf32, #tpu.memory_space<vmem>>, vector<16xf32>,
    %swap3A_97 = vector.shape_cast %swap3A_96 : vector<16xf32> to vector<16xf32>
    %swap3A_98 = vector.shape_cast %broadcast_in_dim3A_94 : vector<16xf32> to vector<16xf32>
    tpu.vector_store %arg22[%swap3A_95], %swap3A_98 {strides = array<i32>} : memref<128xf32, #tpu.memory_space<vmem>>, vector<16xf32>,
    %broadcast_in_dim3A_99 = arith.constant 1.000000e+00 : f32
    %broadcast_in_dim3A_100 = vector.broadcast %broadcast_in_dim3A_99 : f32 to vector<16xf32>
    %swap3A_101 = arith.constant 112 : index
    %swap3A_102 = tpu.vector_load %arg22[%swap3A_101] {strides = array<i32>} : memref<128xf32, #tpu.memory_space<vmem>>, vector<16xf32>,
    %swap3A_103 = vector.shape_cast %swap3A_102 : vector<16xf32> to vector<16xf32>
    %swap3A_104 = vector.shape_cast %broadcast_in_dim3A_100 : vector<16xf32> to vector<16xf32>
    tpu.vector_store %arg22[%swap3A_101], %swap3A_104 {strides = array<i32>} : memref<128xf32, #tpu.memory_space<vmem>>, vector<16xf32>,
    %barrier3A = arith.constant 0 : index
    tpu.barrier barrier_id(%barrier3A)
    %scan3A = arith.constant 0 : i32
    %scan3A_105 = arith.constant 0 : i32
    %scan3A_106 = arith.constant 10 : i32
    %scan3A_107 = arith.addi %scan3A_105, %scan3A_106 : i32
    %scan3A_108 = arith.constant 1 : i32
    %scan3A_109 = scf.for %scan3A_196 = %scan3A_105 to %scan3A_107 step %scan3A_108 iter_args(%scan3A_197 = %scan3A) -> (i32)  : i32 {
      %mul3A_198 = arith.constant 2 : i32
      %mul3A_199 = arith.muli %mul3A_198, %scan3A_196 : i32
      %add3A_200 = arith.constant 0 : i32
      %add3A_201 = arith.addi %mul3A_199, %add3A_200 : i32
      %lt3A_202 = arith.cmpi slt, %add3A_201, %add3A_4 : i32
      %convert_element_type3A_203 = arith.extui %lt3A_202 : i1 to i32
      %cond3A_204 = arith.constant 0 : i32
      %cond3A_205 = arith.cmpi ne, %convert_element_type3A_203, %cond3A_204 : i32
      scf.if %cond3A_205 {
        %ge3A = arith.constant 2 : i32
        %ge3A_215 = arith.cmpi sge, %add3A_201, %ge3A : i32
        %convert_element_type3A_216 = arith.extui %ge3A_215 : i1 to i32
        %cond3A_217 = arith.constant 0 : i32
        %cond3A_218 = arith.cmpi ne, %convert_element_type3A_216, %cond3A_217 : i32
        scf.if %cond3A_218 {
          %dma_wait3A_692 = arith.constant 0 : i32
          %dma_wait3A_693 = tpu.memref_slice %arg31[%dma_wait3A_692] : memref<640000xf32, #tpu.memory_space<vmem_shared>> -> memref<640000xf32, #tpu.memory_space<vmem_shared>>
          tpu.wait_indirect_dma semaphore(%arg34 : memref<!tpu.dma_semaphore, #tpu.memory_space<semaphore_mem>>) src(%arg22 : memref<128xf32, #tpu.memory_space<vmem>>) dst(%dma_wait3A_693 : memref<640000xf32, #tpu.memory_space<vmem_shared>>)
          %dma_wait3A_694 = arith.constant 0 : i32
          %dma_wait3A_695 = tpu.memref_slice %arg31[%dma_wait3A_694] : memref<640000xf32, #tpu.memory_space<vmem_shared>> -> memref<640000xf32, #tpu.memory_space<vmem_shared>>
          tpu.wait_indirect_dma semaphore(%arg34 : memref<!tpu.dma_semaphore, #tpu.memory_space<semaphore_mem>>) src(%arg22 : memref<128xf32, #tpu.memory_space<vmem>>) dst(%dma_wait3A_695 : memref<640000xf32, #tpu.memory_space<vmem_shared>>)
          %dma_wait3A_696 = arith.constant 0 : i32
          %dma_wait3A_697 = tpu.memref_slice %arg31[%dma_wait3A_696] : memref<640000xf32, #tpu.memory_space<vmem_shared>> -> memref<640000xf32, #tpu.memory_space<vmem_shared>>
          tpu.wait_indirect_dma semaphore(%arg34 : memref<!tpu.dma_semaphore, #tpu.memory_space<semaphore_mem>>) src(%arg22 : memref<128xf32, #tpu.memory_space<vmem>>) dst(%dma_wait3A_697 : memref<640000xf32, #tpu.memory_space<vmem_shared>>)
          %dma_wait3A_698 = arith.constant 0 : i32
          %dma_wait3A_699 = tpu.memref_slice %arg31[%dma_wait3A_698] : memref<640000xf32, #tpu.memory_space<vmem_shared>> -> memref<640000xf32, #tpu.memory_space<vmem_shared>>
          tpu.wait_indirect_dma semaphore(%arg34 : memref<!tpu.dma_semaphore, #tpu.memory_space<semaphore_mem>>) src(%arg22 : memref<128xf32, #tpu.memory_space<vmem>>) dst(%dma_wait3A_699 : memref<640000xf32, #tpu.memory_space<vmem_shared>>)
        } else {
        }
        %dma_wait3A_219 = arith.constant 0 : i32
        %dma_wait3A_220 = tpu.memref_slice %arg3[%dma_wait3A_219] : memref<320000xi32, #tpu.memory_space<hbm>> -> memref<512xi32, #tpu.memory_space<hbm>>
        %dma_wait3A_221 = arith.constant 0 : i32
        %dma_wait3A_222 = tpu.memref_slice %arg3[%dma_wait3A_221] : memref<320000xi32, #tpu.memory_space<hbm>> -> memref<512xi32, #tpu.memory_space<hbm>>
        tpu.wait_dma2 semaphore(%arg32 : memref<!tpu.dma_semaphore, #tpu.memory_space<semaphore_mem>>) src(%dma_wait3A_222 : memref<512xi32, #tpu.memory_space<hbm>>) dst(%arg10 : memref<512xi32, #tpu.memory_space<vmem>>)
        %dma_wait3A_223 = arith.constant 0 : i32
        %dma_wait3A_224 = tpu.memref_slice %arg4[%dma_wait3A_223] : memref<320000xi32, #tpu.memory_space<hbm>> -> memref<512xi32, #tpu.memory_space<hbm>>
        %dma_wait3A_225 = arith.constant 0 : i32
        %dma_wait3A_226 = tpu.memref_slice %arg4[%dma_wait3A_225] : memref<320000xi32, #tpu.memory_space<hbm>> -> memref<512xi32, #tpu.memory_space<hbm>>
        tpu.wait_dma2 semaphore(%arg32 : memref<!tpu.dma_semaphore, #tpu.memory_space<semaphore_mem>>) src(%dma_wait3A_226 : memref<512xi32, #tpu.memory_space<hbm>>) dst(%arg12 : memref<512xi32, #tpu.memory_space<vmem>>)
        %get3A = arith.constant 0 : index
        %get3A_227 = tpu.vector_load %arg10[%get3A] {strides = array<i32>} : memref<512xi32, #tpu.memory_space<vmem>>, vector<16xi32>,
        %get3A_228 = vector.shape_cast %get3A_227 : vector<16xi32> to vector<16xi32>
        %mul3A_229 = arith.constant 64 : i32
        %mul3A_230 = vector.broadcast %mul3A_229 : i32 to vector<16xi32>
        %mul3A_231 = arith.muli %get3A_228, %mul3A_230 : vector<16xi32>
        %get3A_232 = arith.constant 0 : index
        %get3A_233 = tpu.vector_load %arg12[%get3A_232] {strides = array<i32>} : memref<512xi32, #tpu.memory_space<vmem>>, vector<16xi32>,
        %get3A_234 = vector.shape_cast %get3A_233 : vector<16xi32> to vector<16xi32>
        %add3A_235 = arith.addi %mul3A_231, %get3A_234 : vector<16xi32>
        %swap3A_236 = arith.constant 0 : index
        %swap3A_237 = tpu.vector_load %arg14[%swap3A_236] {strides = array<i32>} : memref<128xi32, #tpu.memory_space<vmem>>, vector<16xi32>,
        %swap3A_238 = vector.shape_cast %swap3A_237 : vector<16xi32> to vector<16xi32>
        %swap3A_239 = vector.shape_cast %add3A_235 : vector<16xi32> to vector<16xi32>
        tpu.vector_store %arg14[%swap3A_236], %swap3A_239 {strides = array<i32>} : memref<128xi32, #tpu.memory_space<vmem>>, vector<16xi32>,
        %get3A_240 = arith.constant 16 : index
        %get3A_241 = tpu.vector_load %arg10[%get3A_240] {strides = array<i32>} : memref<512xi32, #tpu.memory_space<vmem>>, vector<16xi32>,
        %get3A_242 = vector.shape_cast %get3A_241 : vector<16xi32> to vector<16xi32>
        %mul3A_243 = arith.constant 64 : i32
        %mul3A_244 = vector.broadcast %mul3A_243 : i32 to vector<16xi32>
        %mul3A_245 = arith.muli %get3A_242, %mul3A_244 : vector<16xi32>
        %get3A_246 = arith.constant 16 : index
        %get3A_247 = tpu.vector_load %arg12[%get3A_246] {strides = array<i32>} : memref<512xi32, #tpu.memory_space<vmem>>, vector<16xi32>,
        %get3A_248 = vector.shape_cast %get3A_247 : vector<16xi32> to vector<16xi32>
        %add3A_249 = arith.addi %mul3A_245, %get3A_248 : vector<16xi32>
        %swap3A_250 = arith.constant 16 : index
        %swap3A_251 = tpu.vector_load %arg14[%swap3A_250] {strides = array<i32>} : memref<128xi32, #tpu.memory_space<vmem>>, vector<16xi32>,
        %swap3A_252 = vector.shape_cast %swap3A_251 : vector<16xi32> to vector<16xi32>
        %swap3A_253 = vector.shape_cast %add3A_249 : vector<16xi32> to vector<16xi32>
        tpu.vector_store %arg14[%swap3A_250], %swap3A_253 {strides = array<i32>} : memref<128xi32, #tpu.memory_space<vmem>>, vector<16xi32>,
        %get3A_254 = arith.constant 32 : index
        %get3A_255 = tpu.vector_load %arg10[%get3A_254] {strides = array<i32>} : memref<512xi32, #tpu.memory_space<vmem>>, vector<16xi32>,
        %get3A_256 = vector.shape_cast %get3A_255 : vector<16xi32> to vector<16xi32>
        %mul3A_257 = arith.constant 64 : i32
        %mul3A_258 = vector.broadcast %mul3A_257 : i32 to vector<16xi32>
        %mul3A_259 = arith.muli %get3A_256, %mul3A_258 : vector<16xi32>
        %get3A_260 = arith.constant 32 : index
        %get3A_261 = tpu.vector_load %arg12[%get3A_260] {strides = array<i32>} : memref<512xi32, #tpu.memory_space<vmem>>, vector<16xi32>,
        %get3A_262 = vector.shape_cast %get3A_261 : vector<16xi32> to vector<16xi32>
        %add3A_263 = arith.addi %mul3A_259, %get3A_262 : vector<16xi32>
        %swap3A_264 = arith.constant 32 : index
        %swap3A_265 = tpu.vector_load %arg14[%swap3A_264] {strides = array<i32>} : memref<128xi32, #tpu.memory_space<vmem>>, vector<16xi32>,
        %swap3A_266 = vector.shape_cast %swap3A_265 : vector<16xi32> to vector<16xi32>
        %swap3A_267 = vector.shape_cast %add3A_263 : vector<16xi32> to vector<16xi32>
        tpu.vector_store %arg14[%swap3A_264], %swap3A_267 {strides = array<i32>} : memref<128xi32, #tpu.memory_space<vmem>>, vector<16xi32>,
        %get3A_268 = arith.constant 48 : index
        %get3A_269 = tpu.vector_load %arg10[%get3A_268] {strides = array<i32>} : memref<512xi32, #tpu.memory_space<vmem>>, vector<16xi32>,
        %get3A_270 = vector.shape_cast %get3A_269 : vector<16xi32> to vector<16xi32>
        %mul3A_271 = arith.constant 64 : i32
        %mul3A_272 = vector.broadcast %mul3A_271 : i32 to vector<16xi32>
        %mul3A_273 = arith.muli %get3A_270, %mul3A_272 : vector<16xi32>
        %get3A_274 = arith.constant 48 : index
        %get3A_275 = tpu.vector_load %arg12[%get3A_274] {strides = array<i32>} : memref<512xi32, #tpu.memory_space<vmem>>, vector<16xi32>,
        %get3A_276 = vector.shape_cast %get3A_275 : vector<16xi32> to vector<16xi32>
        %add3A_277 = arith.addi %mul3A_273, %get3A_276 : vector<16xi32>
        %swap3A_278 = arith.constant 48 : index
        %swap3A_279 = tpu.vector_load %arg14[%swap3A_278] {strides = array<i32>} : memref<128xi32, #tpu.memory_space<vmem>>, vector<16xi32>,
        %swap3A_280 = vector.shape_cast %swap3A_279 : vector<16xi32> to vector<16xi32>
        %swap3A_281 = vector.shape_cast %add3A_277 : vector<16xi32> to vector<16xi32>
        tpu.vector_store %arg14[%swap3A_278], %swap3A_281 {strides = array<i32>} : memref<128xi32, #tpu.memory_space<vmem>>, vector<16xi32>,
        %get3A_282 = arith.constant 64 : index
        %get3A_283 = tpu.vector_load %arg10[%get3A_282] {strides = array<i32>} : memref<512xi32, #tpu.memory_space<vmem>>, vector<16xi32>,
        %get3A_284 = vector.shape_cast %get3A_283 : vector<16xi32> to vector<16xi32>
        %mul3A_285 = arith.constant 64 : i32
        %mul3A_286 = vector.broadcast %mul3A_285 : i32 to vector<16xi32>
        %mul3A_287 = arith.muli %get3A_284, %mul3A_286 : vector<16xi32>
        %get3A_288 = arith.constant 64 : index
        %get3A_289 = tpu.vector_load %arg12[%get3A_288] {strides = array<i32>} : memref<512xi32, #tpu.memory_space<vmem>>, vector<16xi32>,
        %get3A_290 = vector.shape_cast %get3A_289 : vector<16xi32> to vector<16xi32>
        %add3A_291 = arith.addi %mul3A_287, %get3A_290 : vector<16xi32>
        %swap3A_292 = arith.constant 64 : index
        %swap3A_293 = tpu.vector_load %arg14[%swap3A_292] {strides = array<i32>} : memref<128xi32, #tpu.memory_space<vmem>>, vector<16xi32>,
        %swap3A_294 = vector.shape_cast %swap3A_293 : vector<16xi32> to vector<16xi32>
        %swap3A_295 = vector.shape_cast %add3A_291 : vector<16xi32> to vector<16xi32>
        tpu.vector_store %arg14[%swap3A_292], %swap3A_295 {strides = array<i32>} : memref<128xi32, #tpu.memory_space<vmem>>, vector<16xi32>,
        %get3A_296 = arith.constant 80 : index
        %get3A_297 = tpu.vector_load %arg10[%get3A_296] {strides = array<i32>} : memref<512xi32, #tpu.memory_space<vmem>>, vector<16xi32>,
        %get3A_298 = vector.shape_cast %get3A_297 : vector<16xi32> to vector<16xi32>
        %mul3A_299 = arith.constant 64 : i32
        %mul3A_300 = vector.broadcast %mul3A_299 : i32 to vector<16xi32>
        %mul3A_301 = arith.muli %get3A_298, %mul3A_300 : vector<16xi32>
        %get3A_302 = arith.constant 80 : index
        %get3A_303 = tpu.vector_load %arg12[%get3A_302] {strides = array<i32>} : memref<512xi32, #tpu.memory_space<vmem>>, vector<16xi32>,
        %get3A_304 = vector.shape_cast %get3A_303 : vector<16xi32> to vector<16xi32>
        %add3A_305 = arith.addi %mul3A_301, %get3A_304 : vector<16xi32>
        %swap3A_306 = arith.constant 80 : index
        %swap3A_307 = tpu.vector_load %arg14[%swap3A_306] {strides = array<i32>} : memref<128xi32, #tpu.memory_space<vmem>>, vector<16xi32>,
        %swap3A_308 = vector.shape_cast %swap3A_307 : vector<16xi32> to vector<16xi32>
        %swap3A_309 = vector.shape_cast %add3A_305 : vector<16xi32> to vector<16xi32>
        tpu.vector_store %arg14[%swap3A_306], %swap3A_309 {strides = array<i32>} : memref<128xi32, #tpu.memory_space<vmem>>, vector<16xi32>,
        %get3A_310 = arith.constant 96 : index
        %get3A_311 = tpu.vector_load %arg10[%get3A_310] {strides = array<i32>} : memref<512xi32, #tpu.memory_space<vmem>>, vector<16xi32>,
        %get3A_312 = vector.shape_cast %get3A_311 : vector<16xi32> to vector<16xi32>
        %mul3A_313 = arith.constant 64 : i32
        %mul3A_314 = vector.broadcast %mul3A_313 : i32 to vector<16xi32>
        %mul3A_315 = arith.muli %get3A_312, %mul3A_314 : vector<16xi32>
        %get3A_316 = arith.constant 96 : index
        %get3A_317 = tpu.vector_load %arg12[%get3A_316] {strides = array<i32>} : memref<512xi32, #tpu.memory_space<vmem>>, vector<16xi32>,
        %get3A_318 = vector.shape_cast %get3A_317 : vector<16xi32> to vector<16xi32>
        %add3A_319 = arith.addi %mul3A_315, %get3A_318 : vector<16xi32>
        %swap3A_320 = arith.constant 96 : index
        %swap3A_321 = tpu.vector_load %arg14[%swap3A_320] {strides = array<i32>} : memref<128xi32, #tpu.memory_space<vmem>>, vector<16xi32>,
        %swap3A_322 = vector.shape_cast %swap3A_321 : vector<16xi32> to vector<16xi32>
        %swap3A_323 = vector.shape_cast %add3A_319 : vector<16xi32> to vector<16xi32>
        tpu.vector_store %arg14[%swap3A_320], %swap3A_323 {strides = array<i32>} : memref<128xi32, #tpu.memory_space<vmem>>, vector<16xi32>,
        %get3A_324 = arith.constant 112 : index
        %get3A_325 = tpu.vector_load %arg10[%get3A_324] {strides = array<i32>} : memref<512xi32, #tpu.memory_space<vmem>>, vector<16xi32>,
        %get3A_326 = vector.shape_cast %get3A_325 : vector<16xi32> to vector<16xi32>
        %mul3A_327 = arith.constant 64 : i32
        %mul3A_328 = vector.broadcast %mul3A_327 : i32 to vector<16xi32>
        %mul3A_329 = arith.muli %get3A_326, %mul3A_328 : vector<16xi32>
        %get3A_330 = arith.constant 112 : index
        %get3A_331 = tpu.vector_load %arg12[%get3A_330] {strides = array<i32>} : memref<512xi32, #tpu.memory_space<vmem>>, vector<16xi32>,
        %get3A_332 = vector.shape_cast %get3A_331 : vector<16xi32> to vector<16xi32>
        %add3A_333 = arith.addi %mul3A_329, %get3A_332 : vector<16xi32>
        %swap3A_334 = arith.constant 112 : index
        %swap3A_335 = tpu.vector_load %arg14[%swap3A_334] {strides = array<i32>} : memref<128xi32, #tpu.memory_space<vmem>>, vector<16xi32>,
        %swap3A_336 = vector.shape_cast %swap3A_335 : vector<16xi32> to vector<16xi32>
        %swap3A_337 = vector.shape_cast %add3A_333 : vector<16xi32> to vector<16xi32>
        tpu.vector_store %arg14[%swap3A_334], %swap3A_337 {strides = array<i32>} : memref<128xi32, #tpu.memory_space<vmem>>, vector<16xi32>,
        %get3A_338 = arith.constant 128 : index
        %get3A_339 = tpu.vector_load %arg10[%get3A_338] {strides = array<i32>} : memref<512xi32, #tpu.memory_space<vmem>>, vector<16xi32>,
        %get3A_340 = vector.shape_cast %get3A_339 : vector<16xi32> to vector<16xi32>
        %mul3A_341 = arith.constant 64 : i32
        %mul3A_342 = vector.broadcast %mul3A_341 : i32 to vector<16xi32>
        %mul3A_343 = arith.muli %get3A_340, %mul3A_342 : vector<16xi32>
        %get3A_344 = arith.constant 128 : index
        %get3A_345 = tpu.vector_load %arg12[%get3A_344] {strides = array<i32>} : memref<512xi32, #tpu.memory_space<vmem>>, vector<16xi32>,
        %get3A_346 = vector.shape_cast %get3A_345 : vector<16xi32> to vector<16xi32>
        %add3A_347 = arith.addi %mul3A_343, %get3A_346 : vector<16xi32>
        %swap3A_348 = arith.constant 0 : index
        %swap3A_349 = tpu.vector_load %arg15[%swap3A_348] {strides = array<i32>} : memref<128xi32, #tpu.memory_space<vmem>>, vector<16xi32>,
        %swap3A_350 = vector.shape_cast %swap3A_349 : vector<16xi32> to vector<16xi32>
        %swap3A_351 = vector.shape_cast %add3A_347 : vector<16xi32> to vector<16xi32>
        tpu.vector_store %arg15[%swap3A_348], %swap3A_351 {strides = array<i32>} : memref<128xi32, #tpu.memory_space<vmem>>, vector<16xi32>,
        %get3A_352 = arith.constant 144 : index
        %get3A_353 = tpu.vector_load %arg10[%get3A_352] {strides = array<i32>} : memref<512xi32, #tpu.memory_space<vmem>>, vector<16xi32>,
        %get3A_354 = vector.shape_cast %get3A_353 : vector<16xi32> to vector<16xi32>
        %mul3A_355 = arith.constant 64 : i32
        %mul3A_356 = vector.broadcast %mul3A_355 : i32 to vector<16xi32>
        %mul3A_357 = arith.muli %get3A_354, %mul3A_356 : vector<16xi32>
        %get3A_358 = arith.constant 144 : index
        %get3A_359 = tpu.vector_load %arg12[%get3A_358] {strides = array<i32>} : memref<512xi32, #tpu.memory_space<vmem>>, vector<16xi32>,
        %get3A_360 = vector.shape_cast %get3A_359 : vector<16xi32> to vector<16xi32>
        %add3A_361 = arith.addi %mul3A_357, %get3A_360 : vector<16xi32>
        %swap3A_362 = arith.constant 16 : index
        %swap3A_363 = tpu.vector_load %arg15[%swap3A_362] {strides = array<i32>} : memref<128xi32, #tpu.memory_space<vmem>>, vector<16xi32>,
        %swap3A_364 = vector.shape_cast %swap3A_363 : vector<16xi32> to vector<16xi32>
        %swap3A_365 = vector.shape_cast %add3A_361 : vector<16xi32> to vector<16xi32>
        tpu.vector_store %arg15[%swap3A_362], %swap3A_365 {strides = array<i32>} : memref<128xi32, #tpu.memory_space<vmem>>, vector<16xi32>,
        %get3A_366 = arith.constant 160 : index
        %get3A_367 = tpu.vector_load %arg10[%get3A_366] {strides = array<i32>} : memref<512xi32, #tpu.memory_space<vmem>>, vector<16xi32>,
        %get3A_368 = vector.shape_cast %get3A_367 : vector<16xi32> to vector<16xi32>
        %mul3A_369 = arith.constant 64 : i32
        %mul3A_370 = vector.broadcast %mul3A_369 : i32 to vector<16xi32>
        %mul3A_371 = arith.muli %get3A_368, %mul3A_370 : vector<16xi32>
        %get3A_372 = arith.constant 160 : index
        %get3A_373 = tpu.vector_load %arg12[%get3A_372] {strides = array<i32>} : memref<512xi32, #tpu.memory_space<vmem>>, vector<16xi32>,
        %get3A_374 = vector.shape_cast %get3A_373 : vector<16xi32> to vector<16xi32>
        %add3A_375 = arith.addi %mul3A_371, %get3A_374 : vector<16xi32>
        %swap3A_376 = arith.constant 32 : index
        %swap3A_377 = tpu.vector_load %arg15[%swap3A_376] {strides = array<i32>} : memref<128xi32, #tpu.memory_space<vmem>>, vector<16xi32>,
        %swap3A_378 = vector.shape_cast %swap3A_377 : vector<16xi32> to vector<16xi32>
        %swap3A_379 = vector.shape_cast %add3A_375 : vector<16xi32> to vector<16xi32>
        tpu.vector_store %arg15[%swap3A_376], %swap3A_379 {strides = array<i32>} : memref<128xi32, #tpu.memory_space<vmem>>, vector<16xi32>,
        %get3A_380 = arith.constant 176 : index
        %get3A_381 = tpu.vector_load %arg10[%get3A_380] {strides = array<i32>} : memref<512xi32, #tpu.memory_space<vmem>>, vector<16xi32>,
        %get3A_382 = vector.shape_cast %get3A_381 : vector<16xi32> to vector<16xi32>
        %mul3A_383 = arith.constant 64 : i32
        %mul3A_384 = vector.broadcast %mul3A_383 : i32 to vector<16xi32>
        %mul3A_385 = arith.muli %get3A_382, %mul3A_384 : vector<16xi32>
        %get3A_386 = arith.constant 176 : index
        %get3A_387 = tpu.vector_load %arg12[%get3A_386] {strides = array<i32>} : memref<512xi32, #tpu.memory_space<vmem>>, vector<16xi32>,
        %get3A_388 = vector.shape_cast %get3A_387 : vector<16xi32> to vector<16xi32>
        %add3A_389 = arith.addi %mul3A_385, %get3A_388 : vector<16xi32>
        %swap3A_390 = arith.constant 48 : index
        %swap3A_391 = tpu.vector_load %arg15[%swap3A_390] {strides = array<i32>} : memref<128xi32, #tpu.memory_space<vmem>>, vector<16xi32>,
        %swap3A_392 = vector.shape_cast %swap3A_391 : vector<16xi32> to vector<16xi32>
        %swap3A_393 = vector.shape_cast %add3A_389 : vector<16xi32> to vector<16xi32>
        tpu.vector_store %arg15[%swap3A_390], %swap3A_393 {strides = array<i32>} : memref<128xi32, #tpu.memory_space<vmem>>, vector<16xi32>,
        %get3A_394 = arith.constant 192 : index
        %get3A_395 = tpu.vector_load %arg10[%get3A_394] {strides = array<i32>} : memref<512xi32, #tpu.memory_space<vmem>>, vector<16xi32>,
        %get3A_396 = vector.shape_cast %get3A_395 : vector<16xi32> to vector<16xi32>
        %mul3A_397 = arith.constant 64 : i32
        %mul3A_398 = vector.broadcast %mul3A_397 : i32 to vector<16xi32>
        %mul3A_399 = arith.muli %get3A_396, %mul3A_398 : vector<16xi32>
        %get3A_400 = arith.constant 192 : index
        %get3A_401 = tpu.vector_load %arg12[%get3A_400] {strides = array<i32>} : memref<512xi32, #tpu.memory_space<vmem>>, vector<16xi32>,
        %get3A_402 = vector.shape_cast %get3A_401 : vector<16xi32> to vector<16xi32>
        %add3A_403 = arith.addi %mul3A_399, %get3A_402 : vector<16xi32>
        %swap3A_404 = arith.constant 64 : index
        %swap3A_405 = tpu.vector_load %arg15[%swap3A_404] {strides = array<i32>} : memref<128xi32, #tpu.memory_space<vmem>>, vector<16xi32>,
        %swap3A_406 = vector.shape_cast %swap3A_405 : vector<16xi32> to vector<16xi32>
        %swap3A_407 = vector.shape_cast %add3A_403 : vector<16xi32> to vector<16xi32>
        tpu.vector_store %arg15[%swap3A_404], %swap3A_407 {strides = array<i32>} : memref<128xi32, #tpu.memory_space<vmem>>, vector<16xi32>,
        %get3A_408 = arith.constant 208 : index
        %get3A_409 = tpu.vector_load %arg10[%get3A_408] {strides = array<i32>} : memref<512xi32, #tpu.memory_space<vmem>>, vector<16xi32>,
        %get3A_410 = vector.shape_cast %get3A_409 : vector<16xi32> to vector<16xi32>
        %mul3A_411 = arith.constant 64 : i32
        %mul3A_412 = vector.broadcast %mul3A_411 : i32 to vector<16xi32>
        %mul3A_413 = arith.muli %get3A_410, %mul3A_412 : vector<16xi32>
        %get3A_414 = arith.constant 208 : index
        %get3A_415 = tpu.vector_load %arg12[%get3A_414] {strides = array<i32>} : memref<512xi32, #tpu.memory_space<vmem>>, vector<16xi32>,
        %get3A_416 = vector.shape_cast %get3A_415 : vector<16xi32> to vector<16xi32>
        %add3A_417 = arith.addi %mul3A_413, %get3A_416 : vector<16xi32>
        %swap3A_418 = arith.constant 80 : index
        %swap3A_419 = tpu.vector_load %arg15[%swap3A_418] {strides = array<i32>} : memref<128xi32, #tpu.memory_space<vmem>>, vector<16xi32>,
        %swap3A_420 = vector.shape_cast %swap3A_419 : vector<16xi32> to vector<16xi32>
        %swap3A_421 = vector.shape_cast %add3A_417 : vector<16xi32> to vector<16xi32>
        tpu.vector_store %arg15[%swap3A_418], %swap3A_421 {strides = array<i32>} : memref<128xi32, #tpu.memory_space<vmem>>, vector<16xi32>,
        %get3A_422 = arith.constant 224 : index
        %get3A_423 = tpu.vector_load %arg10[%get3A_422] {strides = array<i32>} : memref<512xi32, #tpu.memory_space<vmem>>, vector<16xi32>,
        %get3A_424 = vector.shape_cast %get3A_423 : vector<16xi32> to vector<16xi32>
        %mul3A_425 = arith.constant 64 : i32
        %mul3A_426 = vector.broadcast %mul3A_425 : i32 to vector<16xi32>
        %mul3A_427 = arith.muli %get3A_424, %mul3A_426 : vector<16xi32>
        %get3A_428 = arith.constant 224 : index
        %get3A_429 = tpu.vector_load %arg12[%get3A_428] {strides = array<i32>} : memref<512xi32, #tpu.memory_space<vmem>>, vector<16xi32>,
        %get3A_430 = vector.shape_cast %get3A_429 : vector<16xi32> to vector<16xi32>
        %add3A_431 = arith.addi %mul3A_427, %get3A_430 : vector<16xi32>
        %swap3A_432 = arith.constant 96 : index
        %swap3A_433 = tpu.vector_load %arg15[%swap3A_432] {strides = array<i32>} : memref<128xi32, #tpu.memory_space<vmem>>, vector<16xi32>,
        %swap3A_434 = vector.shape_cast %swap3A_433 : vector<16xi32> to vector<16xi32>
        %swap3A_435 = vector.shape_cast %add3A_431 : vector<16xi32> to vector<16xi32>
        tpu.vector_store %arg15[%swap3A_432], %swap3A_435 {strides = array<i32>} : memref<128xi32, #tpu.memory_space<vmem>>, vector<16xi32>,
        %get3A_436 = arith.constant 240 : index
        %get3A_437 = tpu.vector_load %arg10[%get3A_436] {strides = array<i32>} : memref<512xi32, #tpu.memory_space<vmem>>, vector<16xi32>,
        %get3A_438 = vector.shape_cast %get3A_437 : vector<16xi32> to vector<16xi32>
        %mul3A_439 = arith.constant 64 : i32
        %mul3A_440 = vector.broadcast %mul3A_439 : i32 to vector<16xi32>
        %mul3A_441 = arith.muli %get3A_438, %mul3A_440 : vector<16xi32>
        %get3A_442 = arith.constant 240 : index
        %get3A_443 = tpu.vector_load %arg12[%get3A_442] {strides = array<i32>} : memref<512xi32, #tpu.memory_space<vmem>>, vector<16xi32>,
        %get3A_444 = vector.shape_cast %get3A_443 : vector<16xi32> to vector<16xi32>
        %add3A_445 = arith.addi %mul3A_441, %get3A_444 : vector<16xi32>
        %swap3A_446 = arith.constant 112 : index
        %swap3A_447 = tpu.vector_load %arg15[%swap3A_446] {strides = array<i32>} : memref<128xi32, #tpu.memory_space<vmem>>, vector<16xi32>,
        %swap3A_448 = vector.shape_cast %swap3A_447 : vector<16xi32> to vector<16xi32>
        %swap3A_449 = vector.shape_cast %add3A_445 : vector<16xi32> to vector<16xi32>
        tpu.vector_store %arg15[%swap3A_446], %swap3A_449 {strides = array<i32>} : memref<128xi32, #tpu.memory_space<vmem>>, vector<16xi32>,
        %get3A_450 = arith.constant 256 : index
        %get3A_451 = tpu.vector_load %arg10[%get3A_450] {strides = array<i32>} : memref<512xi32, #tpu.memory_space<vmem>>, vector<16xi32>,
        %get3A_452 = vector.shape_cast %get3A_451 : vector<16xi32> to vector<16xi32>
        %mul3A_453 = arith.constant 64 : i32
        %mul3A_454 = vector.broadcast %mul3A_453 : i32 to vector<16xi32>
        %mul3A_455 = arith.muli %get3A_452, %mul3A_454 : vector<16xi32>
        %get3A_456 = arith.constant 256 : index
        %get3A_457 = tpu.vector_load %arg12[%get3A_456] {strides = array<i32>} : memref<512xi32, #tpu.memory_space<vmem>>, vector<16xi32>,
        %get3A_458 = vector.shape_cast %get3A_457 : vector<16xi32> to vector<16xi32>
        %add3A_459 = arith.addi %mul3A_455, %get3A_458 : vector<16xi32>
        %swap3A_460 = arith.constant 0 : index
        %swap3A_461 = tpu.vector_load %arg16[%swap3A_460] {strides = array<i32>} : memref<128xi32, #tpu.memory_space<vmem>>, vector<16xi32>,
        %swap3A_462 = vector.shape_cast %swap3A_461 : vector<16xi32> to vector<16xi32>
        %swap3A_463 = vector.shape_cast %add3A_459 : vector<16xi32> to vector<16xi32>
        tpu.vector_store %arg16[%swap3A_460], %swap3A_463 {strides = array<i32>} : memref<128xi32, #tpu.memory_space<vmem>>, vector<16xi32>,
        %get3A_464 = arith.constant 272 : index
        %get3A_465 = tpu.vector_load %arg10[%get3A_464] {strides = array<i32>} : memref<512xi32, #tpu.memory_space<vmem>>, vector<16xi32>,
        %get3A_466 = vector.shape_cast %get3A_465 : vector<16xi32> to vector<16xi32>
        %mul3A_467 = arith.constant 64 : i32
        %mul3A_468 = vector.broadcast %mul3A_467 : i32 to vector<16xi32>
        %mul3A_469 = arith.muli %get3A_466, %mul3A_468 : vector<16xi32>
        %get3A_470 = arith.constant 272 : index
        %get3A_471 = tpu.vector_load %arg12[%get3A_470] {strides = array<i32>} : memref<512xi32, #tpu.memory_space<vmem>>, vector<16xi32>,
        %get3A_472 = vector.shape_cast %get3A_471 : vector<16xi32> to vector<16xi32>
        %add3A_473 = arith.addi %mul3A_469, %get3A_472 : vector<16xi32>
        %swap3A_474 = arith.constant 16 : index
        %swap3A_475 = tpu.vector_load %arg16[%swap3A_474] {strides = array<i32>} : memref<128xi32, #tpu.memory_space<vmem>>, vector<16xi32>,
        %swap3A_476 = vector.shape_cast %swap3A_475 : vector<16xi32> to vector<16xi32>
        %swap3A_477 = vector.shape_cast %add3A_473 : vector<16xi32> to vector<16xi32>
        tpu.vector_store %arg16[%swap3A_474], %swap3A_477 {strides = array<i32>} : memref<128xi32, #tpu.memory_space<vmem>>, vector<16xi32>,
        %get3A_478 = arith.constant 288 : index
        %get3A_479 = tpu.vector_load %arg10[%get3A_478] {strides = array<i32>} : memref<512xi32, #tpu.memory_space<vmem>>, vector<16xi32>,
        %get3A_480 = vector.shape_cast %get3A_479 : vector<16xi32> to vector<16xi32>
        %mul3A_481 = arith.constant 64 : i32
        %mul3A_482 = vector.broadcast %mul3A_481 : i32 to vector<16xi32>
        %mul3A_483 = arith.muli %get3A_480, %mul3A_482 : vector<16xi32>
        %get3A_484 = arith.constant 288 : index
        %get3A_485 = tpu.vector_load %arg12[%get3A_484] {strides = array<i32>} : memref<512xi32, #tpu.memory_space<vmem>>, vector<16xi32>,
        %get3A_486 = vector.shape_cast %get3A_485 : vector<16xi32> to vector<16xi32>
        %add3A_487 = arith.addi %mul3A_483, %get3A_486 : vector<16xi32>
        %swap3A_488 = arith.constant 32 : index
        %swap3A_489 = tpu.vector_load %arg16[%swap3A_488] {strides = array<i32>} : memref<128xi32, #tpu.memory_space<vmem>>, vector<16xi32>,
        %swap3A_490 = vector.shape_cast %swap3A_489 : vector<16xi32> to vector<16xi32>
        %swap3A_491 = vector.shape_cast %add3A_487 : vector<16xi32> to vector<16xi32>
        tpu.vector_store %arg16[%swap3A_488], %swap3A_491 {strides = array<i32>} : memref<128xi32, #tpu.memory_space<vmem>>, vector<16xi32>,
        %get3A_492 = arith.constant 304 : index
        %get3A_493 = tpu.vector_load %arg10[%get3A_492] {strides = array<i32>} : memref<512xi32, #tpu.memory_space<vmem>>, vector<16xi32>,
        %get3A_494 = vector.shape_cast %get3A_493 : vector<16xi32> to vector<16xi32>
        %mul3A_495 = arith.constant 64 : i32
        %mul3A_496 = vector.broadcast %mul3A_495 : i32 to vector<16xi32>
        %mul3A_497 = arith.muli %get3A_494, %mul3A_496 : vector<16xi32>
        %get3A_498 = arith.constant 304 : index
        %get3A_499 = tpu.vector_load %arg12[%get3A_498] {strides = array<i32>} : memref<512xi32, #tpu.memory_space<vmem>>, vector<16xi32>,
        %get3A_500 = vector.shape_cast %get3A_499 : vector<16xi32> to vector<16xi32>
        %add3A_501 = arith.addi %mul3A_497, %get3A_500 : vector<16xi32>
        %swap3A_502 = arith.constant 48 : index
        %swap3A_503 = tpu.vector_load %arg16[%swap3A_502] {strides = array<i32>} : memref<128xi32, #tpu.memory_space<vmem>>, vector<16xi32>,
        %swap3A_504 = vector.shape_cast %swap3A_503 : vector<16xi32> to vector<16xi32>
        %swap3A_505 = vector.shape_cast %add3A_501 : vector<16xi32> to vector<16xi32>
        tpu.vector_store %arg16[%swap3A_502], %swap3A_505 {strides = array<i32>} : memref<128xi32, #tpu.memory_space<vmem>>, vector<16xi32>,
        %get3A_506 = arith.constant 320 : index
        %get3A_507 = tpu.vector_load %arg10[%get3A_506] {strides = array<i32>} : memref<512xi32, #tpu.memory_space<vmem>>, vector<16xi32>,
        %get3A_508 = vector.shape_cast %get3A_507 : vector<16xi32> to vector<16xi32>
        %mul3A_509 = arith.constant 64 : i32
        %mul3A_510 = vector.broadcast %mul3A_509 : i32 to vector<16xi32>
        %mul3A_511 = arith.muli %get3A_508, %mul3A_510 : vector<16xi32>
        %get3A_512 = arith.constant 320 : index
        %get3A_513 = tpu.vector_load %arg12[%get3A_512] {strides = array<i32>} : memref<512xi32, #tpu.memory_space<vmem>>, vector<16xi32>,
        %get3A_514 = vector.shape_cast %get3A_513 : vector<16xi32> to vector<16xi32>
        %add3A_515 = arith.addi %mul3A_511, %get3A_514 : vector<16xi32>
        %swap3A_516 = arith.constant 64 : index
        %swap3A_517 = tpu.vector_load %arg16[%swap3A_516] {strides = array<i32>} : memref<128xi32, #tpu.memory_space<vmem>>, vector<16xi32>,
        %swap3A_518 = vector.shape_cast %swap3A_517 : vector<16xi32> to vector<16xi32>
        %swap3A_519 = vector.shape_cast %add3A_515 : vector<16xi32> to vector<16xi32>
        tpu.vector_store %arg16[%swap3A_516], %swap3A_519 {strides = array<i32>} : memref<128xi32, #tpu.memory_space<vmem>>, vector<16xi32>,
        %get3A_520 = arith.constant 336 : index
        %get3A_521 = tpu.vector_load %arg10[%get3A_520] {strides = array<i32>} : memref<512xi32, #tpu.memory_space<vmem>>, vector<16xi32>,
        %get3A_522 = vector.shape_cast %get3A_521 : vector<16xi32> to vector<16xi32>
        %mul3A_523 = arith.constant 64 : i32
        %mul3A_524 = vector.broadcast %mul3A_523 : i32 to vector<16xi32>
        %mul3A_525 = arith.muli %get3A_522, %mul3A_524 : vector<16xi32>
        %get3A_526 = arith.constant 336 : index
        %get3A_527 = tpu.vector_load %arg12[%get3A_526] {strides = array<i32>} : memref<512xi32, #tpu.memory_space<vmem>>, vector<16xi32>,
        %get3A_528 = vector.shape_cast %get3A_527 : vector<16xi32> to vector<16xi32>
        %add3A_529 = arith.addi %mul3A_525, %get3A_528 : vector<16xi32>
        %swap3A_530 = arith.constant 80 : index
        %swap3A_531 = tpu.vector_load %arg16[%swap3A_530] {strides = array<i32>} : memref<128xi32, #tpu.memory_space<vmem>>, vector<16xi32>,
        %swap3A_532 = vector.shape_cast %swap3A_531 : vector<16xi32> to vector<16xi32>
        %swap3A_533 = vector.shape_cast %add3A_529 : vector<16xi32> to vector<16xi32>
        tpu.vector_store %arg16[%swap3A_530], %swap3A_533 {strides = array<i32>} : memref<128xi32, #tpu.memory_space<vmem>>, vector<16xi32>,
        %get3A_534 = arith.constant 352 : index
        %get3A_535 = tpu.vector_load %arg10[%get3A_534] {strides = array<i32>} : memref<512xi32, #tpu.memory_space<vmem>>, vector<16xi32>,
        %get3A_536 = vector.shape_cast %get3A_535 : vector<16xi32> to vector<16xi32>
        %mul3A_537 = arith.constant 64 : i32
        %mul3A_538 = vector.broadcast %mul3A_537 : i32 to vector<16xi32>
        %mul3A_539 = arith.muli %get3A_536, %mul3A_538 : vector<16xi32>
        %get3A_540 = arith.constant 352 : index
        %get3A_541 = tpu.vector_load %arg12[%get3A_540] {strides = array<i32>} : memref<512xi32, #tpu.memory_space<vmem>>, vector<16xi32>,
        %get3A_542 = vector.shape_cast %get3A_541 : vector<16xi32> to vector<16xi32>
        %add3A_543 = arith.addi %mul3A_539, %get3A_542 : vector<16xi32>
        %swap3A_544 = arith.constant 96 : index
        %swap3A_545 = tpu.vector_load %arg16[%swap3A_544] {strides = array<i32>} : memref<128xi32, #tpu.memory_space<vmem>>, vector<16xi32>,
        %swap3A_546 = vector.shape_cast %swap3A_545 : vector<16xi32> to vector<16xi32>
        %swap3A_547 = vector.shape_cast %add3A_543 : vector<16xi32> to vector<16xi32>
        tpu.vector_store %arg16[%swap3A_544], %swap3A_547 {strides = array<i32>} : memref<128xi32, #tpu.memory_space<vmem>>, vector<16xi32>,
        %get3A_548 = arith.constant 368 : index
        %get3A_549 = tpu.vector_load %arg10[%get3A_548] {strides = array<i32>} : memref<512xi32, #tpu.memory_space<vmem>>, vector<16xi32>,
        %get3A_550 = vector.shape_cast %get3A_549 : vector<16xi32> to vector<16xi32>
        %mul3A_551 = arith.constant 64 : i32
        %mul3A_552 = vector.broadcast %mul3A_551 : i32 to vector<16xi32>
        %mul3A_553 = arith.muli %get3A_550, %mul3A_552 : vector<16xi32>
        %get3A_554 = arith.constant 368 : index
        %get3A_555 = tpu.vector_load %arg12[%get3A_554] {strides = array<i32>} : memref<512xi32, #tpu.memory_space<vmem>>, vector<16xi32>,
        %get3A_556 = vector.shape_cast %get3A_555 : vector<16xi32> to vector<16xi32>
        %add3A_557 = arith.addi %mul3A_553, %get3A_556 : vector<16xi32>
        %swap3A_558 = arith.constant 112 : index
        %swap3A_559 = tpu.vector_load %arg16[%swap3A_558] {strides = array<i32>} : memref<128xi32, #tpu.memory_space<vmem>>, vector<16xi32>,
        %swap3A_560 = vector.shape_cast %swap3A_559 : vector<16xi32> to vector<16xi32>
        %swap3A_561 = vector.shape_cast %add3A_557 : vector<16xi32> to vector<16xi32>
        tpu.vector_store %arg16[%swap3A_558], %swap3A_561 {strides = array<i32>} : memref<128xi32, #tpu.memory_space<vmem>>, vector<16xi32>,
        %get3A_562 = arith.constant 384 : index
        %get3A_563 = tpu.vector_load %arg10[%get3A_562] {strides = array<i32>} : memref<512xi32, #tpu.memory_space<vmem>>, vector<16xi32>,
        %get3A_564 = vector.shape_cast %get3A_563 : vector<16xi32> to vector<16xi32>
        %mul3A_565 = arith.constant 64 : i32
        %mul3A_566 = vector.broadcast %mul3A_565 : i32 to vector<16xi32>
        %mul3A_567 = arith.muli %get3A_564, %mul3A_566 : vector<16xi32>
        %get3A_568 = arith.constant 384 : index
        %get3A_569 = tpu.vector_load %arg12[%get3A_568] {strides = array<i32>} : memref<512xi32, #tpu.memory_space<vmem>>, vector<16xi32>,
        %get3A_570 = vector.shape_cast %get3A_569 : vector<16xi32> to vector<16xi32>
        %add3A_571 = arith.addi %mul3A_567, %get3A_570 : vector<16xi32>
        %swap3A_572 = arith.constant 0 : index
        %swap3A_573 = tpu.vector_load %arg17[%swap3A_572] {strides = array<i32>} : memref<128xi32, #tpu.memory_space<vmem>>, vector<16xi32>,
        %swap3A_574 = vector.shape_cast %swap3A_573 : vector<16xi32> to vector<16xi32>
        %swap3A_575 = vector.shape_cast %add3A_571 : vector<16xi32> to vector<16xi32>
        tpu.vector_store %arg17[%swap3A_572], %swap3A_575 {strides = array<i32>} : memref<128xi32, #tpu.memory_space<vmem>>, vector<16xi32>,
        %get3A_576 = arith.constant 400 : index
        %get3A_577 = tpu.vector_load %arg10[%get3A_576] {strides = array<i32>} : memref<512xi32, #tpu.memory_space<vmem>>, vector<16xi32>,
        %get3A_578 = vector.shape_cast %get3A_577 : vector<16xi32> to vector<16xi32>
        %mul3A_579 = arith.constant 64 : i32
        %mul3A_580 = vector.broadcast %mul3A_579 : i32 to vector<16xi32>
        %mul3A_581 = arith.muli %get3A_578, %mul3A_580 : vector<16xi32>
        %get3A_582 = arith.constant 400 : index
        %get3A_583 = tpu.vector_load %arg12[%get3A_582] {strides = array<i32>} : memref<512xi32, #tpu.memory_space<vmem>>, vector<16xi32>,
        %get3A_584 = vector.shape_cast %get3A_583 : vector<16xi32> to vector<16xi32>
        %add3A_585 = arith.addi %mul3A_581, %get3A_584 : vector<16xi32>
        %swap3A_586 = arith.constant 16 : index
        %swap3A_587 = tpu.vector_load %arg17[%swap3A_586] {strides = array<i32>} : memref<128xi32, #tpu.memory_space<vmem>>, vector<16xi32>,
        %swap3A_588 = vector.shape_cast %swap3A_587 : vector<16xi32> to vector<16xi32>
        %swap3A_589 = vector.shape_cast %add3A_585 : vector<16xi32> to vector<16xi32>
        tpu.vector_store %arg17[%swap3A_586], %swap3A_589 {strides = array<i32>} : memref<128xi32, #tpu.memory_space<vmem>>, vector<16xi32>,
        %get3A_590 = arith.constant 416 : index
        %get3A_591 = tpu.vector_load %arg10[%get3A_590] {strides = array<i32>} : memref<512xi32, #tpu.memory_space<vmem>>, vector<16xi32>,
        %get3A_592 = vector.shape_cast %get3A_591 : vector<16xi32> to vector<16xi32>
        %mul3A_593 = arith.constant 64 : i32
        %mul3A_594 = vector.broadcast %mul3A_593 : i32 to vector<16xi32>
        %mul3A_595 = arith.muli %get3A_592, %mul3A_594 : vector<16xi32>
        %get3A_596 = arith.constant 416 : index
        %get3A_597 = tpu.vector_load %arg12[%get3A_596] {strides = array<i32>} : memref<512xi32, #tpu.memory_space<vmem>>, vector<16xi32>,
        %get3A_598 = vector.shape_cast %get3A_597 : vector<16xi32> to vector<16xi32>
        %add3A_599 = arith.addi %mul3A_595, %get3A_598 : vector<16xi32>
        %swap3A_600 = arith.constant 32 : index
        %swap3A_601 = tpu.vector_load %arg17[%swap3A_600] {strides = array<i32>} : memref<128xi32, #tpu.memory_space<vmem>>, vector<16xi32>,
        %swap3A_602 = vector.shape_cast %swap3A_601 : vector<16xi32> to vector<16xi32>
        %swap3A_603 = vector.shape_cast %add3A_599 : vector<16xi32> to vector<16xi32>
        tpu.vector_store %arg17[%swap3A_600], %swap3A_603 {strides = array<i32>} : memref<128xi32, #tpu.memory_space<vmem>>, vector<16xi32>,
        %get3A_604 = arith.constant 432 : index
        %get3A_605 = tpu.vector_load %arg10[%get3A_604] {strides = array<i32>} : memref<512xi32, #tpu.memory_space<vmem>>, vector<16xi32>,
        %get3A_606 = vector.shape_cast %get3A_605 : vector<16xi32> to vector<16xi32>
        %mul3A_607 = arith.constant 64 : i32
        %mul3A_608 = vector.broadcast %mul3A_607 : i32 to vector<16xi32>
        %mul3A_609 = arith.muli %get3A_606, %mul3A_608 : vector<16xi32>
        %get3A_610 = arith.constant 432 : index
        %get3A_611 = tpu.vector_load %arg12[%get3A_610] {strides = array<i32>} : memref<512xi32, #tpu.memory_space<vmem>>, vector<16xi32>,
        %get3A_612 = vector.shape_cast %get3A_611 : vector<16xi32> to vector<16xi32>
        %add3A_613 = arith.addi %mul3A_609, %get3A_612 : vector<16xi32>
        %swap3A_614 = arith.constant 48 : index
        %swap3A_615 = tpu.vector_load %arg17[%swap3A_614] {strides = array<i32>} : memref<128xi32, #tpu.memory_space<vmem>>, vector<16xi32>,
        %swap3A_616 = vector.shape_cast %swap3A_615 : vector<16xi32> to vector<16xi32>
        %swap3A_617 = vector.shape_cast %add3A_613 : vector<16xi32> to vector<16xi32>
        tpu.vector_store %arg17[%swap3A_614], %swap3A_617 {strides = array<i32>} : memref<128xi32, #tpu.memory_space<vmem>>, vector<16xi32>,
        %get3A_618 = arith.constant 448 : index
        %get3A_619 = tpu.vector_load %arg10[%get3A_618] {strides = array<i32>} : memref<512xi32, #tpu.memory_space<vmem>>, vector<16xi32>,
        %get3A_620 = vector.shape_cast %get3A_619 : vector<16xi32> to vector<16xi32>
        %mul3A_621 = arith.constant 64 : i32
        %mul3A_622 = vector.broadcast %mul3A_621 : i32 to vector<16xi32>
        %mul3A_623 = arith.muli %get3A_620, %mul3A_622 : vector<16xi32>
        %get3A_624 = arith.constant 448 : index
        %get3A_625 = tpu.vector_load %arg12[%get3A_624] {strides = array<i32>} : memref<512xi32, #tpu.memory_space<vmem>>, vector<16xi32>,
        %get3A_626 = vector.shape_cast %get3A_625 : vector<16xi32> to vector<16xi32>
        %add3A_627 = arith.addi %mul3A_623, %get3A_626 : vector<16xi32>
        %swap3A_628 = arith.constant 64 : index
        %swap3A_629 = tpu.vector_load %arg17[%swap3A_628] {strides = array<i32>} : memref<128xi32, #tpu.memory_space<vmem>>, vector<16xi32>,
        %swap3A_630 = vector.shape_cast %swap3A_629 : vector<16xi32> to vector<16xi32>
        %swap3A_631 = vector.shape_cast %add3A_627 : vector<16xi32> to vector<16xi32>
        tpu.vector_store %arg17[%swap3A_628], %swap3A_631 {strides = array<i32>} : memref<128xi32, #tpu.memory_space<vmem>>, vector<16xi32>,
        %get3A_632 = arith.constant 464 : index
        %get3A_633 = tpu.vector_load %arg10[%get3A_632] {strides = array<i32>} : memref<512xi32, #tpu.memory_space<vmem>>, vector<16xi32>,
        %get3A_634 = vector.shape_cast %get3A_633 : vector<16xi32> to vector<16xi32>
        %mul3A_635 = arith.constant 64 : i32
        %mul3A_636 = vector.broadcast %mul3A_635 : i32 to vector<16xi32>
        %mul3A_637 = arith.muli %get3A_634, %mul3A_636 : vector<16xi32>
        %get3A_638 = arith.constant 464 : index
        %get3A_639 = tpu.vector_load %arg12[%get3A_638] {strides = array<i32>} : memref<512xi32, #tpu.memory_space<vmem>>, vector<16xi32>,
        %get3A_640 = vector.shape_cast %get3A_639 : vector<16xi32> to vector<16xi32>
        %add3A_641 = arith.addi %mul3A_637, %get3A_640 : vector<16xi32>
        %swap3A_642 = arith.constant 80 : index
        %swap3A_643 = tpu.vector_load %arg17[%swap3A_642] {strides = array<i32>} : memref<128xi32, #tpu.memory_space<vmem>>, vector<16xi32>,
        %swap3A_644 = vector.shape_cast %swap3A_643 : vector<16xi32> to vector<16xi32>
        %swap3A_645 = vector.shape_cast %add3A_641 : vector<16xi32> to vector<16xi32>
        tpu.vector_store %arg17[%swap3A_642], %swap3A_645 {strides = array<i32>} : memref<128xi32, #tpu.memory_space<vmem>>, vector<16xi32>,
        %get3A_646 = arith.constant 480 : index
        %get3A_647 = tpu.vector_load %arg10[%get3A_646] {strides = array<i32>} : memref<512xi32, #tpu.memory_space<vmem>>, vector<16xi32>,
        %get3A_648 = vector.shape_cast %get3A_647 : vector<16xi32> to vector<16xi32>
        %mul3A_649 = arith.constant 64 : i32
        %mul3A_650 = vector.broadcast %mul3A_649 : i32 to vector<16xi32>
        %mul3A_651 = arith.muli %get3A_648, %mul3A_650 : vector<16xi32>
        %get3A_652 = arith.constant 480 : index
        %get3A_653 = tpu.vector_load %arg12[%get3A_652] {strides = array<i32>} : memref<512xi32, #tpu.memory_space<vmem>>, vector<16xi32>,
        %get3A_654 = vector.shape_cast %get3A_653 : vector<16xi32> to vector<16xi32>
        %add3A_655 = arith.addi %mul3A_651, %get3A_654 : vector<16xi32>
        %swap3A_656 = arith.constant 96 : index
        %swap3A_657 = tpu.vector_load %arg17[%swap3A_656] {strides = array<i32>} : memref<128xi32, #tpu.memory_space<vmem>>, vector<16xi32>,
        %swap3A_658 = vector.shape_cast %swap3A_657 : vector<16xi32> to vector<16xi32>
        %swap3A_659 = vector.shape_cast %add3A_655 : vector<16xi32> to vector<16xi32>
        tpu.vector_store %arg17[%swap3A_656], %swap3A_659 {strides = array<i32>} : memref<128xi32, #tpu.memory_space<vmem>>, vector<16xi32>,
        %get3A_660 = arith.constant 496 : index
        %get3A_661 = tpu.vector_load %arg10[%get3A_660] {strides = array<i32>} : memref<512xi32, #tpu.memory_space<vmem>>, vector<16xi32>,
        %get3A_662 = vector.shape_cast %get3A_661 : vector<16xi32> to vector<16xi32>
        %mul3A_663 = arith.constant 64 : i32
        %mul3A_664 = vector.broadcast %mul3A_663 : i32 to vector<16xi32>
        %mul3A_665 = arith.muli %get3A_662, %mul3A_664 : vector<16xi32>
        %get3A_666 = arith.constant 496 : index
        %get3A_667 = tpu.vector_load %arg12[%get3A_666] {strides = array<i32>} : memref<512xi32, #tpu.memory_space<vmem>>, vector<16xi32>,
        %get3A_668 = vector.shape_cast %get3A_667 : vector<16xi32> to vector<16xi32>
        %add3A_669 = arith.addi %mul3A_665, %get3A_668 : vector<16xi32>
        %swap3A_670 = arith.constant 112 : index
        %swap3A_671 = tpu.vector_load %arg17[%swap3A_670] {strides = array<i32>} : memref<128xi32, #tpu.memory_space<vmem>>, vector<16xi32>,
        %swap3A_672 = vector.shape_cast %swap3A_671 : vector<16xi32> to vector<16xi32>
        %swap3A_673 = vector.shape_cast %add3A_669 : vector<16xi32> to vector<16xi32>
        tpu.vector_store %arg17[%swap3A_670], %swap3A_673 {strides = array<i32>} : memref<128xi32, #tpu.memory_space<vmem>>, vector<16xi32>,
        %dma_start3A_674 = arith.constant 0 : i32
        %dma_start3A_675 = tpu.memref_slice %arg31[%dma_start3A_674] : memref<640000xf32, #tpu.memory_space<vmem_shared>> -> memref<640000xf32, #tpu.memory_space<vmem_shared>>
        tpu.enqueue_indirect_dma source(%arg22 : memref<128xf32, #tpu.memory_space<vmem>>) target(%dma_start3A_675 : memref<640000xf32, #tpu.memory_space<vmem_shared>>) offsets(%arg14 : memref<128xi32, #tpu.memory_space<vmem>>) semaphore(%arg34 : memref<!tpu.dma_semaphore, #tpu.memory_space<semaphore_mem>>) {add = true}
        %dma_start3A_676 = arith.constant 0 : i32
        %dma_start3A_677 = tpu.memref_slice %arg31[%dma_start3A_676] : memref<640000xf32, #tpu.memory_space<vmem_shared>> -> memref<640000xf32, #tpu.memory_space<vmem_shared>>
        tpu.enqueue_indirect_dma source(%arg22 : memref<128xf32, #tpu.memory_space<vmem>>) target(%dma_start3A_677 : memref<640000xf32, #tpu.memory_space<vmem_shared>>) offsets(%arg15 : memref<128xi32, #tpu.memory_space<vmem>>) semaphore(%arg34 : memref<!tpu.dma_semaphore, #tpu.memory_space<semaphore_mem>>) {add = true}
        %dma_start3A_678 = arith.constant 0 : i32
        %dma_start3A_679 = tpu.memref_slice %arg31[%dma_start3A_678] : memref<640000xf32, #tpu.memory_space<vmem_shared>> -> memref<640000xf32, #tpu.memory_space<vmem_shared>>
        tpu.enqueue_indirect_dma source(%arg22 : memref<128xf32, #tpu.memory_space<vmem>>) target(%dma_start3A_679 : memref<640000xf32, #tpu.memory_space<vmem_shared>>) offsets(%arg16 : memref<128xi32, #tpu.memory_space<vmem>>) semaphore(%arg34 : memref<!tpu.dma_semaphore, #tpu.memory_space<semaphore_mem>>) {add = true}
        %dma_start3A_680 = arith.constant 0 : i32
        %dma_start3A_681 = tpu.memref_slice %arg31[%dma_start3A_680] : memref<640000xf32, #tpu.memory_space<vmem_shared>> -> memref<640000xf32, #tpu.memory_space<vmem_shared>>
        tpu.enqueue_indirect_dma source(%arg22 : memref<128xf32, #tpu.memory_space<vmem>>) target(%dma_start3A_681 : memref<640000xf32, #tpu.memory_space<vmem_shared>>) offsets(%arg17 : memref<128xi32, #tpu.memory_space<vmem>>) semaphore(%arg34 : memref<!tpu.dma_semaphore, #tpu.memory_space<semaphore_mem>>) {add = true}
        %add3A_682 = arith.constant 2 : i32
        %add3A_683 = arith.addi %add3A_201, %add3A_682 : i32
        %mul3A_684 = arith.constant 32 : i32
        %mul3A_685 = arith.muli %add3A_683, %mul3A_684 : i32
        %add3A_686 = arith.addi %add3A, %mul3A_685 : i32
        %lt3A_687 = arith.constant 625 : i32
        %lt3A_688 = arith.cmpi slt, %add3A_686, %lt3A_687 : i32
        %convert_element_type3A_689 = arith.extui %lt3A_688 : i1 to i32
        %cond3A_690 = arith.constant 0 : i32
        %cond3A_691 = arith.cmpi ne, %convert_element_type3A_689, %cond3A_690 : i32
        scf.if %cond3A_691 {
          %mul3A_692 = arith.constant 512 : i32
          %mul3A_693 = arith.muli %add3A_686, %mul3A_692 : i32
          %dma_start3A_694 = tpu.memref_slice %arg3[%mul3A_693] : memref<320000xi32, #tpu.memory_space<hbm>> -> memref<512xi32, #tpu.memory_space<hbm>>
          %dma_start3A_695 = tpu.memref_slice %arg3[%mul3A_693] : memref<320000xi32, #tpu.memory_space<hbm>> -> memref<512xi32, #tpu.memory_space<hbm>>
          tpu.enqueue_dma source(%dma_start3A_695 : memref<512xi32, #tpu.memory_space<hbm>>) target(%arg10 : memref<512xi32, #tpu.memory_space<vmem>>) target_semaphore(%arg32 : memref<!tpu.dma_semaphore, #tpu.memory_space<semaphore_mem>>)
          %dma_start3A_696 = tpu.memref_slice %arg4[%mul3A_693] : memref<320000xi32, #tpu.memory_space<hbm>> -> memref<512xi32, #tpu.memory_space<hbm>>
          %dma_start3A_697 = tpu.memref_slice %arg4[%mul3A_693] : memref<320000xi32, #tpu.memory_space<hbm>> -> memref<512xi32, #tpu.memory_space<hbm>>
          tpu.enqueue_dma source(%dma_start3A_697 : memref<512xi32, #tpu.memory_space<hbm>>) target(%arg12 : memref<512xi32, #tpu.memory_space<vmem>>) target_semaphore(%arg32 : memref<!tpu.dma_semaphore, #tpu.memory_space<semaphore_mem>>)
        } else {
        }
      } else {
      }
      %mul3A_206 = arith.constant 2 : i32
      %mul3A_207 = arith.muli %mul3A_206, %scan3A_196 : i32
      %add3A_208 = arith.constant 1 : i32
      %add3A_209 = arith.addi %mul3A_207, %add3A_208 : i32
      %lt3A_210 = arith.cmpi slt, %add3A_209, %add3A_4 : i32
      %convert_element_type3A_211 = arith.extui %lt3A_210 : i1 to i32
      %cond3A_212 = arith.constant 0 : i32
      %cond3A_213 = arith.cmpi ne, %convert_element_type3A_211, %cond3A_212 : i32
      scf.if %cond3A_213 {
        %ge3A = arith.constant 2 : i32
        %ge3A_215 = arith.cmpi sge, %add3A_209, %ge3A : i32
        %convert_element_type3A_216 = arith.extui %ge3A_215 : i1 to i32
        %cond3A_217 = arith.constant 0 : i32
        %cond3A_218 = arith.cmpi ne, %convert_element_type3A_216, %cond3A_217 : i32
        scf.if %cond3A_218 {
          %dma_wait3A_692 = arith.constant 0 : i32
          %dma_wait3A_693 = tpu.memref_slice %arg31[%dma_wait3A_692] : memref<640000xf32, #tpu.memory_space<vmem_shared>> -> memref<640000xf32, #tpu.memory_space<vmem_shared>>
          tpu.wait_indirect_dma semaphore(%arg35 : memref<!tpu.dma_semaphore, #tpu.memory_space<semaphore_mem>>) src(%arg22 : memref<128xf32, #tpu.memory_space<vmem>>) dst(%dma_wait3A_693 : memref<640000xf32, #tpu.memory_space<vmem_shared>>)
          %dma_wait3A_694 = arith.constant 0 : i32
          %dma_wait3A_695 = tpu.memref_slice %arg31[%dma_wait3A_694] : memref<640000xf32, #tpu.memory_space<vmem_shared>> -> memref<640000xf32, #tpu.memory_space<vmem_shared>>
          tpu.wait_indirect_dma semaphore(%arg35 : memref<!tpu.dma_semaphore, #tpu.memory_space<semaphore_mem>>) src(%arg22 : memref<128xf32, #tpu.memory_space<vmem>>) dst(%dma_wait3A_695 : memref<640000xf32, #tpu.memory_space<vmem_shared>>)
          %dma_wait3A_696 = arith.constant 0 : i32
          %dma_wait3A_697 = tpu.memref_slice %arg31[%dma_wait3A_696] : memref<640000xf32, #tpu.memory_space<vmem_shared>> -> memref<640000xf32, #tpu.memory_space<vmem_shared>>
          tpu.wait_indirect_dma semaphore(%arg35 : memref<!tpu.dma_semaphore, #tpu.memory_space<semaphore_mem>>) src(%arg22 : memref<128xf32, #tpu.memory_space<vmem>>) dst(%dma_wait3A_697 : memref<640000xf32, #tpu.memory_space<vmem_shared>>)
          %dma_wait3A_698 = arith.constant 0 : i32
          %dma_wait3A_699 = tpu.memref_slice %arg31[%dma_wait3A_698] : memref<640000xf32, #tpu.memory_space<vmem_shared>> -> memref<640000xf32, #tpu.memory_space<vmem_shared>>
          tpu.wait_indirect_dma semaphore(%arg35 : memref<!tpu.dma_semaphore, #tpu.memory_space<semaphore_mem>>) src(%arg22 : memref<128xf32, #tpu.memory_space<vmem>>) dst(%dma_wait3A_699 : memref<640000xf32, #tpu.memory_space<vmem_shared>>)
        } else {
        }
        %dma_wait3A_219 = arith.constant 0 : i32
        %dma_wait3A_220 = tpu.memref_slice %arg3[%dma_wait3A_219] : memref<320000xi32, #tpu.memory_space<hbm>> -> memref<512xi32, #tpu.memory_space<hbm>>
        %dma_wait3A_221 = arith.constant 0 : i32
        %dma_wait3A_222 = tpu.memref_slice %arg3[%dma_wait3A_221] : memref<320000xi32, #tpu.memory_space<hbm>> -> memref<512xi32, #tpu.memory_space<hbm>>
        tpu.wait_dma2 semaphore(%arg33 : memref<!tpu.dma_semaphore, #tpu.memory_space<semaphore_mem>>) src(%dma_wait3A_222 : memref<512xi32, #tpu.memory_space<hbm>>) dst(%arg11 : memref<512xi32, #tpu.memory_space<vmem>>)
        %dma_wait3A_223 = arith.constant 0 : i32
        %dma_wait3A_224 = tpu.memref_slice %arg4[%dma_wait3A_223] : memref<320000xi32, #tpu.memory_space<hbm>> -> memref<512xi32, #tpu.memory_space<hbm>>
        %dma_wait3A_225 = arith.constant 0 : i32
        %dma_wait3A_226 = tpu.memref_slice %arg4[%dma_wait3A_225] : memref<320000xi32, #tpu.memory_space<hbm>> -> memref<512xi32, #tpu.memory_space<hbm>>
        tpu.wait_dma2 semaphore(%arg33 : memref<!tpu.dma_semaphore, #tpu.memory_space<semaphore_mem>>) src(%dma_wait3A_226 : memref<512xi32, #tpu.memory_space<hbm>>) dst(%arg13 : memref<512xi32, #tpu.memory_space<vmem>>)
        %get3A = arith.constant 0 : index
        %get3A_227 = tpu.vector_load %arg11[%get3A] {strides = array<i32>} : memref<512xi32, #tpu.memory_space<vmem>>, vector<16xi32>,
        %get3A_228 = vector.shape_cast %get3A_227 : vector<16xi32> to vector<16xi32>
        %mul3A_229 = arith.constant 64 : i32
        %mul3A_230 = vector.broadcast %mul3A_229 : i32 to vector<16xi32>
        %mul3A_231 = arith.muli %get3A_228, %mul3A_230 : vector<16xi32>
        %get3A_232 = arith.constant 0 : index
        %get3A_233 = tpu.vector_load %arg13[%get3A_232] {strides = array<i32>} : memref<512xi32, #tpu.memory_space<vmem>>, vector<16xi32>,
        %get3A_234 = vector.shape_cast %get3A_233 : vector<16xi32> to vector<16xi32>
        %add3A_235 = arith.addi %mul3A_231, %get3A_234 : vector<16xi32>
        %swap3A_236 = arith.constant 0 : index
        %swap3A_237 = tpu.vector_load %arg18[%swap3A_236] {strides = array<i32>} : memref<128xi32, #tpu.memory_space<vmem>>, vector<16xi32>,
        %swap3A_238 = vector.shape_cast %swap3A_237 : vector<16xi32> to vector<16xi32>
        %swap3A_239 = vector.shape_cast %add3A_235 : vector<16xi32> to vector<16xi32>
        tpu.vector_store %arg18[%swap3A_236], %swap3A_239 {strides = array<i32>} : memref<128xi32, #tpu.memory_space<vmem>>, vector<16xi32>,
        %get3A_240 = arith.constant 16 : index
        %get3A_241 = tpu.vector_load %arg11[%get3A_240] {strides = array<i32>} : memref<512xi32, #tpu.memory_space<vmem>>, vector<16xi32>,
        %get3A_242 = vector.shape_cast %get3A_241 : vector<16xi32> to vector<16xi32>
        %mul3A_243 = arith.constant 64 : i32
        %mul3A_244 = vector.broadcast %mul3A_243 : i32 to vector<16xi32>
        %mul3A_245 = arith.muli %get3A_242, %mul3A_244 : vector<16xi32>
        %get3A_246 = arith.constant 16 : index
        %get3A_247 = tpu.vector_load %arg13[%get3A_246] {strides = array<i32>} : memref<512xi32, #tpu.memory_space<vmem>>, vector<16xi32>,
        %get3A_248 = vector.shape_cast %get3A_247 : vector<16xi32> to vector<16xi32>
        %add3A_249 = arith.addi %mul3A_245, %get3A_248 : vector<16xi32>
        %swap3A_250 = arith.constant 16 : index
        %swap3A_251 = tpu.vector_load %arg18[%swap3A_250] {strides = array<i32>} : memref<128xi32, #tpu.memory_space<vmem>>, vector<16xi32>,
        %swap3A_252 = vector.shape_cast %swap3A_251 : vector<16xi32> to vector<16xi32>
        %swap3A_253 = vector.shape_cast %add3A_249 : vector<16xi32> to vector<16xi32>
        tpu.vector_store %arg18[%swap3A_250], %swap3A_253 {strides = array<i32>} : memref<128xi32, #tpu.memory_space<vmem>>, vector<16xi32>,
        %get3A_254 = arith.constant 32 : index
        %get3A_255 = tpu.vector_load %arg11[%get3A_254] {strides = array<i32>} : memref<512xi32, #tpu.memory_space<vmem>>, vector<16xi32>,
        %get3A_256 = vector.shape_cast %get3A_255 : vector<16xi32> to vector<16xi32>
        %mul3A_257 = arith.constant 64 : i32
        %mul3A_258 = vector.broadcast %mul3A_257 : i32 to vector<16xi32>
        %mul3A_259 = arith.muli %get3A_256, %mul3A_258 : vector<16xi32>
        %get3A_260 = arith.constant 32 : index
        %get3A_261 = tpu.vector_load %arg13[%get3A_260] {strides = array<i32>} : memref<512xi32, #tpu.memory_space<vmem>>, vector<16xi32>,
        %get3A_262 = vector.shape_cast %get3A_261 : vector<16xi32> to vector<16xi32>
        %add3A_263 = arith.addi %mul3A_259, %get3A_262 : vector<16xi32>
        %swap3A_264 = arith.constant 32 : index
        %swap3A_265 = tpu.vector_load %arg18[%swap3A_264] {strides = array<i32>} : memref<128xi32, #tpu.memory_space<vmem>>, vector<16xi32>,
        %swap3A_266 = vector.shape_cast %swap3A_265 : vector<16xi32> to vector<16xi32>
        %swap3A_267 = vector.shape_cast %add3A_263 : vector<16xi32> to vector<16xi32>
        tpu.vector_store %arg18[%swap3A_264], %swap3A_267 {strides = array<i32>} : memref<128xi32, #tpu.memory_space<vmem>>, vector<16xi32>,
        %get3A_268 = arith.constant 48 : index
        %get3A_269 = tpu.vector_load %arg11[%get3A_268] {strides = array<i32>} : memref<512xi32, #tpu.memory_space<vmem>>, vector<16xi32>,
        %get3A_270 = vector.shape_cast %get3A_269 : vector<16xi32> to vector<16xi32>
        %mul3A_271 = arith.constant 64 : i32
        %mul3A_272 = vector.broadcast %mul3A_271 : i32 to vector<16xi32>
        %mul3A_273 = arith.muli %get3A_270, %mul3A_272 : vector<16xi32>
        %get3A_274 = arith.constant 48 : index
        %get3A_275 = tpu.vector_load %arg13[%get3A_274] {strides = array<i32>} : memref<512xi32, #tpu.memory_space<vmem>>, vector<16xi32>,
        %get3A_276 = vector.shape_cast %get3A_275 : vector<16xi32> to vector<16xi32>
        %add3A_277 = arith.addi %mul3A_273, %get3A_276 : vector<16xi32>
        %swap3A_278 = arith.constant 48 : index
        %swap3A_279 = tpu.vector_load %arg18[%swap3A_278] {strides = array<i32>} : memref<128xi32, #tpu.memory_space<vmem>>, vector<16xi32>,
        %swap3A_280 = vector.shape_cast %swap3A_279 : vector<16xi32> to vector<16xi32>
        %swap3A_281 = vector.shape_cast %add3A_277 : vector<16xi32> to vector<16xi32>
        tpu.vector_store %arg18[%swap3A_278], %swap3A_281 {strides = array<i32>} : memref<128xi32, #tpu.memory_space<vmem>>, vector<16xi32>,
        %get3A_282 = arith.constant 64 : index
        %get3A_283 = tpu.vector_load %arg11[%get3A_282] {strides = array<i32>} : memref<512xi32, #tpu.memory_space<vmem>>, vector<16xi32>,
        %get3A_284 = vector.shape_cast %get3A_283 : vector<16xi32> to vector<16xi32>
        %mul3A_285 = arith.constant 64 : i32
        %mul3A_286 = vector.broadcast %mul3A_285 : i32 to vector<16xi32>
        %mul3A_287 = arith.muli %get3A_284, %mul3A_286 : vector<16xi32>
        %get3A_288 = arith.constant 64 : index
        %get3A_289 = tpu.vector_load %arg13[%get3A_288] {strides = array<i32>} : memref<512xi32, #tpu.memory_space<vmem>>, vector<16xi32>,
        %get3A_290 = vector.shape_cast %get3A_289 : vector<16xi32> to vector<16xi32>
        %add3A_291 = arith.addi %mul3A_287, %get3A_290 : vector<16xi32>
        %swap3A_292 = arith.constant 64 : index
        %swap3A_293 = tpu.vector_load %arg18[%swap3A_292] {strides = array<i32>} : memref<128xi32, #tpu.memory_space<vmem>>, vector<16xi32>,
        %swap3A_294 = vector.shape_cast %swap3A_293 : vector<16xi32> to vector<16xi32>
        %swap3A_295 = vector.shape_cast %add3A_291 : vector<16xi32> to vector<16xi32>
        tpu.vector_store %arg18[%swap3A_292], %swap3A_295 {strides = array<i32>} : memref<128xi32, #tpu.memory_space<vmem>>, vector<16xi32>,
        %get3A_296 = arith.constant 80 : index
        %get3A_297 = tpu.vector_load %arg11[%get3A_296] {strides = array<i32>} : memref<512xi32, #tpu.memory_space<vmem>>, vector<16xi32>,
        %get3A_298 = vector.shape_cast %get3A_297 : vector<16xi32> to vector<16xi32>
        %mul3A_299 = arith.constant 64 : i32
        %mul3A_300 = vector.broadcast %mul3A_299 : i32 to vector<16xi32>
        %mul3A_301 = arith.muli %get3A_298, %mul3A_300 : vector<16xi32>
        %get3A_302 = arith.constant 80 : index
        %get3A_303 = tpu.vector_load %arg13[%get3A_302] {strides = array<i32>} : memref<512xi32, #tpu.memory_space<vmem>>, vector<16xi32>,
        %get3A_304 = vector.shape_cast %get3A_303 : vector<16xi32> to vector<16xi32>
        %add3A_305 = arith.addi %mul3A_301, %get3A_304 : vector<16xi32>
        %swap3A_306 = arith.constant 80 : index
        %swap3A_307 = tpu.vector_load %arg18[%swap3A_306] {strides = array<i32>} : memref<128xi32, #tpu.memory_space<vmem>>, vector<16xi32>,
        %swap3A_308 = vector.shape_cast %swap3A_307 : vector<16xi32> to vector<16xi32>
        %swap3A_309 = vector.shape_cast %add3A_305 : vector<16xi32> to vector<16xi32>
        tpu.vector_store %arg18[%swap3A_306], %swap3A_309 {strides = array<i32>} : memref<128xi32, #tpu.memory_space<vmem>>, vector<16xi32>,
        %get3A_310 = arith.constant 96 : index
        %get3A_311 = tpu.vector_load %arg11[%get3A_310] {strides = array<i32>} : memref<512xi32, #tpu.memory_space<vmem>>, vector<16xi32>,
        %get3A_312 = vector.shape_cast %get3A_311 : vector<16xi32> to vector<16xi32>
        %mul3A_313 = arith.constant 64 : i32
        %mul3A_314 = vector.broadcast %mul3A_313 : i32 to vector<16xi32>
        %mul3A_315 = arith.muli %get3A_312, %mul3A_314 : vector<16xi32>
        %get3A_316 = arith.constant 96 : index
        %get3A_317 = tpu.vector_load %arg13[%get3A_316] {strides = array<i32>} : memref<512xi32, #tpu.memory_space<vmem>>, vector<16xi32>,
        %get3A_318 = vector.shape_cast %get3A_317 : vector<16xi32> to vector<16xi32>
        %add3A_319 = arith.addi %mul3A_315, %get3A_318 : vector<16xi32>
        %swap3A_320 = arith.constant 96 : index
        %swap3A_321 = tpu.vector_load %arg18[%swap3A_320] {strides = array<i32>} : memref<128xi32, #tpu.memory_space<vmem>>, vector<16xi32>,
        %swap3A_322 = vector.shape_cast %swap3A_321 : vector<16xi32> to vector<16xi32>
        %swap3A_323 = vector.shape_cast %add3A_319 : vector<16xi32> to vector<16xi32>
        tpu.vector_store %arg18[%swap3A_320], %swap3A_323 {strides = array<i32>} : memref<128xi32, #tpu.memory_space<vmem>>, vector<16xi32>,
        %get3A_324 = arith.constant 112 : index
        %get3A_325 = tpu.vector_load %arg11[%get3A_324] {strides = array<i32>} : memref<512xi32, #tpu.memory_space<vmem>>, vector<16xi32>,
        %get3A_326 = vector.shape_cast %get3A_325 : vector<16xi32> to vector<16xi32>
        %mul3A_327 = arith.constant 64 : i32
        %mul3A_328 = vector.broadcast %mul3A_327 : i32 to vector<16xi32>
        %mul3A_329 = arith.muli %get3A_326, %mul3A_328 : vector<16xi32>
        %get3A_330 = arith.constant 112 : index
        %get3A_331 = tpu.vector_load %arg13[%get3A_330] {strides = array<i32>} : memref<512xi32, #tpu.memory_space<vmem>>, vector<16xi32>,
        %get3A_332 = vector.shape_cast %get3A_331 : vector<16xi32> to vector<16xi32>
        %add3A_333 = arith.addi %mul3A_329, %get3A_332 : vector<16xi32>
        %swap3A_334 = arith.constant 112 : index
        %swap3A_335 = tpu.vector_load %arg18[%swap3A_334] {strides = array<i32>} : memref<128xi32, #tpu.memory_space<vmem>>, vector<16xi32>,
        %swap3A_336 = vector.shape_cast %swap3A_335 : vector<16xi32> to vector<16xi32>
        %swap3A_337 = vector.shape_cast %add3A_333 : vector<16xi32> to vector<16xi32>
        tpu.vector_store %arg18[%swap3A_334], %swap3A_337 {strides = array<i32>} : memref<128xi32, #tpu.memory_space<vmem>>, vector<16xi32>,
        %get3A_338 = arith.constant 128 : index
        %get3A_339 = tpu.vector_load %arg11[%get3A_338] {strides = array<i32>} : memref<512xi32, #tpu.memory_space<vmem>>, vector<16xi32>,
        %get3A_340 = vector.shape_cast %get3A_339 : vector<16xi32> to vector<16xi32>
        %mul3A_341 = arith.constant 64 : i32
        %mul3A_342 = vector.broadcast %mul3A_341 : i32 to vector<16xi32>
        %mul3A_343 = arith.muli %get3A_340, %mul3A_342 : vector<16xi32>
        %get3A_344 = arith.constant 128 : index
        %get3A_345 = tpu.vector_load %arg13[%get3A_344] {strides = array<i32>} : memref<512xi32, #tpu.memory_space<vmem>>, vector<16xi32>,
        %get3A_346 = vector.shape_cast %get3A_345 : vector<16xi32> to vector<16xi32>
        %add3A_347 = arith.addi %mul3A_343, %get3A_346 : vector<16xi32>
        %swap3A_348 = arith.constant 0 : index
        %swap3A_349 = tpu.vector_load %arg19[%swap3A_348] {strides = array<i32>} : memref<128xi32, #tpu.memory_space<vmem>>, vector<16xi32>,
        %swap3A_350 = vector.shape_cast %swap3A_349 : vector<16xi32> to vector<16xi32>
        %swap3A_351 = vector.shape_cast %add3A_347 : vector<16xi32> to vector<16xi32>
        tpu.vector_store %arg19[%swap3A_348], %swap3A_351 {strides = array<i32>} : memref<128xi32, #tpu.memory_space<vmem>>, vector<16xi32>,
        %get3A_352 = arith.constant 144 : index
        %get3A_353 = tpu.vector_load %arg11[%get3A_352] {strides = array<i32>} : memref<512xi32, #tpu.memory_space<vmem>>, vector<16xi32>,
        %get3A_354 = vector.shape_cast %get3A_353 : vector<16xi32> to vector<16xi32>
        %mul3A_355 = arith.constant 64 : i32
        %mul3A_356 = vector.broadcast %mul3A_355 : i32 to vector<16xi32>
        %mul3A_357 = arith.muli %get3A_354, %mul3A_356 : vector<16xi32>
        %get3A_358 = arith.constant 144 : index
        %get3A_359 = tpu.vector_load %arg13[%get3A_358] {strides = array<i32>} : memref<512xi32, #tpu.memory_space<vmem>>, vector<16xi32>,
        %get3A_360 = vector.shape_cast %get3A_359 : vector<16xi32> to vector<16xi32>
        %add3A_361 = arith.addi %mul3A_357, %get3A_360 : vector<16xi32>
        %swap3A_362 = arith.constant 16 : index
        %swap3A_363 = tpu.vector_load %arg19[%swap3A_362] {strides = array<i32>} : memref<128xi32, #tpu.memory_space<vmem>>, vector<16xi32>,
        %swap3A_364 = vector.shape_cast %swap3A_363 : vector<16xi32> to vector<16xi32>
        %swap3A_365 = vector.shape_cast %add3A_361 : vector<16xi32> to vector<16xi32>
        tpu.vector_store %arg19[%swap3A_362], %swap3A_365 {strides = array<i32>} : memref<128xi32, #tpu.memory_space<vmem>>, vector<16xi32>,
        %get3A_366 = arith.constant 160 : index
        %get3A_367 = tpu.vector_load %arg11[%get3A_366] {strides = array<i32>} : memref<512xi32, #tpu.memory_space<vmem>>, vector<16xi32>,
        %get3A_368 = vector.shape_cast %get3A_367 : vector<16xi32> to vector<16xi32>
        %mul3A_369 = arith.constant 64 : i32
        %mul3A_370 = vector.broadcast %mul3A_369 : i32 to vector<16xi32>
        %mul3A_371 = arith.muli %get3A_368, %mul3A_370 : vector<16xi32>
        %get3A_372 = arith.constant 160 : index
        %get3A_373 = tpu.vector_load %arg13[%get3A_372] {strides = array<i32>} : memref<512xi32, #tpu.memory_space<vmem>>, vector<16xi32>,
        %get3A_374 = vector.shape_cast %get3A_373 : vector<16xi32> to vector<16xi32>
        %add3A_375 = arith.addi %mul3A_371, %get3A_374 : vector<16xi32>
        %swap3A_376 = arith.constant 32 : index
        %swap3A_377 = tpu.vector_load %arg19[%swap3A_376] {strides = array<i32>} : memref<128xi32, #tpu.memory_space<vmem>>, vector<16xi32>,
        %swap3A_378 = vector.shape_cast %swap3A_377 : vector<16xi32> to vector<16xi32>
        %swap3A_379 = vector.shape_cast %add3A_375 : vector<16xi32> to vector<16xi32>
        tpu.vector_store %arg19[%swap3A_376], %swap3A_379 {strides = array<i32>} : memref<128xi32, #tpu.memory_space<vmem>>, vector<16xi32>,
        %get3A_380 = arith.constant 176 : index
        %get3A_381 = tpu.vector_load %arg11[%get3A_380] {strides = array<i32>} : memref<512xi32, #tpu.memory_space<vmem>>, vector<16xi32>,
        %get3A_382 = vector.shape_cast %get3A_381 : vector<16xi32> to vector<16xi32>
        %mul3A_383 = arith.constant 64 : i32
        %mul3A_384 = vector.broadcast %mul3A_383 : i32 to vector<16xi32>
        %mul3A_385 = arith.muli %get3A_382, %mul3A_384 : vector<16xi32>
        %get3A_386 = arith.constant 176 : index
        %get3A_387 = tpu.vector_load %arg13[%get3A_386] {strides = array<i32>} : memref<512xi32, #tpu.memory_space<vmem>>, vector<16xi32>,
        %get3A_388 = vector.shape_cast %get3A_387 : vector<16xi32> to vector<16xi32>
        %add3A_389 = arith.addi %mul3A_385, %get3A_388 : vector<16xi32>
        %swap3A_390 = arith.constant 48 : index
        %swap3A_391 = tpu.vector_load %arg19[%swap3A_390] {strides = array<i32>} : memref<128xi32, #tpu.memory_space<vmem>>, vector<16xi32>,
        %swap3A_392 = vector.shape_cast %swap3A_391 : vector<16xi32> to vector<16xi32>
        %swap3A_393 = vector.shape_cast %add3A_389 : vector<16xi32> to vector<16xi32>
        tpu.vector_store %arg19[%swap3A_390], %swap3A_393 {strides = array<i32>} : memref<128xi32, #tpu.memory_space<vmem>>, vector<16xi32>,
        %get3A_394 = arith.constant 192 : index
        %get3A_395 = tpu.vector_load %arg11[%get3A_394] {strides = array<i32>} : memref<512xi32, #tpu.memory_space<vmem>>, vector<16xi32>,
        %get3A_396 = vector.shape_cast %get3A_395 : vector<16xi32> to vector<16xi32>
        %mul3A_397 = arith.constant 64 : i32
        %mul3A_398 = vector.broadcast %mul3A_397 : i32 to vector<16xi32>
        %mul3A_399 = arith.muli %get3A_396, %mul3A_398 : vector<16xi32>
        %get3A_400 = arith.constant 192 : index
        %get3A_401 = tpu.vector_load %arg13[%get3A_400] {strides = array<i32>} : memref<512xi32, #tpu.memory_space<vmem>>, vector<16xi32>,
        %get3A_402 = vector.shape_cast %get3A_401 : vector<16xi32> to vector<16xi32>
        %add3A_403 = arith.addi %mul3A_399, %get3A_402 : vector<16xi32>
        %swap3A_404 = arith.constant 64 : index
        %swap3A_405 = tpu.vector_load %arg19[%swap3A_404] {strides = array<i32>} : memref<128xi32, #tpu.memory_space<vmem>>, vector<16xi32>,
        %swap3A_406 = vector.shape_cast %swap3A_405 : vector<16xi32> to vector<16xi32>
        %swap3A_407 = vector.shape_cast %add3A_403 : vector<16xi32> to vector<16xi32>
        tpu.vector_store %arg19[%swap3A_404], %swap3A_407 {strides = array<i32>} : memref<128xi32, #tpu.memory_space<vmem>>, vector<16xi32>,
        %get3A_408 = arith.constant 208 : index
        %get3A_409 = tpu.vector_load %arg11[%get3A_408] {strides = array<i32>} : memref<512xi32, #tpu.memory_space<vmem>>, vector<16xi32>,
        %get3A_410 = vector.shape_cast %get3A_409 : vector<16xi32> to vector<16xi32>
        %mul3A_411 = arith.constant 64 : i32
        %mul3A_412 = vector.broadcast %mul3A_411 : i32 to vector<16xi32>
        %mul3A_413 = arith.muli %get3A_410, %mul3A_412 : vector<16xi32>
        %get3A_414 = arith.constant 208 : index
        %get3A_415 = tpu.vector_load %arg13[%get3A_414] {strides = array<i32>} : memref<512xi32, #tpu.memory_space<vmem>>, vector<16xi32>,
        %get3A_416 = vector.shape_cast %get3A_415 : vector<16xi32> to vector<16xi32>
        %add3A_417 = arith.addi %mul3A_413, %get3A_416 : vector<16xi32>
        %swap3A_418 = arith.constant 80 : index
        %swap3A_419 = tpu.vector_load %arg19[%swap3A_418] {strides = array<i32>} : memref<128xi32, #tpu.memory_space<vmem>>, vector<16xi32>,
        %swap3A_420 = vector.shape_cast %swap3A_419 : vector<16xi32> to vector<16xi32>
        %swap3A_421 = vector.shape_cast %add3A_417 : vector<16xi32> to vector<16xi32>
        tpu.vector_store %arg19[%swap3A_418], %swap3A_421 {strides = array<i32>} : memref<128xi32, #tpu.memory_space<vmem>>, vector<16xi32>,
        %get3A_422 = arith.constant 224 : index
        %get3A_423 = tpu.vector_load %arg11[%get3A_422] {strides = array<i32>} : memref<512xi32, #tpu.memory_space<vmem>>, vector<16xi32>,
        %get3A_424 = vector.shape_cast %get3A_423 : vector<16xi32> to vector<16xi32>
        %mul3A_425 = arith.constant 64 : i32
        %mul3A_426 = vector.broadcast %mul3A_425 : i32 to vector<16xi32>
        %mul3A_427 = arith.muli %get3A_424, %mul3A_426 : vector<16xi32>
        %get3A_428 = arith.constant 224 : index
        %get3A_429 = tpu.vector_load %arg13[%get3A_428] {strides = array<i32>} : memref<512xi32, #tpu.memory_space<vmem>>, vector<16xi32>,
        %get3A_430 = vector.shape_cast %get3A_429 : vector<16xi32> to vector<16xi32>
        %add3A_431 = arith.addi %mul3A_427, %get3A_430 : vector<16xi32>
        %swap3A_432 = arith.constant 96 : index
        %swap3A_433 = tpu.vector_load %arg19[%swap3A_432] {strides = array<i32>} : memref<128xi32, #tpu.memory_space<vmem>>, vector<16xi32>,
        %swap3A_434 = vector.shape_cast %swap3A_433 : vector<16xi32> to vector<16xi32>
        %swap3A_435 = vector.shape_cast %add3A_431 : vector<16xi32> to vector<16xi32>
        tpu.vector_store %arg19[%swap3A_432], %swap3A_435 {strides = array<i32>} : memref<128xi32, #tpu.memory_space<vmem>>, vector<16xi32>,
        %get3A_436 = arith.constant 240 : index
        %get3A_437 = tpu.vector_load %arg11[%get3A_436] {strides = array<i32>} : memref<512xi32, #tpu.memory_space<vmem>>, vector<16xi32>,
        %get3A_438 = vector.shape_cast %get3A_437 : vector<16xi32> to vector<16xi32>
        %mul3A_439 = arith.constant 64 : i32
        %mul3A_440 = vector.broadcast %mul3A_439 : i32 to vector<16xi32>
        %mul3A_441 = arith.muli %get3A_438, %mul3A_440 : vector<16xi32>
        %get3A_442 = arith.constant 240 : index
        %get3A_443 = tpu.vector_load %arg13[%get3A_442] {strides = array<i32>} : memref<512xi32, #tpu.memory_space<vmem>>, vector<16xi32>,
        %get3A_444 = vector.shape_cast %get3A_443 : vector<16xi32> to vector<16xi32>
        %add3A_445 = arith.addi %mul3A_441, %get3A_444 : vector<16xi32>
        %swap3A_446 = arith.constant 112 : index
        %swap3A_447 = tpu.vector_load %arg19[%swap3A_446] {strides = array<i32>} : memref<128xi32, #tpu.memory_space<vmem>>, vector<16xi32>,
        %swap3A_448 = vector.shape_cast %swap3A_447 : vector<16xi32> to vector<16xi32>
        %swap3A_449 = vector.shape_cast %add3A_445 : vector<16xi32> to vector<16xi32>
        tpu.vector_store %arg19[%swap3A_446], %swap3A_449 {strides = array<i32>} : memref<128xi32, #tpu.memory_space<vmem>>, vector<16xi32>,
        %get3A_450 = arith.constant 256 : index
        %get3A_451 = tpu.vector_load %arg11[%get3A_450] {strides = array<i32>} : memref<512xi32, #tpu.memory_space<vmem>>, vector<16xi32>,
        %get3A_452 = vector.shape_cast %get3A_451 : vector<16xi32> to vector<16xi32>
        %mul3A_453 = arith.constant 64 : i32
        %mul3A_454 = vector.broadcast %mul3A_453 : i32 to vector<16xi32>
        %mul3A_455 = arith.muli %get3A_452, %mul3A_454 : vector<16xi32>
        %get3A_456 = arith.constant 256 : index
        %get3A_457 = tpu.vector_load %arg13[%get3A_456] {strides = array<i32>} : memref<512xi32, #tpu.memory_space<vmem>>, vector<16xi32>,
        %get3A_458 = vector.shape_cast %get3A_457 : vector<16xi32> to vector<16xi32>
        %add3A_459 = arith.addi %mul3A_455, %get3A_458 : vector<16xi32>
        %swap3A_460 = arith.constant 0 : index
        %swap3A_461 = tpu.vector_load %arg20[%swap3A_460] {strides = array<i32>} : memref<128xi32, #tpu.memory_space<vmem>>, vector<16xi32>,
        %swap3A_462 = vector.shape_cast %swap3A_461 : vector<16xi32> to vector<16xi32>
        %swap3A_463 = vector.shape_cast %add3A_459 : vector<16xi32> to vector<16xi32>
        tpu.vector_store %arg20[%swap3A_460], %swap3A_463 {strides = array<i32>} : memref<128xi32, #tpu.memory_space<vmem>>, vector<16xi32>,
        %get3A_464 = arith.constant 272 : index
        %get3A_465 = tpu.vector_load %arg11[%get3A_464] {strides = array<i32>} : memref<512xi32, #tpu.memory_space<vmem>>, vector<16xi32>,
        %get3A_466 = vector.shape_cast %get3A_465 : vector<16xi32> to vector<16xi32>
        %mul3A_467 = arith.constant 64 : i32
        %mul3A_468 = vector.broadcast %mul3A_467 : i32 to vector<16xi32>
        %mul3A_469 = arith.muli %get3A_466, %mul3A_468 : vector<16xi32>
        %get3A_470 = arith.constant 272 : index
        %get3A_471 = tpu.vector_load %arg13[%get3A_470] {strides = array<i32>} : memref<512xi32, #tpu.memory_space<vmem>>, vector<16xi32>,
        %get3A_472 = vector.shape_cast %get3A_471 : vector<16xi32> to vector<16xi32>
        %add3A_473 = arith.addi %mul3A_469, %get3A_472 : vector<16xi32>
        %swap3A_474 = arith.constant 16 : index
        %swap3A_475 = tpu.vector_load %arg20[%swap3A_474] {strides = array<i32>} : memref<128xi32, #tpu.memory_space<vmem>>, vector<16xi32>,
        %swap3A_476 = vector.shape_cast %swap3A_475 : vector<16xi32> to vector<16xi32>
        %swap3A_477 = vector.shape_cast %add3A_473 : vector<16xi32> to vector<16xi32>
        tpu.vector_store %arg20[%swap3A_474], %swap3A_477 {strides = array<i32>} : memref<128xi32, #tpu.memory_space<vmem>>, vector<16xi32>,
        %get3A_478 = arith.constant 288 : index
        %get3A_479 = tpu.vector_load %arg11[%get3A_478] {strides = array<i32>} : memref<512xi32, #tpu.memory_space<vmem>>, vector<16xi32>,
        %get3A_480 = vector.shape_cast %get3A_479 : vector<16xi32> to vector<16xi32>
        %mul3A_481 = arith.constant 64 : i32
        %mul3A_482 = vector.broadcast %mul3A_481 : i32 to vector<16xi32>
        %mul3A_483 = arith.muli %get3A_480, %mul3A_482 : vector<16xi32>
        %get3A_484 = arith.constant 288 : index
        %get3A_485 = tpu.vector_load %arg13[%get3A_484] {strides = array<i32>} : memref<512xi32, #tpu.memory_space<vmem>>, vector<16xi32>,
        %get3A_486 = vector.shape_cast %get3A_485 : vector<16xi32> to vector<16xi32>
        %add3A_487 = arith.addi %mul3A_483, %get3A_486 : vector<16xi32>
        %swap3A_488 = arith.constant 32 : index
        %swap3A_489 = tpu.vector_load %arg20[%swap3A_488] {strides = array<i32>} : memref<128xi32, #tpu.memory_space<vmem>>, vector<16xi32>,
        %swap3A_490 = vector.shape_cast %swap3A_489 : vector<16xi32> to vector<16xi32>
        %swap3A_491 = vector.shape_cast %add3A_487 : vector<16xi32> to vector<16xi32>
        tpu.vector_store %arg20[%swap3A_488], %swap3A_491 {strides = array<i32>} : memref<128xi32, #tpu.memory_space<vmem>>, vector<16xi32>,
        %get3A_492 = arith.constant 304 : index
        %get3A_493 = tpu.vector_load %arg11[%get3A_492] {strides = array<i32>} : memref<512xi32, #tpu.memory_space<vmem>>, vector<16xi32>,
        %get3A_494 = vector.shape_cast %get3A_493 : vector<16xi32> to vector<16xi32>
        %mul3A_495 = arith.constant 64 : i32
        %mul3A_496 = vector.broadcast %mul3A_495 : i32 to vector<16xi32>
        %mul3A_497 = arith.muli %get3A_494, %mul3A_496 : vector<16xi32>
        %get3A_498 = arith.constant 304 : index
        %get3A_499 = tpu.vector_load %arg13[%get3A_498] {strides = array<i32>} : memref<512xi32, #tpu.memory_space<vmem>>, vector<16xi32>,
        %get3A_500 = vector.shape_cast %get3A_499 : vector<16xi32> to vector<16xi32>
        %add3A_501 = arith.addi %mul3A_497, %get3A_500 : vector<16xi32>
        %swap3A_502 = arith.constant 48 : index
        %swap3A_503 = tpu.vector_load %arg20[%swap3A_502] {strides = array<i32>} : memref<128xi32, #tpu.memory_space<vmem>>, vector<16xi32>,
        %swap3A_504 = vector.shape_cast %swap3A_503 : vector<16xi32> to vector<16xi32>
        %swap3A_505 = vector.shape_cast %add3A_501 : vector<16xi32> to vector<16xi32>
        tpu.vector_store %arg20[%swap3A_502], %swap3A_505 {strides = array<i32>} : memref<128xi32, #tpu.memory_space<vmem>>, vector<16xi32>,
        %get3A_506 = arith.constant 320 : index
        %get3A_507 = tpu.vector_load %arg11[%get3A_506] {strides = array<i32>} : memref<512xi32, #tpu.memory_space<vmem>>, vector<16xi32>,
        %get3A_508 = vector.shape_cast %get3A_507 : vector<16xi32> to vector<16xi32>
        %mul3A_509 = arith.constant 64 : i32
        %mul3A_510 = vector.broadcast %mul3A_509 : i32 to vector<16xi32>
        %mul3A_511 = arith.muli %get3A_508, %mul3A_510 : vector<16xi32>
        %get3A_512 = arith.constant 320 : index
        %get3A_513 = tpu.vector_load %arg13[%get3A_512] {strides = array<i32>} : memref<512xi32, #tpu.memory_space<vmem>>, vector<16xi32>,
        %get3A_514 = vector.shape_cast %get3A_513 : vector<16xi32> to vector<16xi32>
        %add3A_515 = arith.addi %mul3A_511, %get3A_514 : vector<16xi32>
        %swap3A_516 = arith.constant 64 : index
        %swap3A_517 = tpu.vector_load %arg20[%swap3A_516] {strides = array<i32>} : memref<128xi32, #tpu.memory_space<vmem>>, vector<16xi32>,
        %swap3A_518 = vector.shape_cast %swap3A_517 : vector<16xi32> to vector<16xi32>
        %swap3A_519 = vector.shape_cast %add3A_515 : vector<16xi32> to vector<16xi32>
        tpu.vector_store %arg20[%swap3A_516], %swap3A_519 {strides = array<i32>} : memref<128xi32, #tpu.memory_space<vmem>>, vector<16xi32>,
        %get3A_520 = arith.constant 336 : index
        %get3A_521 = tpu.vector_load %arg11[%get3A_520] {strides = array<i32>} : memref<512xi32, #tpu.memory_space<vmem>>, vector<16xi32>,
        %get3A_522 = vector.shape_cast %get3A_521 : vector<16xi32> to vector<16xi32>
        %mul3A_523 = arith.constant 64 : i32
        %mul3A_524 = vector.broadcast %mul3A_523 : i32 to vector<16xi32>
        %mul3A_525 = arith.muli %get3A_522, %mul3A_524 : vector<16xi32>
        %get3A_526 = arith.constant 336 : index
        %get3A_527 = tpu.vector_load %arg13[%get3A_526] {strides = array<i32>} : memref<512xi32, #tpu.memory_space<vmem>>, vector<16xi32>,
        %get3A_528 = vector.shape_cast %get3A_527 : vector<16xi32> to vector<16xi32>
        %add3A_529 = arith.addi %mul3A_525, %get3A_528 : vector<16xi32>
        %swap3A_530 = arith.constant 80 : index
        %swap3A_531 = tpu.vector_load %arg20[%swap3A_530] {strides = array<i32>} : memref<128xi32, #tpu.memory_space<vmem>>, vector<16xi32>,
        %swap3A_532 = vector.shape_cast %swap3A_531 : vector<16xi32> to vector<16xi32>
        %swap3A_533 = vector.shape_cast %add3A_529 : vector<16xi32> to vector<16xi32>
        tpu.vector_store %arg20[%swap3A_530], %swap3A_533 {strides = array<i32>} : memref<128xi32, #tpu.memory_space<vmem>>, vector<16xi32>,
        %get3A_534 = arith.constant 352 : index
        %get3A_535 = tpu.vector_load %arg11[%get3A_534] {strides = array<i32>} : memref<512xi32, #tpu.memory_space<vmem>>, vector<16xi32>,
        %get3A_536 = vector.shape_cast %get3A_535 : vector<16xi32> to vector<16xi32>
        %mul3A_537 = arith.constant 64 : i32
        %mul3A_538 = vector.broadcast %mul3A_537 : i32 to vector<16xi32>
        %mul3A_539 = arith.muli %get3A_536, %mul3A_538 : vector<16xi32>
        %get3A_540 = arith.constant 352 : index
        %get3A_541 = tpu.vector_load %arg13[%get3A_540] {strides = array<i32>} : memref<512xi32, #tpu.memory_space<vmem>>, vector<16xi32>,
        %get3A_542 = vector.shape_cast %get3A_541 : vector<16xi32> to vector<16xi32>
        %add3A_543 = arith.addi %mul3A_539, %get3A_542 : vector<16xi32>
        %swap3A_544 = arith.constant 96 : index
        %swap3A_545 = tpu.vector_load %arg20[%swap3A_544] {strides = array<i32>} : memref<128xi32, #tpu.memory_space<vmem>>, vector<16xi32>,
        %swap3A_546 = vector.shape_cast %swap3A_545 : vector<16xi32> to vector<16xi32>
        %swap3A_547 = vector.shape_cast %add3A_543 : vector<16xi32> to vector<16xi32>
        tpu.vector_store %arg20[%swap3A_544], %swap3A_547 {strides = array<i32>} : memref<128xi32, #tpu.memory_space<vmem>>, vector<16xi32>,
        %get3A_548 = arith.constant 368 : index
        %get3A_549 = tpu.vector_load %arg11[%get3A_548] {strides = array<i32>} : memref<512xi32, #tpu.memory_space<vmem>>, vector<16xi32>,
        %get3A_550 = vector.shape_cast %get3A_549 : vector<16xi32> to vector<16xi32>
        %mul3A_551 = arith.constant 64 : i32
        %mul3A_552 = vector.broadcast %mul3A_551 : i32 to vector<16xi32>
        %mul3A_553 = arith.muli %get3A_550, %mul3A_552 : vector<16xi32>
        %get3A_554 = arith.constant 368 : index
        %get3A_555 = tpu.vector_load %arg13[%get3A_554] {strides = array<i32>} : memref<512xi32, #tpu.memory_space<vmem>>, vector<16xi32>,
        %get3A_556 = vector.shape_cast %get3A_555 : vector<16xi32> to vector<16xi32>
        %add3A_557 = arith.addi %mul3A_553, %get3A_556 : vector<16xi32>
        %swap3A_558 = arith.constant 112 : index
        %swap3A_559 = tpu.vector_load %arg20[%swap3A_558] {strides = array<i32>} : memref<128xi32, #tpu.memory_space<vmem>>, vector<16xi32>,
        %swap3A_560 = vector.shape_cast %swap3A_559 : vector<16xi32> to vector<16xi32>
        %swap3A_561 = vector.shape_cast %add3A_557 : vector<16xi32> to vector<16xi32>
        tpu.vector_store %arg20[%swap3A_558], %swap3A_561 {strides = array<i32>} : memref<128xi32, #tpu.memory_space<vmem>>, vector<16xi32>,
        %get3A_562 = arith.constant 384 : index
        %get3A_563 = tpu.vector_load %arg11[%get3A_562] {strides = array<i32>} : memref<512xi32, #tpu.memory_space<vmem>>, vector<16xi32>,
        %get3A_564 = vector.shape_cast %get3A_563 : vector<16xi32> to vector<16xi32>
        %mul3A_565 = arith.constant 64 : i32
        %mul3A_566 = vector.broadcast %mul3A_565 : i32 to vector<16xi32>
        %mul3A_567 = arith.muli %get3A_564, %mul3A_566 : vector<16xi32>
        %get3A_568 = arith.constant 384 : index
        %get3A_569 = tpu.vector_load %arg13[%get3A_568] {strides = array<i32>} : memref<512xi32, #tpu.memory_space<vmem>>, vector<16xi32>,
        %get3A_570 = vector.shape_cast %get3A_569 : vector<16xi32> to vector<16xi32>
        %add3A_571 = arith.addi %mul3A_567, %get3A_570 : vector<16xi32>
        %swap3A_572 = arith.constant 0 : index
        %swap3A_573 = tpu.vector_load %arg21[%swap3A_572] {strides = array<i32>} : memref<128xi32, #tpu.memory_space<vmem>>, vector<16xi32>,
        %swap3A_574 = vector.shape_cast %swap3A_573 : vector<16xi32> to vector<16xi32>
        %swap3A_575 = vector.shape_cast %add3A_571 : vector<16xi32> to vector<16xi32>
        tpu.vector_store %arg21[%swap3A_572], %swap3A_575 {strides = array<i32>} : memref<128xi32, #tpu.memory_space<vmem>>, vector<16xi32>,
        %get3A_576 = arith.constant 400 : index
        %get3A_577 = tpu.vector_load %arg11[%get3A_576] {strides = array<i32>} : memref<512xi32, #tpu.memory_space<vmem>>, vector<16xi32>,
        %get3A_578 = vector.shape_cast %get3A_577 : vector<16xi32> to vector<16xi32>
        %mul3A_579 = arith.constant 64 : i32
        %mul3A_580 = vector.broadcast %mul3A_579 : i32 to vector<16xi32>
        %mul3A_581 = arith.muli %get3A_578, %mul3A_580 : vector<16xi32>
        %get3A_582 = arith.constant 400 : index
        %get3A_583 = tpu.vector_load %arg13[%get3A_582] {strides = array<i32>} : memref<512xi32, #tpu.memory_space<vmem>>, vector<16xi32>,
        %get3A_584 = vector.shape_cast %get3A_583 : vector<16xi32> to vector<16xi32>
        %add3A_585 = arith.addi %mul3A_581, %get3A_584 : vector<16xi32>
        %swap3A_586 = arith.constant 16 : index
        %swap3A_587 = tpu.vector_load %arg21[%swap3A_586] {strides = array<i32>} : memref<128xi32, #tpu.memory_space<vmem>>, vector<16xi32>,
        %swap3A_588 = vector.shape_cast %swap3A_587 : vector<16xi32> to vector<16xi32>
        %swap3A_589 = vector.shape_cast %add3A_585 : vector<16xi32> to vector<16xi32>
        tpu.vector_store %arg21[%swap3A_586], %swap3A_589 {strides = array<i32>} : memref<128xi32, #tpu.memory_space<vmem>>, vector<16xi32>,
        %get3A_590 = arith.constant 416 : index
        %get3A_591 = tpu.vector_load %arg11[%get3A_590] {strides = array<i32>} : memref<512xi32, #tpu.memory_space<vmem>>, vector<16xi32>,
        %get3A_592 = vector.shape_cast %get3A_591 : vector<16xi32> to vector<16xi32>
        %mul3A_593 = arith.constant 64 : i32
        %mul3A_594 = vector.broadcast %mul3A_593 : i32 to vector<16xi32>
        %mul3A_595 = arith.muli %get3A_592, %mul3A_594 : vector<16xi32>
        %get3A_596 = arith.constant 416 : index
        %get3A_597 = tpu.vector_load %arg13[%get3A_596] {strides = array<i32>} : memref<512xi32, #tpu.memory_space<vmem>>, vector<16xi32>,
        %get3A_598 = vector.shape_cast %get3A_597 : vector<16xi32> to vector<16xi32>
        %add3A_599 = arith.addi %mul3A_595, %get3A_598 : vector<16xi32>
        %swap3A_600 = arith.constant 32 : index
        %swap3A_601 = tpu.vector_load %arg21[%swap3A_600] {strides = array<i32>} : memref<128xi32, #tpu.memory_space<vmem>>, vector<16xi32>,
        %swap3A_602 = vector.shape_cast %swap3A_601 : vector<16xi32> to vector<16xi32>
        %swap3A_603 = vector.shape_cast %add3A_599 : vector<16xi32> to vector<16xi32>
        tpu.vector_store %arg21[%swap3A_600], %swap3A_603 {strides = array<i32>} : memref<128xi32, #tpu.memory_space<vmem>>, vector<16xi32>,
        %get3A_604 = arith.constant 432 : index
        %get3A_605 = tpu.vector_load %arg11[%get3A_604] {strides = array<i32>} : memref<512xi32, #tpu.memory_space<vmem>>, vector<16xi32>,
        %get3A_606 = vector.shape_cast %get3A_605 : vector<16xi32> to vector<16xi32>
        %mul3A_607 = arith.constant 64 : i32
        %mul3A_608 = vector.broadcast %mul3A_607 : i32 to vector<16xi32>
        %mul3A_609 = arith.muli %get3A_606, %mul3A_608 : vector<16xi32>
        %get3A_610 = arith.constant 432 : index
        %get3A_611 = tpu.vector_load %arg13[%get3A_610] {strides = array<i32>} : memref<512xi32, #tpu.memory_space<vmem>>, vector<16xi32>,
        %get3A_612 = vector.shape_cast %get3A_611 : vector<16xi32> to vector<16xi32>
        %add3A_613 = arith.addi %mul3A_609, %get3A_612 : vector<16xi32>
        %swap3A_614 = arith.constant 48 : index
        %swap3A_615 = tpu.vector_load %arg21[%swap3A_614] {strides = array<i32>} : memref<128xi32, #tpu.memory_space<vmem>>, vector<16xi32>,
        %swap3A_616 = vector.shape_cast %swap3A_615 : vector<16xi32> to vector<16xi32>
        %swap3A_617 = vector.shape_cast %add3A_613 : vector<16xi32> to vector<16xi32>
        tpu.vector_store %arg21[%swap3A_614], %swap3A_617 {strides = array<i32>} : memref<128xi32, #tpu.memory_space<vmem>>, vector<16xi32>,
        %get3A_618 = arith.constant 448 : index
        %get3A_619 = tpu.vector_load %arg11[%get3A_618] {strides = array<i32>} : memref<512xi32, #tpu.memory_space<vmem>>, vector<16xi32>,
        %get3A_620 = vector.shape_cast %get3A_619 : vector<16xi32> to vector<16xi32>
        %mul3A_621 = arith.constant 64 : i32
        %mul3A_622 = vector.broadcast %mul3A_621 : i32 to vector<16xi32>
        %mul3A_623 = arith.muli %get3A_620, %mul3A_622 : vector<16xi32>
        %get3A_624 = arith.constant 448 : index
        %get3A_625 = tpu.vector_load %arg13[%get3A_624] {strides = array<i32>} : memref<512xi32, #tpu.memory_space<vmem>>, vector<16xi32>,
        %get3A_626 = vector.shape_cast %get3A_625 : vector<16xi32> to vector<16xi32>
        %add3A_627 = arith.addi %mul3A_623, %get3A_626 : vector<16xi32>
        %swap3A_628 = arith.constant 64 : index
        %swap3A_629 = tpu.vector_load %arg21[%swap3A_628] {strides = array<i32>} : memref<128xi32, #tpu.memory_space<vmem>>, vector<16xi32>,
        %swap3A_630 = vector.shape_cast %swap3A_629 : vector<16xi32> to vector<16xi32>
        %swap3A_631 = vector.shape_cast %add3A_627 : vector<16xi32> to vector<16xi32>
        tpu.vector_store %arg21[%swap3A_628], %swap3A_631 {strides = array<i32>} : memref<128xi32, #tpu.memory_space<vmem>>, vector<16xi32>,
        %get3A_632 = arith.constant 464 : index
        %get3A_633 = tpu.vector_load %arg11[%get3A_632] {strides = array<i32>} : memref<512xi32, #tpu.memory_space<vmem>>, vector<16xi32>,
        %get3A_634 = vector.shape_cast %get3A_633 : vector<16xi32> to vector<16xi32>
        %mul3A_635 = arith.constant 64 : i32
        %mul3A_636 = vector.broadcast %mul3A_635 : i32 to vector<16xi32>
        %mul3A_637 = arith.muli %get3A_634, %mul3A_636 : vector<16xi32>
        %get3A_638 = arith.constant 464 : index
        %get3A_639 = tpu.vector_load %arg13[%get3A_638] {strides = array<i32>} : memref<512xi32, #tpu.memory_space<vmem>>, vector<16xi32>,
        %get3A_640 = vector.shape_cast %get3A_639 : vector<16xi32> to vector<16xi32>
        %add3A_641 = arith.addi %mul3A_637, %get3A_640 : vector<16xi32>
        %swap3A_642 = arith.constant 80 : index
        %swap3A_643 = tpu.vector_load %arg21[%swap3A_642] {strides = array<i32>} : memref<128xi32, #tpu.memory_space<vmem>>, vector<16xi32>,
        %swap3A_644 = vector.shape_cast %swap3A_643 : vector<16xi32> to vector<16xi32>
        %swap3A_645 = vector.shape_cast %add3A_641 : vector<16xi32> to vector<16xi32>
        tpu.vector_store %arg21[%swap3A_642], %swap3A_645 {strides = array<i32>} : memref<128xi32, #tpu.memory_space<vmem>>, vector<16xi32>,
        %get3A_646 = arith.constant 480 : index
        %get3A_647 = tpu.vector_load %arg11[%get3A_646] {strides = array<i32>} : memref<512xi32, #tpu.memory_space<vmem>>, vector<16xi32>,
        %get3A_648 = vector.shape_cast %get3A_647 : vector<16xi32> to vector<16xi32>
        %mul3A_649 = arith.constant 64 : i32
        %mul3A_650 = vector.broadcast %mul3A_649 : i32 to vector<16xi32>
        %mul3A_651 = arith.muli %get3A_648, %mul3A_650 : vector<16xi32>
        %get3A_652 = arith.constant 480 : index
        %get3A_653 = tpu.vector_load %arg13[%get3A_652] {strides = array<i32>} : memref<512xi32, #tpu.memory_space<vmem>>, vector<16xi32>,
        %get3A_654 = vector.shape_cast %get3A_653 : vector<16xi32> to vector<16xi32>
        %add3A_655 = arith.addi %mul3A_651, %get3A_654 : vector<16xi32>
        %swap3A_656 = arith.constant 96 : index
        %swap3A_657 = tpu.vector_load %arg21[%swap3A_656] {strides = array<i32>} : memref<128xi32, #tpu.memory_space<vmem>>, vector<16xi32>,
        %swap3A_658 = vector.shape_cast %swap3A_657 : vector<16xi32> to vector<16xi32>
        %swap3A_659 = vector.shape_cast %add3A_655 : vector<16xi32> to vector<16xi32>
        tpu.vector_store %arg21[%swap3A_656], %swap3A_659 {strides = array<i32>} : memref<128xi32, #tpu.memory_space<vmem>>, vector<16xi32>,
        %get3A_660 = arith.constant 496 : index
        %get3A_661 = tpu.vector_load %arg11[%get3A_660] {strides = array<i32>} : memref<512xi32, #tpu.memory_space<vmem>>, vector<16xi32>,
        %get3A_662 = vector.shape_cast %get3A_661 : vector<16xi32> to vector<16xi32>
        %mul3A_663 = arith.constant 64 : i32
        %mul3A_664 = vector.broadcast %mul3A_663 : i32 to vector<16xi32>
        %mul3A_665 = arith.muli %get3A_662, %mul3A_664 : vector<16xi32>
        %get3A_666 = arith.constant 496 : index
        %get3A_667 = tpu.vector_load %arg13[%get3A_666] {strides = array<i32>} : memref<512xi32, #tpu.memory_space<vmem>>, vector<16xi32>,
        %get3A_668 = vector.shape_cast %get3A_667 : vector<16xi32> to vector<16xi32>
        %add3A_669 = arith.addi %mul3A_665, %get3A_668 : vector<16xi32>
        %swap3A_670 = arith.constant 112 : index
        %swap3A_671 = tpu.vector_load %arg21[%swap3A_670] {strides = array<i32>} : memref<128xi32, #tpu.memory_space<vmem>>, vector<16xi32>,
        %swap3A_672 = vector.shape_cast %swap3A_671 : vector<16xi32> to vector<16xi32>
        %swap3A_673 = vector.shape_cast %add3A_669 : vector<16xi32> to vector<16xi32>
        tpu.vector_store %arg21[%swap3A_670], %swap3A_673 {strides = array<i32>} : memref<128xi32, #tpu.memory_space<vmem>>, vector<16xi32>,
        %dma_start3A_674 = arith.constant 0 : i32
        %dma_start3A_675 = tpu.memref_slice %arg31[%dma_start3A_674] : memref<640000xf32, #tpu.memory_space<vmem_shared>> -> memref<640000xf32, #tpu.memory_space<vmem_shared>>
        tpu.enqueue_indirect_dma source(%arg22 : memref<128xf32, #tpu.memory_space<vmem>>) target(%dma_start3A_675 : memref<640000xf32, #tpu.memory_space<vmem_shared>>) offsets(%arg18 : memref<128xi32, #tpu.memory_space<vmem>>) semaphore(%arg35 : memref<!tpu.dma_semaphore, #tpu.memory_space<semaphore_mem>>) {add = true}
        %dma_start3A_676 = arith.constant 0 : i32
        %dma_start3A_677 = tpu.memref_slice %arg31[%dma_start3A_676] : memref<640000xf32, #tpu.memory_space<vmem_shared>> -> memref<640000xf32, #tpu.memory_space<vmem_shared>>
        tpu.enqueue_indirect_dma source(%arg22 : memref<128xf32, #tpu.memory_space<vmem>>) target(%dma_start3A_677 : memref<640000xf32, #tpu.memory_space<vmem_shared>>) offsets(%arg19 : memref<128xi32, #tpu.memory_space<vmem>>) semaphore(%arg35 : memref<!tpu.dma_semaphore, #tpu.memory_space<semaphore_mem>>) {add = true}
        %dma_start3A_678 = arith.constant 0 : i32
        %dma_start3A_679 = tpu.memref_slice %arg31[%dma_start3A_678] : memref<640000xf32, #tpu.memory_space<vmem_shared>> -> memref<640000xf32, #tpu.memory_space<vmem_shared>>
        tpu.enqueue_indirect_dma source(%arg22 : memref<128xf32, #tpu.memory_space<vmem>>) target(%dma_start3A_679 : memref<640000xf32, #tpu.memory_space<vmem_shared>>) offsets(%arg20 : memref<128xi32, #tpu.memory_space<vmem>>) semaphore(%arg35 : memref<!tpu.dma_semaphore, #tpu.memory_space<semaphore_mem>>) {add = true}
        %dma_start3A_680 = arith.constant 0 : i32
        %dma_start3A_681 = tpu.memref_slice %arg31[%dma_start3A_680] : memref<640000xf32, #tpu.memory_space<vmem_shared>> -> memref<640000xf32, #tpu.memory_space<vmem_shared>>
        tpu.enqueue_indirect_dma source(%arg22 : memref<128xf32, #tpu.memory_space<vmem>>) target(%dma_start3A_681 : memref<640000xf32, #tpu.memory_space<vmem_shared>>) offsets(%arg21 : memref<128xi32, #tpu.memory_space<vmem>>) semaphore(%arg35 : memref<!tpu.dma_semaphore, #tpu.memory_space<semaphore_mem>>) {add = true}
        %add3A_682 = arith.constant 2 : i32
        %add3A_683 = arith.addi %add3A_209, %add3A_682 : i32
        %mul3A_684 = arith.constant 32 : i32
        %mul3A_685 = arith.muli %add3A_683, %mul3A_684 : i32
        %add3A_686 = arith.addi %add3A, %mul3A_685 : i32
        %lt3A_687 = arith.constant 625 : i32
        %lt3A_688 = arith.cmpi slt, %add3A_686, %lt3A_687 : i32
        %convert_element_type3A_689 = arith.extui %lt3A_688 : i1 to i32
        %cond3A_690 = arith.constant 0 : i32
        %cond3A_691 = arith.cmpi ne, %convert_element_type3A_689, %cond3A_690 : i32
        scf.if %cond3A_691 {
          %mul3A_692 = arith.constant 512 : i32
          %mul3A_693 = arith.muli %add3A_686, %mul3A_692 : i32
          %dma_start3A_694 = tpu.memref_slice %arg3[%mul3A_693] : memref<320000xi32, #tpu.memory_space<hbm>> -> memref<512xi32, #tpu.memory_space<hbm>>
          %dma_start3A_695 = tpu.memref_slice %arg3[%mul3A_693] : memref<320000xi32, #tpu.memory_space<hbm>> -> memref<512xi32, #tpu.memory_space<hbm>>
          tpu.enqueue_dma source(%dma_start3A_695 : memref<512xi32, #tpu.memory_space<hbm>>) target(%arg11 : memref<512xi32, #tpu.memory_space<vmem>>) target_semaphore(%arg33 : memref<!tpu.dma_semaphore, #tpu.memory_space<semaphore_mem>>)
          %dma_start3A_696 = tpu.memref_slice %arg4[%mul3A_693] : memref<320000xi32, #tpu.memory_space<hbm>> -> memref<512xi32, #tpu.memory_space<hbm>>
          %dma_start3A_697 = tpu.memref_slice %arg4[%mul3A_693] : memref<320000xi32, #tpu.memory_space<hbm>> -> memref<512xi32, #tpu.memory_space<hbm>>
          tpu.enqueue_dma source(%dma_start3A_697 : memref<512xi32, #tpu.memory_space<hbm>>) target(%arg13 : memref<512xi32, #tpu.memory_space<vmem>>) target_semaphore(%arg33 : memref<!tpu.dma_semaphore, #tpu.memory_space<semaphore_mem>>)
        } else {
        }
      } else {
      }
      %scan3A_214 = arith.constant 0 : i32
      scf.yield %scan3A_214 : i32
    }
    %scan3A_110 = arith.constant 10 : i32
    %dma_wait3A = arith.constant 0 : i32
    %dma_wait3A_111 = tpu.memref_slice %arg31[%dma_wait3A] : memref<640000xf32, #tpu.memory_space<vmem_shared>> -> memref<640000xf32, #tpu.memory_space<vmem_shared>>
    tpu.wait_indirect_dma semaphore(%arg34 : memref<!tpu.dma_semaphore, #tpu.memory_space<semaphore_mem>>) src(%arg22 : memref<128xf32, #tpu.memory_space<vmem>>) dst(%dma_wait3A_111 : memref<640000xf32, #tpu.memory_space<vmem_shared>>)
    %dma_wait3A_112 = arith.constant 0 : i32
    %dma_wait3A_113 = tpu.memref_slice %arg31[%dma_wait3A_112] : memref<640000xf32, #tpu.memory_space<vmem_shared>> -> memref<640000xf32, #tpu.memory_space<vmem_shared>>
    tpu.wait_indirect_dma semaphore(%arg34 : memref<!tpu.dma_semaphore, #tpu.memory_space<semaphore_mem>>) src(%arg22 : memref<128xf32, #tpu.memory_space<vmem>>) dst(%dma_wait3A_113 : memref<640000xf32, #tpu.memory_space<vmem_shared>>)
    %dma_wait3A_114 = arith.constant 0 : i32
    %dma_wait3A_115 = tpu.memref_slice %arg31[%dma_wait3A_114] : memref<640000xf32, #tpu.memory_space<vmem_shared>> -> memref<640000xf32, #tpu.memory_space<vmem_shared>>
    tpu.wait_indirect_dma semaphore(%arg34 : memref<!tpu.dma_semaphore, #tpu.memory_space<semaphore_mem>>) src(%arg22 : memref<128xf32, #tpu.memory_space<vmem>>) dst(%dma_wait3A_115 : memref<640000xf32, #tpu.memory_space<vmem_shared>>)
    %dma_wait3A_116 = arith.constant 0 : i32
    %dma_wait3A_117 = tpu.memref_slice %arg31[%dma_wait3A_116] : memref<640000xf32, #tpu.memory_space<vmem_shared>> -> memref<640000xf32, #tpu.memory_space<vmem_shared>>
    tpu.wait_indirect_dma semaphore(%arg34 : memref<!tpu.dma_semaphore, #tpu.memory_space<semaphore_mem>>) src(%arg22 : memref<128xf32, #tpu.memory_space<vmem>>) dst(%dma_wait3A_117 : memref<640000xf32, #tpu.memory_space<vmem_shared>>)
    %dma_wait3A_118 = arith.constant 0 : i32
    %dma_wait3A_119 = tpu.memref_slice %arg31[%dma_wait3A_118] : memref<640000xf32, #tpu.memory_space<vmem_shared>> -> memref<640000xf32, #tpu.memory_space<vmem_shared>>
    tpu.wait_indirect_dma semaphore(%arg35 : memref<!tpu.dma_semaphore, #tpu.memory_space<semaphore_mem>>) src(%arg22 : memref<128xf32, #tpu.memory_space<vmem>>) dst(%dma_wait3A_119 : memref<640000xf32, #tpu.memory_space<vmem_shared>>)
    %dma_wait3A_120 = arith.constant 0 : i32
    %dma_wait3A_121 = tpu.memref_slice %arg31[%dma_wait3A_120] : memref<640000xf32, #tpu.memory_space<vmem_shared>> -> memref<640000xf32, #tpu.memory_space<vmem_shared>>
    tpu.wait_indirect_dma semaphore(%arg35 : memref<!tpu.dma_semaphore, #tpu.memory_space<semaphore_mem>>) src(%arg22 : memref<128xf32, #tpu.memory_space<vmem>>) dst(%dma_wait3A_121 : memref<640000xf32, #tpu.memory_space<vmem_shared>>)
    %dma_wait3A_122 = arith.constant 0 : i32
    %dma_wait3A_123 = tpu.memref_slice %arg31[%dma_wait3A_122] : memref<640000xf32, #tpu.memory_space<vmem_shared>> -> memref<640000xf32, #tpu.memory_space<vmem_shared>>
    tpu.wait_indirect_dma semaphore(%arg35 : memref<!tpu.dma_semaphore, #tpu.memory_space<semaphore_mem>>) src(%arg22 : memref<128xf32, #tpu.memory_space<vmem>>) dst(%dma_wait3A_123 : memref<640000xf32, #tpu.memory_space<vmem_shared>>)
    %dma_wait3A_124 = arith.constant 0 : i32
    %dma_wait3A_125 = tpu.memref_slice %arg31[%dma_wait3A_124] : memref<640000xf32, #tpu.memory_space<vmem_shared>> -> memref<640000xf32, #tpu.memory_space<vmem_shared>>
    tpu.wait_indirect_dma semaphore(%arg35 : memref<!tpu.dma_semaphore, #tpu.memory_space<semaphore_mem>>) src(%arg22 : memref<128xf32, #tpu.memory_space<vmem>>) dst(%dma_wait3A_125 : memref<640000xf32, #tpu.memory_space<vmem_shared>>)
    %gt3A_126 = arith.constant 0 : i32
    %gt3A_127 = arith.cmpi sgt, %add3A_11, %gt3A_126 : i32
    %convert_element_type3A_128 = arith.extui %gt3A_127 : i1 to i32
    %cond3A_129 = arith.constant 0 : i32
    %cond3A_130 = arith.cmpi ne, %convert_element_type3A_128, %cond3A_129 : i32
    scf.if %cond3A_130 {
      %dma_wait3A_196 = arith.constant 0 : i32
      %dma_wait3A_197 = tpu.memref_slice %arg5[%dma_wait3A_196] : memref<10000xi32, #tpu.memory_space<hbm>> -> memref<80xi32, #tpu.memory_space<hbm>>
      %dma_wait3A_198 = arith.constant 0 : i32
      %dma_wait3A_199 = tpu.memref_slice %arg5[%dma_wait3A_198] : memref<10000xi32, #tpu.memory_space<hbm>> -> memref<80xi32, #tpu.memory_space<hbm>>
      tpu.wait_dma2 semaphore(%arg36 : memref<!tpu.dma_semaphore, #tpu.memory_space<semaphore_mem>>) src(%dma_wait3A_199 : memref<80xi32, #tpu.memory_space<hbm>>) dst(%arg23 : memref<80xi32, #tpu.memory_space<vmem>>)
      %dma_start3A_200 = arith.constant 0 : i32
      %dma_start3A_201 = arith.constant 0 : i32
      %dma_start3A_202 = tpu.memref_slice %arg2[%dma_start3A_200, %dma_start3A_201] : memref<320000x128xf32, #tpu.memory_space<hbm>> -> memref<320000x128xf32, #tpu.memory_space<hbm>>
      tpu.enqueue_indirect_dma source(%dma_start3A_202 : memref<320000x128xf32, #tpu.memory_space<hbm>>) target(%arg27 : memref<80x128xf32, #tpu.memory_space<vmem>>) offsets(%arg23 : memref<80xi32, #tpu.memory_space<vmem>>) semaphore(%arg37 : memref<!tpu.dma_semaphore, #tpu.memory_space<semaphore_mem>>)
    } else {
    }
    %gt3A_131 = arith.constant 1 : i32
    %gt3A_132 = arith.cmpi sgt, %add3A_11, %gt3A_131 : i32
    %convert_element_type3A_133 = arith.extui %gt3A_132 : i1 to i32
    %cond3A_134 = arith.constant 0 : i32
    %cond3A_135 = arith.cmpi ne, %convert_element_type3A_133, %cond3A_134 : i32
    scf.if %cond3A_135 {
      %dma_wait3A_196 = arith.constant 0 : i32
      %dma_wait3A_197 = tpu.memref_slice %arg5[%dma_wait3A_196] : memref<10000xi32, #tpu.memory_space<hbm>> -> memref<80xi32, #tpu.memory_space<hbm>>
      %dma_wait3A_198 = arith.constant 0 : i32
      %dma_wait3A_199 = tpu.memref_slice %arg5[%dma_wait3A_198] : memref<10000xi32, #tpu.memory_space<hbm>> -> memref<80xi32, #tpu.memory_space<hbm>>
      tpu.wait_dma2 semaphore(%arg36 : memref<!tpu.dma_semaphore, #tpu.memory_space<semaphore_mem>>) src(%dma_wait3A_199 : memref<80xi32, #tpu.memory_space<hbm>>) dst(%arg24 : memref<80xi32, #tpu.memory_space<vmem>>)
      %dma_start3A_200 = arith.constant 0 : i32
      %dma_start3A_201 = arith.constant 0 : i32
      %dma_start3A_202 = tpu.memref_slice %arg2[%dma_start3A_200, %dma_start3A_201] : memref<320000x128xf32, #tpu.memory_space<hbm>> -> memref<320000x128xf32, #tpu.memory_space<hbm>>
      tpu.enqueue_indirect_dma source(%dma_start3A_202 : memref<320000x128xf32, #tpu.memory_space<hbm>>) target(%arg28 : memref<80x128xf32, #tpu.memory_space<vmem>>) offsets(%arg24 : memref<80xi32, #tpu.memory_space<vmem>>) semaphore(%arg37 : memref<!tpu.dma_semaphore, #tpu.memory_space<semaphore_mem>>)
    } else {
    }
    %gt3A_136 = arith.constant 2 : i32
    %gt3A_137 = arith.cmpi sgt, %add3A_11, %gt3A_136 : i32
    %convert_element_type3A_138 = arith.extui %gt3A_137 : i1 to i32
    %cond3A_139 = arith.constant 0 : i32
    %cond3A_140 = arith.cmpi ne, %convert_element_type3A_138, %cond3A_139 : i32
    scf.if %cond3A_140 {
      %dma_wait3A_196 = arith.constant 0 : i32
      %dma_wait3A_197 = tpu.memref_slice %arg5[%dma_wait3A_196] : memref<10000xi32, #tpu.memory_space<hbm>> -> memref<80xi32, #tpu.memory_space<hbm>>
      %dma_wait3A_198 = arith.constant 0 : i32
      %dma_wait3A_199 = tpu.memref_slice %arg5[%dma_wait3A_198] : memref<10000xi32, #tpu.memory_space<hbm>> -> memref<80xi32, #tpu.memory_space<hbm>>
      tpu.wait_dma2 semaphore(%arg36 : memref<!tpu.dma_semaphore, #tpu.memory_space<semaphore_mem>>) src(%dma_wait3A_199 : memref<80xi32, #tpu.memory_space<hbm>>) dst(%arg25 : memref<80xi32, #tpu.memory_space<vmem>>)
      %dma_start3A_200 = arith.constant 0 : i32
      %dma_start3A_201 = arith.constant 0 : i32
      %dma_start3A_202 = tpu.memref_slice %arg2[%dma_start3A_200, %dma_start3A_201] : memref<320000x128xf32, #tpu.memory_space<hbm>> -> memref<320000x128xf32, #tpu.memory_space<hbm>>
      tpu.enqueue_indirect_dma source(%dma_start3A_202 : memref<320000x128xf32, #tpu.memory_space<hbm>>) target(%arg29 : memref<80x128xf32, #tpu.memory_space<vmem>>) offsets(%arg25 : memref<80xi32, #tpu.memory_space<vmem>>) semaphore(%arg37 : memref<!tpu.dma_semaphore, #tpu.memory_space<semaphore_mem>>)
    } else {
    }
    %gt3A_141 = arith.constant 3 : i32
    %gt3A_142 = arith.cmpi sgt, %add3A_11, %gt3A_141 : i32
    %convert_element_type3A_143 = arith.extui %gt3A_142 : i1 to i32
    %cond3A_144 = arith.constant 0 : i32
    %cond3A_145 = arith.cmpi ne, %convert_element_type3A_143, %cond3A_144 : i32
    scf.if %cond3A_145 {
      %dma_wait3A_196 = arith.constant 0 : i32
      %dma_wait3A_197 = tpu.memref_slice %arg5[%dma_wait3A_196] : memref<10000xi32, #tpu.memory_space<hbm>> -> memref<80xi32, #tpu.memory_space<hbm>>
      %dma_wait3A_198 = arith.constant 0 : i32
      %dma_wait3A_199 = tpu.memref_slice %arg5[%dma_wait3A_198] : memref<10000xi32, #tpu.memory_space<hbm>> -> memref<80xi32, #tpu.memory_space<hbm>>
      tpu.wait_dma2 semaphore(%arg36 : memref<!tpu.dma_semaphore, #tpu.memory_space<semaphore_mem>>) src(%dma_wait3A_199 : memref<80xi32, #tpu.memory_space<hbm>>) dst(%arg26 : memref<80xi32, #tpu.memory_space<vmem>>)
      %dma_start3A_200 = arith.constant 0 : i32
      %dma_start3A_201 = arith.constant 0 : i32
      %dma_start3A_202 = tpu.memref_slice %arg2[%dma_start3A_200, %dma_start3A_201] : memref<320000x128xf32, #tpu.memory_space<hbm>> -> memref<320000x128xf32, #tpu.memory_space<hbm>>
      tpu.enqueue_indirect_dma source(%dma_start3A_202 : memref<320000x128xf32, #tpu.memory_space<hbm>>) target(%arg30 : memref<80x128xf32, #tpu.memory_space<vmem>>) offsets(%arg26 : memref<80xi32, #tpu.memory_space<vmem>>) semaphore(%arg37 : memref<!tpu.dma_semaphore, #tpu.memory_space<semaphore_mem>>)
    } else {
    }
    %gt3A_146 = arith.constant 0 : i32
    %gt3A_147 = arith.cmpi sgt, %add3A_11, %gt3A_146 : i32
    %convert_element_type3A_148 = arith.extui %gt3A_147 : i1 to i32
    %cond3A_149 = arith.constant 0 : i32
    %cond3A_150 = arith.cmpi ne, %convert_element_type3A_148, %cond3A_149 : i32
    scf.if %cond3A_150 {
      %add3A_196 = arith.constant 0 : i32
      %add3A_197 = arith.addi %add3A, %add3A_196 : i32
      %mul3A_198 = arith.constant 80 : i32
      %mul3A_199 = arith.muli %add3A_197, %mul3A_198 : i32
      %dma_wait3A_200 = arith.constant 0 : i32
      %dma_wait3A_201 = arith.constant 0 : i32
      %dma_wait3A_202 = tpu.memref_slice %arg2[%dma_wait3A_200, %dma_wait3A_201] : memref<320000x128xf32, #tpu.memory_space<hbm>> -> memref<80x128xf32, #tpu.memory_space<hbm>>
      %dma_wait3A_203 = arith.constant 0 : i32
      %dma_wait3A_204 = arith.constant 0 : i32
      %dma_wait3A_205 = tpu.memref_slice %arg2[%dma_wait3A_203, %dma_wait3A_204] : memref<320000x128xf32, #tpu.memory_space<hbm>> -> memref<80x128xf32, #tpu.memory_space<hbm>>
      tpu.wait_dma2 semaphore(%arg37 : memref<!tpu.dma_semaphore, #tpu.memory_space<semaphore_mem>>) src(%dma_wait3A_205 : memref<80x128xf32, #tpu.memory_space<hbm>>) dst(%arg27 : memref<80x128xf32, #tpu.memory_space<vmem>>)
      %dma_start3A_206 = arith.constant 0 : i32
      %dma_start3A_207 = tpu.memref_slice %arg9[%mul3A_199, %dma_start3A_206] : memref<10000x128xf32, #tpu.memory_space<hbm>> -> memref<80x128xf32, #tpu.memory_space<hbm>>
      %dma_start3A_208 = arith.constant 0 : i32
      %dma_start3A_209 = tpu.memref_slice %arg9[%mul3A_199, %dma_start3A_208] : memref<10000x128xf32, #tpu.memory_space<hbm>> -> memref<80x128xf32, #tpu.memory_space<hbm>>
      tpu.enqueue_dma source(%arg27 : memref<80x128xf32, #tpu.memory_space<vmem>>) target(%dma_start3A_209 : memref<80x128xf32, #tpu.memory_space<hbm>>) target_semaphore(%arg38 : memref<!tpu.dma_semaphore, #tpu.memory_space<semaphore_mem>>)
    } else {
    }
    %gt3A_151 = arith.constant 1 : i32
    %gt3A_152 = arith.cmpi sgt, %add3A_11, %gt3A_151 : i32
    %convert_element_type3A_153 = arith.extui %gt3A_152 : i1 to i32
    %cond3A_154 = arith.constant 0 : i32
    %cond3A_155 = arith.cmpi ne, %convert_element_type3A_153, %cond3A_154 : i32
    scf.if %cond3A_155 {
      %add3A_196 = arith.constant 32 : i32
      %add3A_197 = arith.addi %add3A, %add3A_196 : i32
      %mul3A_198 = arith.constant 80 : i32
      %mul3A_199 = arith.muli %add3A_197, %mul3A_198 : i32
      %dma_wait3A_200 = arith.constant 0 : i32
      %dma_wait3A_201 = arith.constant 0 : i32
      %dma_wait3A_202 = tpu.memref_slice %arg2[%dma_wait3A_200, %dma_wait3A_201] : memref<320000x128xf32, #tpu.memory_space<hbm>> -> memref<80x128xf32, #tpu.memory_space<hbm>>
      %dma_wait3A_203 = arith.constant 0 : i32
      %dma_wait3A_204 = arith.constant 0 : i32
      %dma_wait3A_205 = tpu.memref_slice %arg2[%dma_wait3A_203, %dma_wait3A_204] : memref<320000x128xf32, #tpu.memory_space<hbm>> -> memref<80x128xf32, #tpu.memory_space<hbm>>
      tpu.wait_dma2 semaphore(%arg37 : memref<!tpu.dma_semaphore, #tpu.memory_space<semaphore_mem>>) src(%dma_wait3A_205 : memref<80x128xf32, #tpu.memory_space<hbm>>) dst(%arg28 : memref<80x128xf32, #tpu.memory_space<vmem>>)
      %dma_start3A_206 = arith.constant 0 : i32
      %dma_start3A_207 = tpu.memref_slice %arg9[%mul3A_199, %dma_start3A_206] : memref<10000x128xf32, #tpu.memory_space<hbm>> -> memref<80x128xf32, #tpu.memory_space<hbm>>
      %dma_start3A_208 = arith.constant 0 : i32
      %dma_start3A_209 = tpu.memref_slice %arg9[%mul3A_199, %dma_start3A_208] : memref<10000x128xf32, #tpu.memory_space<hbm>> -> memref<80x128xf32, #tpu.memory_space<hbm>>
      tpu.enqueue_dma source(%arg28 : memref<80x128xf32, #tpu.memory_space<vmem>>) target(%dma_start3A_209 : memref<80x128xf32, #tpu.memory_space<hbm>>) target_semaphore(%arg38 : memref<!tpu.dma_semaphore, #tpu.memory_space<semaphore_mem>>)
    } else {
    }
    %gt3A_156 = arith.constant 2 : i32
    %gt3A_157 = arith.cmpi sgt, %add3A_11, %gt3A_156 : i32
    %convert_element_type3A_158 = arith.extui %gt3A_157 : i1 to i32
    %cond3A_159 = arith.constant 0 : i32
    %cond3A_160 = arith.cmpi ne, %convert_element_type3A_158, %cond3A_159 : i32
    scf.if %cond3A_160 {
      %add3A_196 = arith.constant 64 : i32
      %add3A_197 = arith.addi %add3A, %add3A_196 : i32
      %mul3A_198 = arith.constant 80 : i32
      %mul3A_199 = arith.muli %add3A_197, %mul3A_198 : i32
      %dma_wait3A_200 = arith.constant 0 : i32
      %dma_wait3A_201 = arith.constant 0 : i32
      %dma_wait3A_202 = tpu.memref_slice %arg2[%dma_wait3A_200, %dma_wait3A_201] : memref<320000x128xf32, #tpu.memory_space<hbm>> -> memref<80x128xf32, #tpu.memory_space<hbm>>
      %dma_wait3A_203 = arith.constant 0 : i32
      %dma_wait3A_204 = arith.constant 0 : i32
      %dma_wait3A_205 = tpu.memref_slice %arg2[%dma_wait3A_203, %dma_wait3A_204] : memref<320000x128xf32, #tpu.memory_space<hbm>> -> memref<80x128xf32, #tpu.memory_space<hbm>>
      tpu.wait_dma2 semaphore(%arg37 : memref<!tpu.dma_semaphore, #tpu.memory_space<semaphore_mem>>) src(%dma_wait3A_205 : memref<80x128xf32, #tpu.memory_space<hbm>>) dst(%arg29 : memref<80x128xf32, #tpu.memory_space<vmem>>)
      %dma_start3A_206 = arith.constant 0 : i32
      %dma_start3A_207 = tpu.memref_slice %arg9[%mul3A_199, %dma_start3A_206] : memref<10000x128xf32, #tpu.memory_space<hbm>> -> memref<80x128xf32, #tpu.memory_space<hbm>>
      %dma_start3A_208 = arith.constant 0 : i32
      %dma_start3A_209 = tpu.memref_slice %arg9[%mul3A_199, %dma_start3A_208] : memref<10000x128xf32, #tpu.memory_space<hbm>> -> memref<80x128xf32, #tpu.memory_space<hbm>>
      tpu.enqueue_dma source(%arg29 : memref<80x128xf32, #tpu.memory_space<vmem>>) target(%dma_start3A_209 : memref<80x128xf32, #tpu.memory_space<hbm>>) target_semaphore(%arg38 : memref<!tpu.dma_semaphore, #tpu.memory_space<semaphore_mem>>)
    } else {
    }
    %gt3A_161 = arith.constant 3 : i32
    %gt3A_162 = arith.cmpi sgt, %add3A_11, %gt3A_161 : i32
    %convert_element_type3A_163 = arith.extui %gt3A_162 : i1 to i32
    %cond3A_164 = arith.constant 0 : i32
    %cond3A_165 = arith.cmpi ne, %convert_element_type3A_163, %cond3A_164 : i32
    scf.if %cond3A_165 {
      %add3A_196 = arith.constant 96 : i32
      %add3A_197 = arith.addi %add3A, %add3A_196 : i32
      %mul3A_198 = arith.constant 80 : i32
      %mul3A_199 = arith.muli %add3A_197, %mul3A_198 : i32
      %dma_wait3A_200 = arith.constant 0 : i32
      %dma_wait3A_201 = arith.constant 0 : i32
      %dma_wait3A_202 = tpu.memref_slice %arg2[%dma_wait3A_200, %dma_wait3A_201] : memref<320000x128xf32, #tpu.memory_space<hbm>> -> memref<80x128xf32, #tpu.memory_space<hbm>>
      %dma_wait3A_203 = arith.constant 0 : i32
      %dma_wait3A_204 = arith.constant 0 : i32
      %dma_wait3A_205 = tpu.memref_slice %arg2[%dma_wait3A_203, %dma_wait3A_204] : memref<320000x128xf32, #tpu.memory_space<hbm>> -> memref<80x128xf32, #tpu.memory_space<hbm>>
      tpu.wait_dma2 semaphore(%arg37 : memref<!tpu.dma_semaphore, #tpu.memory_space<semaphore_mem>>) src(%dma_wait3A_205 : memref<80x128xf32, #tpu.memory_space<hbm>>) dst(%arg30 : memref<80x128xf32, #tpu.memory_space<vmem>>)
      %dma_start3A_206 = arith.constant 0 : i32
      %dma_start3A_207 = tpu.memref_slice %arg9[%mul3A_199, %dma_start3A_206] : memref<10000x128xf32, #tpu.memory_space<hbm>> -> memref<80x128xf32, #tpu.memory_space<hbm>>
      %dma_start3A_208 = arith.constant 0 : i32
      %dma_start3A_209 = tpu.memref_slice %arg9[%mul3A_199, %dma_start3A_208] : memref<10000x128xf32, #tpu.memory_space<hbm>> -> memref<80x128xf32, #tpu.memory_space<hbm>>
      tpu.enqueue_dma source(%arg30 : memref<80x128xf32, #tpu.memory_space<vmem>>) target(%dma_start3A_209 : memref<80x128xf32, #tpu.memory_space<hbm>>) target_semaphore(%arg38 : memref<!tpu.dma_semaphore, #tpu.memory_space<semaphore_mem>>)
    } else {
    }
    %gt3A_166 = arith.constant 0 : i32
    %gt3A_167 = arith.cmpi sgt, %add3A_11, %gt3A_166 : i32
    %convert_element_type3A_168 = arith.extui %gt3A_167 : i1 to i32
    %cond3A_169 = arith.constant 0 : i32
    %cond3A_170 = arith.cmpi ne, %convert_element_type3A_168, %cond3A_169 : i32
    scf.if %cond3A_170 {
      %add3A_196 = arith.constant 0 : i32
      %add3A_197 = arith.addi %add3A, %add3A_196 : i32
      %mul3A_198 = arith.constant 80 : i32
      %mul3A_199 = arith.muli %add3A_197, %mul3A_198 : i32
      %dma_wait3A_200 = arith.constant 0 : i32
      %dma_wait3A_201 = tpu.memref_slice %arg9[%mul3A_199, %dma_wait3A_200] : memref<10000x128xf32, #tpu.memory_space<hbm>> -> memref<80x128xf32, #tpu.memory_space<hbm>>
      %dma_wait3A_202 = arith.constant 0 : i32
      %dma_wait3A_203 = tpu.memref_slice %arg9[%mul3A_199, %dma_wait3A_202] : memref<10000x128xf32, #tpu.memory_space<hbm>> -> memref<80x128xf32, #tpu.memory_space<hbm>>
      tpu.wait_dma2 semaphore(%arg38 : memref<!tpu.dma_semaphore, #tpu.memory_space<semaphore_mem>>) src(%arg27 : memref<80x128xf32, #tpu.memory_space<vmem>>) dst(%dma_wait3A_203 : memref<80x128xf32, #tpu.memory_space<hbm>>)
    } else {
    }
    %gt3A_171 = arith.constant 1 : i32
    %gt3A_172 = arith.cmpi sgt, %add3A_11, %gt3A_171 : i32
    %convert_element_type3A_173 = arith.extui %gt3A_172 : i1 to i32
    %cond3A_174 = arith.constant 0 : i32
    %cond3A_175 = arith.cmpi ne, %convert_element_type3A_173, %cond3A_174 : i32
    scf.if %cond3A_175 {
      %add3A_196 = arith.constant 32 : i32
      %add3A_197 = arith.addi %add3A, %add3A_196 : i32
      %mul3A_198 = arith.constant 80 : i32
      %mul3A_199 = arith.muli %add3A_197, %mul3A_198 : i32
      %dma_wait3A_200 = arith.constant 0 : i32
      %dma_wait3A_201 = tpu.memref_slice %arg9[%mul3A_199, %dma_wait3A_200] : memref<10000x128xf32, #tpu.memory_space<hbm>> -> memref<80x128xf32, #tpu.memory_space<hbm>>
      %dma_wait3A_202 = arith.constant 0 : i32
      %dma_wait3A_203 = tpu.memref_slice %arg9[%mul3A_199, %dma_wait3A_202] : memref<10000x128xf32, #tpu.memory_space<hbm>> -> memref<80x128xf32, #tpu.memory_space<hbm>>
      tpu.wait_dma2 semaphore(%arg38 : memref<!tpu.dma_semaphore, #tpu.memory_space<semaphore_mem>>) src(%arg28 : memref<80x128xf32, #tpu.memory_space<vmem>>) dst(%dma_wait3A_203 : memref<80x128xf32, #tpu.memory_space<hbm>>)
    } else {
    }
    %gt3A_176 = arith.constant 2 : i32
    %gt3A_177 = arith.cmpi sgt, %add3A_11, %gt3A_176 : i32
    %convert_element_type3A_178 = arith.extui %gt3A_177 : i1 to i32
    %cond3A_179 = arith.constant 0 : i32
    %cond3A_180 = arith.cmpi ne, %convert_element_type3A_178, %cond3A_179 : i32
    scf.if %cond3A_180 {
      %add3A_196 = arith.constant 64 : i32
      %add3A_197 = arith.addi %add3A, %add3A_196 : i32
      %mul3A_198 = arith.constant 80 : i32
      %mul3A_199 = arith.muli %add3A_197, %mul3A_198 : i32
      %dma_wait3A_200 = arith.constant 0 : i32
      %dma_wait3A_201 = tpu.memref_slice %arg9[%mul3A_199, %dma_wait3A_200] : memref<10000x128xf32, #tpu.memory_space<hbm>> -> memref<80x128xf32, #tpu.memory_space<hbm>>
      %dma_wait3A_202 = arith.constant 0 : i32
      %dma_wait3A_203 = tpu.memref_slice %arg9[%mul3A_199, %dma_wait3A_202] : memref<10000x128xf32, #tpu.memory_space<hbm>> -> memref<80x128xf32, #tpu.memory_space<hbm>>
      tpu.wait_dma2 semaphore(%arg38 : memref<!tpu.dma_semaphore, #tpu.memory_space<semaphore_mem>>) src(%arg29 : memref<80x128xf32, #tpu.memory_space<vmem>>) dst(%dma_wait3A_203 : memref<80x128xf32, #tpu.memory_space<hbm>>)
    } else {
    }
    %gt3A_181 = arith.constant 3 : i32
    %gt3A_182 = arith.cmpi sgt, %add3A_11, %gt3A_181 : i32
    %convert_element_type3A_183 = arith.extui %gt3A_182 : i1 to i32
    %cond3A_184 = arith.constant 0 : i32
    %cond3A_185 = arith.cmpi ne, %convert_element_type3A_183, %cond3A_184 : i32
    scf.if %cond3A_185 {
      %add3A_196 = arith.constant 96 : i32
      %add3A_197 = arith.addi %add3A, %add3A_196 : i32
      %mul3A_198 = arith.constant 80 : i32
      %mul3A_199 = arith.muli %add3A_197, %mul3A_198 : i32
      %dma_wait3A_200 = arith.constant 0 : i32
      %dma_wait3A_201 = tpu.memref_slice %arg9[%mul3A_199, %dma_wait3A_200] : memref<10000x128xf32, #tpu.memory_space<hbm>> -> memref<80x128xf32, #tpu.memory_space<hbm>>
      %dma_wait3A_202 = arith.constant 0 : i32
      %dma_wait3A_203 = tpu.memref_slice %arg9[%mul3A_199, %dma_wait3A_202] : memref<10000x128xf32, #tpu.memory_space<hbm>> -> memref<80x128xf32, #tpu.memory_space<hbm>>
      tpu.wait_dma2 semaphore(%arg38 : memref<!tpu.dma_semaphore, #tpu.memory_space<semaphore_mem>>) src(%arg30 : memref<80x128xf32, #tpu.memory_space<vmem>>) dst(%dma_wait3A_203 : memref<80x128xf32, #tpu.memory_space<hbm>>)
    } else {
    }
    %barrier3A_186 = arith.constant 0 : index
    tpu.barrier barrier_id(%barrier3A_186)
    %eq3A = arith.constant 0 : i32
    %eq3A_187 = arith.cmpi eq, %arg0, %eq3A : i32
    %convert_element_type3A_188 = arith.extui %eq3A_187 : i1 to i32
    %cond3A_189 = arith.constant 0 : i32
    %cond3A_190 = arith.cmpi ne, %convert_element_type3A_188, %cond3A_189 : i32
    scf.if %cond3A_190 {
      %while3A_196 = arith.constant 0 : i32
      %while3A_197 = arith.constant 0 : i32
      %while3A_198 = arith.subi %add3A_47, %while3A_196 : i32
      %while3A_199 = arith.addi %while3A_196, %while3A_198 : i32
      %while3A_200 = arith.constant 1 : i32
      %while3A_201 = arith.divsi %while3A_198, %while3A_200 : i32
      %while3A_202 = arith.muli %while3A_201, %while3A_200 : i32
      %while3A_203 = arith.addi %while3A_196, %while3A_202 : i32
      %while3A_204 = arith.constant 1 : i32
      %while3A_205 = scf.for %while3A_220 = %while3A_196 to %while3A_203 step %while3A_204 iter_args(%while3A_221 = %while3A_197) -> (i32)  : i32 {
        %mul3A_222 = arith.constant 16 : i32
        %mul3A_223 = arith.muli %while3A_220, %mul3A_222 : i32
        %add3A_224 = arith.addi %arg1, %mul3A_223 : i32
        %mul3A_225 = arith.constant 12800 : i32
        %mul3A_226 = arith.muli %add3A_224, %mul3A_225 : i32
        %dma_start3A_227 = tpu.memref_slice %arg7[%mul3A_226] : memref<640000xf32, #tpu.memory_space<hbm>> -> memref<12800xf32, #tpu.memory_space<hbm>>
        %dma_start3A_228 = tpu.memref_slice %arg31[%mul3A_226] : memref<640000xf32, #tpu.memory_space<vmem_shared>> -> memref<12800xf32, #tpu.memory_space<vmem_shared>>
        tpu.enqueue_dma source(%dma_start3A_228 : memref<12800xf32, #tpu.memory_space<vmem_shared>>) target(%dma_start3A_227 : memref<12800xf32, #tpu.memory_space<hbm>>) target_semaphore(%arg32 : memref<!tpu.dma_semaphore, #tpu.memory_space<semaphore_mem>>)
        %while3A_229 = arith.constant 0 : i32
        scf.yield %while3A_229 : i32
      }
      %while3A_206 = arith.constant 1 : i32
      %while3A_207 = scf.for %while3A_220 = %while3A_203 to %while3A_199 step %while3A_206 iter_args(%while3A_221 = %while3A_205) -> (i32)  : i32 {
        %mul3A_222 = arith.constant 16 : i32
        %mul3A_223 = arith.muli %while3A_220, %mul3A_222 : i32
        %add3A_224 = arith.addi %arg1, %mul3A_223 : i32
        %mul3A_225 = arith.constant 12800 : i32
        %mul3A_226 = arith.muli %add3A_224, %mul3A_225 : i32
        %dma_start3A_227 = tpu.memref_slice %arg7[%mul3A_226] : memref<640000xf32, #tpu.memory_space<hbm>> -> memref<12800xf32, #tpu.memory_space<hbm>>
        %dma_start3A_228 = tpu.memref_slice %arg31[%mul3A_226] : memref<640000xf32, #tpu.memory_space<vmem_shared>> -> memref<12800xf32, #tpu.memory_space<vmem_shared>>
        tpu.enqueue_dma source(%dma_start3A_228 : memref<12800xf32, #tpu.memory_space<vmem_shared>>) target(%dma_start3A_227 : memref<12800xf32, #tpu.memory_space<hbm>>) target_semaphore(%arg32 : memref<!tpu.dma_semaphore, #tpu.memory_space<semaphore_mem>>)
        %while3A_229 = arith.constant 0 : i32
        scf.yield %while3A_229 : i32
      }
      %while3A_208 = arith.constant 0 : i32
      %while3A_209 = arith.constant 0 : i32
      %while3A_210 = arith.subi %add3A_47, %while3A_208 : i32
      %while3A_211 = arith.addi %while3A_208, %while3A_210 : i32
      %while3A_212 = arith.constant 1 : i32
      %while3A_213 = arith.divsi %while3A_210, %while3A_212 : i32
      %while3A_214 = arith.muli %while3A_213, %while3A_212 : i32
      %while3A_215 = arith.addi %while3A_208, %while3A_214 : i32
      %while3A_216 = arith.constant 1 : i32
      %while3A_217 = scf.for %while3A_220 = %while3A_208 to %while3A_215 step %while3A_216 iter_args(%while3A_221 = %while3A_209) -> (i32)  : i32 {
        %mul3A_222 = arith.constant 16 : i32
        %mul3A_223 = arith.muli %while3A_220, %mul3A_222 : i32
        %add3A_224 = arith.addi %arg1, %mul3A_223 : i32
        %mul3A_225 = arith.constant 12800 : i32
        %mul3A_226 = arith.muli %add3A_224, %mul3A_225 : i32
        %dma_wait3A_227 = tpu.memref_slice %arg7[%mul3A_226] : memref<640000xf32, #tpu.memory_space<hbm>> -> memref<12800xf32, #tpu.memory_space<hbm>>
        %dma_wait3A_228 = tpu.memref_slice %arg31[%mul3A_226] : memref<640000xf32, #tpu.memory_space<vmem_shared>> -> memref<12800xf32, #tpu.memory_space<vmem_shared>>
        tpu.wait_dma2 semaphore(%arg32 : memref<!tpu.dma_semaphore, #tpu.memory_space<semaphore_mem>>) src(%dma_wait3A_228 : memref<12800xf32, #tpu.memory_space<vmem_shared>>) dst(%dma_wait3A_227 : memref<12800xf32, #tpu.memory_space<hbm>>)
        %while3A_229 = arith.constant 0 : i32
        scf.yield %while3A_229 : i32
      }
      %while3A_218 = arith.constant 1 : i32
      %while3A_219 = scf.for %while3A_220 = %while3A_215 to %while3A_211 step %while3A_218 iter_args(%while3A_221 = %while3A_217) -> (i32)  : i32 {
        %mul3A_222 = arith.constant 16 : i32
        %mul3A_223 = arith.muli %while3A_220, %mul3A_222 : i32
        %add3A_224 = arith.addi %arg1, %mul3A_223 : i32
        %mul3A_225 = arith.constant 12800 : i32
        %mul3A_226 = arith.muli %add3A_224, %mul3A_225 : i32
        %dma_wait3A_227 = tpu.memref_slice %arg7[%mul3A_226] : memref<640000xf32, #tpu.memory_space<hbm>> -> memref<12800xf32, #tpu.memory_space<hbm>>
        %dma_wait3A_228 = tpu.memref_slice %arg31[%mul3A_226] : memref<640000xf32, #tpu.memory_space<vmem_shared>> -> memref<12800xf32, #tpu.memory_space<vmem_shared>>
        tpu.wait_dma2 semaphore(%arg32 : memref<!tpu.dma_semaphore, #tpu.memory_space<semaphore_mem>>) src(%dma_wait3A_228 : memref<12800xf32, #tpu.memory_space<vmem_shared>>) dst(%dma_wait3A_227 : memref<12800xf32, #tpu.memory_space<hbm>>)
        %while3A_229 = arith.constant 0 : i32
        scf.yield %while3A_229 : i32
      }
    } else {
    }
    %eq3A_191 = arith.constant 1 : i32
    %eq3A_192 = arith.cmpi eq, %arg0, %eq3A_191 : i32
    %convert_element_type3A_193 = arith.extui %eq3A_192 : i1 to i32
    %cond3A_194 = arith.constant 0 : i32
    %cond3A_195 = arith.cmpi ne, %convert_element_type3A_193, %cond3A_194 : i32
    scf.if %cond3A_195 {
      %while3A_196 = arith.constant 0 : i32
      %while3A_197 = arith.constant 0 : i32
      %while3A_198 = arith.subi %add3A_47, %while3A_196 : i32
      %while3A_199 = arith.addi %while3A_196, %while3A_198 : i32
      %while3A_200 = arith.constant 1 : i32
      %while3A_201 = arith.divsi %while3A_198, %while3A_200 : i32
      %while3A_202 = arith.muli %while3A_201, %while3A_200 : i32
      %while3A_203 = arith.addi %while3A_196, %while3A_202 : i32
      %while3A_204 = arith.constant 1 : i32
      %while3A_205 = scf.for %while3A_220 = %while3A_196 to %while3A_203 step %while3A_204 iter_args(%while3A_221 = %while3A_197) -> (i32)  : i32 {
        %mul3A_222 = arith.constant 16 : i32
        %mul3A_223 = arith.muli %while3A_220, %mul3A_222 : i32
        %add3A_224 = arith.addi %arg1, %mul3A_223 : i32
        %mul3A_225 = arith.constant 12800 : i32
        %mul3A_226 = arith.muli %add3A_224, %mul3A_225 : i32
        %dma_start3A_227 = tpu.memref_slice %arg8[%mul3A_226] : memref<640000xf32, #tpu.memory_space<hbm>> -> memref<12800xf32, #tpu.memory_space<hbm>>
        %dma_start3A_228 = tpu.memref_slice %arg31[%mul3A_226] : memref<640000xf32, #tpu.memory_space<vmem_shared>> -> memref<12800xf32, #tpu.memory_space<vmem_shared>>
        tpu.enqueue_dma source(%dma_start3A_228 : memref<12800xf32, #tpu.memory_space<vmem_shared>>) target(%dma_start3A_227 : memref<12800xf32, #tpu.memory_space<hbm>>) target_semaphore(%arg32 : memref<!tpu.dma_semaphore, #tpu.memory_space<semaphore_mem>>)
        %while3A_229 = arith.constant 0 : i32
        scf.yield %while3A_229 : i32
      }
      %while3A_206 = arith.constant 1 : i32
      %while3A_207 = scf.for %while3A_220 = %while3A_203 to %while3A_199 step %while3A_206 iter_args(%while3A_221 = %while3A_205) -> (i32)  : i32 {
        %mul3A_222 = arith.constant 16 : i32
        %mul3A_223 = arith.muli %while3A_220, %mul3A_222 : i32
        %add3A_224 = arith.addi %arg1, %mul3A_223 : i32
        %mul3A_225 = arith.constant 12800 : i32
        %mul3A_226 = arith.muli %add3A_224, %mul3A_225 : i32
        %dma_start3A_227 = tpu.memref_slice %arg8[%mul3A_226] : memref<640000xf32, #tpu.memory_space<hbm>> -> memref<12800xf32, #tpu.memory_space<hbm>>
        %dma_start3A_228 = tpu.memref_slice %arg31[%mul3A_226] : memref<640000xf32, #tpu.memory_space<vmem_shared>> -> memref<12800xf32, #tpu.memory_space<vmem_shared>>
        tpu.enqueue_dma source(%dma_start3A_228 : memref<12800xf32, #tpu.memory_space<vmem_shared>>) target(%dma_start3A_227 : memref<12800xf32, #tpu.memory_space<hbm>>) target_semaphore(%arg32 : memref<!tpu.dma_semaphore, #tpu.memory_space<semaphore_mem>>)
        %while3A_229 = arith.constant 0 : i32
        scf.yield %while3A_229 : i32
      }
      %while3A_208 = arith.constant 0 : i32
      %while3A_209 = arith.constant 0 : i32
      %while3A_210 = arith.subi %add3A_47, %while3A_208 : i32
      %while3A_211 = arith.addi %while3A_208, %while3A_210 : i32
      %while3A_212 = arith.constant 1 : i32
      %while3A_213 = arith.divsi %while3A_210, %while3A_212 : i32
      %while3A_214 = arith.muli %while3A_213, %while3A_212 : i32
      %while3A_215 = arith.addi %while3A_208, %while3A_214 : i32
      %while3A_216 = arith.constant 1 : i32
      %while3A_217 = scf.for %while3A_220 = %while3A_208 to %while3A_215 step %while3A_216 iter_args(%while3A_221 = %while3A_209) -> (i32)  : i32 {
        %mul3A_222 = arith.constant 16 : i32
        %mul3A_223 = arith.muli %while3A_220, %mul3A_222 : i32
        %add3A_224 = arith.addi %arg1, %mul3A_223 : i32
        %mul3A_225 = arith.constant 12800 : i32
        %mul3A_226 = arith.muli %add3A_224, %mul3A_225 : i32
        %dma_wait3A_227 = tpu.memref_slice %arg8[%mul3A_226] : memref<640000xf32, #tpu.memory_space<hbm>> -> memref<12800xf32, #tpu.memory_space<hbm>>
        %dma_wait3A_228 = tpu.memref_slice %arg31[%mul3A_226] : memref<640000xf32, #tpu.memory_space<vmem_shared>> -> memref<12800xf32, #tpu.memory_space<vmem_shared>>
        tpu.wait_dma2 semaphore(%arg32 : memref<!tpu.dma_semaphore, #tpu.memory_space<semaphore_mem>>) src(%dma_wait3A_228 : memref<12800xf32, #tpu.memory_space<vmem_shared>>) dst(%dma_wait3A_227 : memref<12800xf32, #tpu.memory_space<hbm>>)
        %while3A_229 = arith.constant 0 : i32
        scf.yield %while3A_229 : i32
      }
      %while3A_218 = arith.constant 1 : i32
      %while3A_219 = scf.for %while3A_220 = %while3A_215 to %while3A_211 step %while3A_218 iter_args(%while3A_221 = %while3A_217) -> (i32)  : i32 {
        %mul3A_222 = arith.constant 16 : i32
        %mul3A_223 = arith.muli %while3A_220, %mul3A_222 : i32
        %add3A_224 = arith.addi %arg1, %mul3A_223 : i32
        %mul3A_225 = arith.constant 12800 : i32
        %mul3A_226 = arith.muli %add3A_224, %mul3A_225 : i32
        %dma_wait3A_227 = tpu.memref_slice %arg8[%mul3A_226] : memref<640000xf32, #tpu.memory_space<hbm>> -> memref<12800xf32, #tpu.memory_space<hbm>>
        %dma_wait3A_228 = tpu.memref_slice %arg31[%mul3A_226] : memref<640000xf32, #tpu.memory_space<vmem_shared>> -> memref<12800xf32, #tpu.memory_space<vmem_shared>>
        tpu.wait_dma2 semaphore(%arg32 : memref<!tpu.dma_semaphore, #tpu.memory_space<semaphore_mem>>) src(%dma_wait3A_228 : memref<12800xf32, #tpu.memory_space<vmem_shared>>) dst(%dma_wait3A_227 : memref<12800xf32, #tpu.memory_space<hbm>>)
        %while3A_229 = arith.constant 0 : i32
        scf.yield %while3A_229 : i32
      }
    } else {
    }
    return
  }
}

module attributes {stable_mosaic.version = 14 : i64} {
  func.func @_fused_body(%arg0: i32, %arg1: memref<2000x128xf32, #tpu.memory_space<vmem>>, %arg2: memref<2000x128xf32, #tpu.memory_space<vmem>>, %arg3: memref<2000x128xf32, #tpu.memory_space<vmem>>, %arg4: memref<2000x64xf32, #tpu.memory_space<vmem>>, %arg5: memref<2000x64xf32, #tpu.memory_space<vmem>>, %arg6: memref<1x1xf32, #tpu.memory_space<vmem>>, %arg7: memref<128x128xf32, #tpu.memory_space<vmem>>, %arg8: memref<1x128xf32, #tpu.memory_space<vmem>>, %arg9: memref<128x128xf32, #tpu.memory_space<vmem>>, %arg10: memref<1x128xf32, #tpu.memory_space<vmem>>, %arg11: memref<64x128xf32, #tpu.memory_space<vmem>>) attributes {dimension_semantics = [#tpu.dimension_semantics<arbitrary>], iteration_bounds = array<i64: 5>, scalar_prefetch = 0 : i64, scratch_operands = 0 : i64, tpu.core_type = #tpu.core_type<tc>, window_params = [{transform_indices = @transform_0, window_bounds = array<i64: 2000, 128>}, {transform_indices = @transform_1, window_bounds = array<i64: 2000, 128>}, {transform_indices = @transform_2, window_bounds = array<i64: 2000, 128>}, {transform_indices = @transform_3, window_bounds = array<i64: 2000, 64>}, {transform_indices = @transform_4, window_bounds = array<i64: 2000, 64>}, {pipeline_mode = #tpu.pipeline_mode<synchronous>, transform_indices = @transform_5, window_bounds = array<i64: 1, 1>}, {pipeline_mode = #tpu.pipeline_mode<synchronous>, transform_indices = @transform_6, window_bounds = array<i64: 128, 128>}, {pipeline_mode = #tpu.pipeline_mode<synchronous>, transform_indices = @transform_7, window_bounds = array<i64: 1, 128>}, {pipeline_mode = #tpu.pipeline_mode<synchronous>, transform_indices = @transform_8, window_bounds = array<i64: 128, 128>}, {pipeline_mode = #tpu.pipeline_mode<synchronous>, transform_indices = @transform_9, window_bounds = array<i64: 1, 128>}, {pipeline_mode = #tpu.pipeline_mode<synchronous>, transform_indices = @transform_10, window_bounds = array<i64: 64, 128>}]} {
    %get3A = arith.constant 0 : index
    %get3A_0 = arith.constant 0 : index
    %get3A_1 = vector.load %arg6[%get3A, %get3A_0] : memref<1x1xf32, #tpu.memory_space<vmem>>, vector<1x1xf32>
    %get3A_2 = vector.extract %get3A_1[0, 0] : f32 from vector<1x1xf32>
    %add3A = arith.constant 1.000000e+00 : f32
    %add3A_3 = arith.addf %add3A, %get3A_2 : f32
    %get3A_4 = arith.constant 0 : index
    %get3A_5 = arith.constant 0 : index
    %get3A_6 = vector.load %arg1[%get3A_4, %get3A_5] : memref<2000x128xf32, #tpu.memory_space<vmem>>, vector<2000x128xf32>
    %mul3A = vector.broadcast %add3A_3 : f32 to vector<2000x128xf32>
    %mul3A_7 = arith.mulf %get3A_6, %mul3A : vector<2000x128xf32>
    %get3A_8 = arith.constant 0 : index
    %get3A_9 = arith.constant 0 : index
    %get3A_10 = vector.load %arg2[%get3A_8, %get3A_9] : memref<2000x128xf32, #tpu.memory_space<vmem>>, vector<2000x128xf32>
    %add3A_11 = arith.addf %mul3A_7, %get3A_10 : vector<2000x128xf32>
    %get3A_12 = arith.constant 0 : index
    %get3A_13 = arith.constant 0 : index
    %get3A_14 = vector.load %arg3[%get3A_12, %get3A_13] : memref<2000x128xf32, #tpu.memory_space<vmem>>, vector<2000x128xf32>
    %add3A_15 = arith.addf %add3A_11, %get3A_14 : vector<2000x128xf32>
    %get3A_16 = arith.constant 0 : index
    %get3A_17 = arith.constant 0 : index
    %get3A_18 = vector.load %arg7[%get3A_16, %get3A_17] : memref<128x128xf32, #tpu.memory_space<vmem>>, vector<128x128xf32>
    %dot_general3A = arith.constant dense<0.000000e+00> : vector<2000x128xf32>
    %dot_general3A_19 = tpu.matmul %add3A_15, %get3A_18, %dot_general3A {dimension_numbers = #tpu.dot_dimension_numbers<[1], [0], [0], [1], [0, 0, 1, 1], [], []>, transpose_lhs_hint = false} : vector<2000x128xf32>, vector<128x128xf32>, vector<2000x128xf32> -> vector<2000x128xf32>
    %get3A_20 = arith.constant 0 : index
    %get3A_21 = arith.constant 0 : index
    %get3A_22 = vector.load %arg8[%get3A_20, %get3A_21] : memref<1x128xf32, #tpu.memory_space<vmem>>, vector<1x128xf32>
    %add3A_23 = vector.broadcast %get3A_22 : vector<1x128xf32> to vector<2000x128xf32>
    %add3A_24 = arith.addf %dot_general3A_19, %add3A_23 : vector<2000x128xf32>
    %max3A = arith.constant 0.000000e+00 : f32
    %max3A_25 = vector.broadcast %max3A : f32 to vector<2000x128xf32>
    %max3A_26 = arith.maximumf %add3A_24, %max3A_25 : vector<2000x128xf32>
    %get3A_27 = arith.constant 0 : index
    %get3A_28 = arith.constant 0 : index
    %get3A_29 = vector.load %arg9[%get3A_27, %get3A_28] : memref<128x128xf32, #tpu.memory_space<vmem>>, vector<128x128xf32>
    %dot_general3A_30 = arith.constant dense<0.000000e+00> : vector<2000x128xf32>
    %dot_general3A_31 = tpu.matmul %max3A_26, %get3A_29, %dot_general3A_30 {dimension_numbers = #tpu.dot_dimension_numbers<[1], [0], [0], [1], [0, 0, 1, 1], [], []>, transpose_lhs_hint = false} : vector<2000x128xf32>, vector<128x128xf32>, vector<2000x128xf32> -> vector<2000x128xf32>
    %get3A_32 = arith.constant 0 : index
    %get3A_33 = arith.constant 0 : index
    %get3A_34 = vector.load %arg10[%get3A_32, %get3A_33] : memref<1x128xf32, #tpu.memory_space<vmem>>, vector<1x128xf32>
    %add3A_35 = vector.broadcast %get3A_34 : vector<1x128xf32> to vector<2000x128xf32>
    %add3A_36 = arith.addf %dot_general3A_31, %add3A_35 : vector<2000x128xf32>
    %max3A_37 = arith.constant 0.000000e+00 : f32
    %max3A_38 = vector.broadcast %max3A_37 : f32 to vector<2000x128xf32>
    %max3A_39 = arith.maximumf %add3A_36, %max3A_38 : vector<2000x128xf32>
    %get3A_40 = arith.constant 0 : index
    %get3A_41 = arith.constant 0 : index
    %get3A_42 = vector.load %arg4[%get3A_40, %get3A_41] : memref<2000x64xf32, #tpu.memory_space<vmem>>, vector<2000x64xf32>
    %get3A_43 = arith.constant 0 : index
    %get3A_44 = arith.constant 0 : index
    %get3A_45 = vector.load %arg5[%get3A_43, %get3A_44] : memref<2000x64xf32, #tpu.memory_space<vmem>>, vector<2000x64xf32>
    %add3A_46 = arith.addf %get3A_42, %get3A_45 : vector<2000x64xf32>
    %dot_general3A_47 = arith.constant dense<0.000000e+00> : vector<64x128xf32>
    %dot_general3A_48 = tpu.matmul %add3A_46, %max3A_39, %dot_general3A_47 {dimension_numbers = #tpu.dot_dimension_numbers<[0], [0], [1], [1], [0, 1, 1, 1], [], []>, transpose_lhs_hint = false} : vector<2000x64xf32>, vector<2000x128xf32>, vector<64x128xf32> -> vector<64x128xf32>
    %eq3A = arith.constant 0 : i32
    %eq3A_49 = arith.cmpi eq, %arg0, %eq3A : i32
    %convert_element_type3A = arith.extui %eq3A_49 : i1 to i32
    %cond3A = arith.constant 0 : i32
    %cond3A_50 = arith.cmpi ne, %convert_element_type3A, %cond3A : i32
    scf.if %cond3A_50 {
      %swap3A = arith.constant 0 : index
      %swap3A_55 = arith.constant 0 : index
      %swap3A_56 = vector.load %arg11[%swap3A, %swap3A_55] : memref<64x128xf32, #tpu.memory_space<vmem>>, vector<64x128xf32>
      tpu.vector_store %arg11[%swap3A, %swap3A_55], %dot_general3A_48 {strides = array<i32>} : memref<64x128xf32, #tpu.memory_space<vmem>>, vector<64x128xf32>,
    } else {
    }
    %gt3A = arith.constant 0 : i32
    %gt3A_51 = arith.cmpi sgt, %arg0, %gt3A : i32
    %convert_element_type3A_52 = arith.extui %gt3A_51 : i1 to i32
    %cond3A_53 = arith.constant 0 : i32
    %cond3A_54 = arith.cmpi ne, %convert_element_type3A_52, %cond3A_53 : i32
    scf.if %cond3A_54 {
      %get3A_55 = arith.constant 0 : index
      %get3A_56 = arith.constant 0 : index
      %get3A_57 = vector.load %arg11[%get3A_55, %get3A_56] : memref<64x128xf32, #tpu.memory_space<vmem>>, vector<64x128xf32>
      %add3A_58 = arith.addf %get3A_57, %dot_general3A_48 : vector<64x128xf32>
      %swap3A = arith.constant 0 : index
      %swap3A_59 = arith.constant 0 : index
      %swap3A_60 = vector.load %arg11[%swap3A, %swap3A_59] : memref<64x128xf32, #tpu.memory_space<vmem>>, vector<64x128xf32>
      tpu.vector_store %arg11[%swap3A, %swap3A_59], %add3A_58 {strides = array<i32>} : memref<64x128xf32, #tpu.memory_space<vmem>>, vector<64x128xf32>,
    } else {
    }
    return
  }
  func.func @transform_0(%arg0: i32) -> (i32, i32) {
    %c0_i32 = arith.constant 0 : i32
    %c0_i32_0 = arith.constant 0 : i32
    return %arg0, %c0_i32 : i32, i32
  }
  func.func @transform_1(%arg0: i32) -> (i32, i32) {
    %c0_i32 = arith.constant 0 : i32
    %c0_i32_0 = arith.constant 0 : i32
    return %arg0, %c0_i32 : i32, i32
  }
  func.func @transform_2(%arg0: i32) -> (i32, i32) {
    %c0_i32 = arith.constant 0 : i32
    %c0_i32_0 = arith.constant 0 : i32
    return %arg0, %c0_i32 : i32, i32
  }
  func.func @transform_3(%arg0: i32) -> (i32, i32) {
    %c0_i32 = arith.constant 0 : i32
    %c0_i32_0 = arith.constant 0 : i32
    return %arg0, %c0_i32 : i32, i32
  }
  func.func @transform_4(%arg0: i32) -> (i32, i32) {
    %c0_i32 = arith.constant 0 : i32
    %c0_i32_0 = arith.constant 0 : i32
    return %arg0, %c0_i32 : i32, i32
  }
  func.func @transform_5(%arg0: i32) -> (i32, i32) {
    %c0_i32 = arith.constant 0 : i32
    %c0_i32_0 = arith.constant 0 : i32
    %c0_i32_1 = arith.constant 0 : i32
    return %c0_i32, %c0_i32_0 : i32, i32
  }
  func.func @transform_6(%arg0: i32) -> (i32, i32) {
    %c0_i32 = arith.constant 0 : i32
    %c0_i32_0 = arith.constant 0 : i32
    %c0_i32_1 = arith.constant 0 : i32
    return %c0_i32, %c0_i32_0 : i32, i32
  }
  func.func @transform_7(%arg0: i32) -> (i32, i32) {
    %c0_i32 = arith.constant 0 : i32
    %c0_i32_0 = arith.constant 0 : i32
    %c0_i32_1 = arith.constant 0 : i32
    return %c0_i32, %c0_i32_0 : i32, i32
  }
  func.func @transform_8(%arg0: i32) -> (i32, i32) {
    %c0_i32 = arith.constant 0 : i32
    %c0_i32_0 = arith.constant 0 : i32
    %c0_i32_1 = arith.constant 0 : i32
    return %c0_i32, %c0_i32_0 : i32, i32
  }
  func.func @transform_9(%arg0: i32) -> (i32, i32) {
    %c0_i32 = arith.constant 0 : i32
    %c0_i32_0 = arith.constant 0 : i32
    %c0_i32_1 = arith.constant 0 : i32
    return %c0_i32, %c0_i32_0 : i32, i32
  }
  func.func @transform_10(%arg0: i32) -> (i32, i32) {
    %c0_i32 = arith.constant 0 : i32
    %c0_i32_0 = arith.constant 0 : i32
    %c0_i32_1 = arith.constant 0 : i32
    return %c0_i32, %c0_i32_0 : i32, i32
  }
}

</mosaic_0001>

<sc_bundles>
// kernel: kernel.5.cloned.1.call-start
scs
__scs_entry_jumppad:
0x0: {  	(pc) =	sbr.rel $0x88, $3  }
0x1: {  	(tag) =	ssettag $0x0;
	lr =	simm.s32 $0x1  }
0x2: {  	[smem:$0x3F98] =	sst lr;
	_ =	strace $0xD0000000  }
0x3: {  	_ = 	snop  }
0x4: {  	_ = 	snop  }
0x5: {  	_ = 	snop  }
0x6: {  	_ = 	snop  }
0x7: {  	_ = 	snop  }
__scs_overlays_trampoline_lowered:
0x8: {  	[smem:$0x3FA7] =	sst s0  }
0x9: {  	[smem:$0x3FA8] =	sst s1  }
0xa: {  	[smem:$0x3FA9] =	sst s2  }
0xb: {  	[smem:$0x3FAA] =	sst s3  }
0xc: {  	[smem:$0x3FAB] =	sst s4  }
0xd: {  	[smem:$0x3FAC] =	sst s5  }
0xe: {  	[smem:$0x3FAD] =	sst s6  }
0xf: {  	[smem:$0x3FAE] =	sst s7  }
0x10: {  	[smem:$0x3FAF] =	sst s8  }
0x11: {  	[smem:$0x3FB0] =	sst s9;
	s0 =	simm.s32 @!p0 $0x0  }
0x12: {  	s1 =	sld [smem:$0x3F96];
	s0 =	simm.s32 @p0 $0x1  }
0x13: {  	[smem:$0x3FB1] =	sst s0;
	s0 =	simm.s32 @!p1 $0x0  }
0x14: {  	s2 =	sld [smem:$0x3F95];
	s0 =	simm.s32 @p1 $0x1  }
0x15: {  	[smem:$0x3FB2] =	sst s0;
	s0 =	simm.s32 @!p2 $0x0  }
0x16: {  	s3 =	sld [smem:$0x3FDB];
	s0 =	simm.s32 @p2 $0x1  }
0x17: {  	s4 =	simm.s32 $0x1BF5;
	[smem:$0x3FB4] =	sst s0  }
0x18: {  	s0 =	sld [smem:$0x3F97];
	_ =	swait.ge [sflag:s4], $0x0  }
0x19: {  	s7 =	sld [smem:$0x3F98]  }
0x1a: {  	s8 =	sadd.s32 $0xFFFFE003, lr  }
0x1b: {  	s9 =	sadd.s32 $0xFFFFFEF7, lr;
	s5 =	simm.s32 $0xFFFFFFFF;
	p2 =	slt.u32 s8, $0xFFFFF086  }
0x1c: {  	p1 =	slt.u32 s9, $0xF7A;
	s5 =	simm.s32 @!p2 $0x0  }
0x1d: {  	s5 =	simm.s32 @p1 $0x1;
	p0 =	seq.s32 s7, s2  }
0x1e: {  	s7 =	smul.u32 @!p0 $0xF7A, s2;
	p2 =	seq.s32 @!p0 s5, $0x0  }
0x1f: {  	s9 =	smul.u32 $0xF7A, s1;
	s8 =	simm.s32 @!p0 $0x1BF5;
	p2 =	por !p2, p0  }
0x20: {  	[sflag:s8] =	ssyncset.s32 @!p0 $0xFFFFF086;
	s6 =	sadd.s32 @!p0 s3, s7;
	s7 =	simm.s32 @!p0 $0x108  }
0x21: {  	s3 =	sadd.s32 s3, s9;
	s6 =	sadd.s32 @!p0 $0x88, s6;
	s7 =	simm.s32 @p2 $0x1082  }
0x22: {  	[simem:s7], [sflag:s8] =	dma.local @!p0 [hbm:s6], $0xF7A  }
0x23: {  	s9 =	sor.u32 $0xD0000000, s2;
	s6 =	simm.s32 $0x108;
	_ =	swait.ge @!p0 [sflag:s8], $0x0  }
0x24: {  	s3 =	sadd.s32 $0x88, s3;
	s6 =	simm.s32 @!p1 $0x1082;
	[sflag:s4] =	ssyncset.s32 $0xFFFFF086  }
0x25: {  	[simem:s6], [sflag:s4] =	dma.local [hbm:s3], $0xF7A  }
0x26: {  	[smem:$0x3F98] =	sst s1;
	(tag) =	ssettag s2;
	_ =	strace s9  }
0x27: {  	s1 =	sld [smem:$0x3FA8]  }
0x28: {  	s2 =	sld [smem:$0x3FA9]  }
0x29: {  	s4 =	sld [smem:$0x3FAB]  }
0x2a: {  	p0 =	seq.s32 s5, $0x0;
	s5 =	sld [smem:$0x3FAC]  }
0x2b: {  	s6 =	sld [smem:$0x3FAD]  }
0x2c: {  	s7 =	sld [smem:$0x3FAE]  }
0x2d: {  	s3 =	simm.s32 $0x108;
	s8 =	sld [smem:$0x3FAF]  }
0x2e: {  	s3 =	simm.s32 @!p0 $0x1082;
	s9 =	sld [smem:$0x3FB0]  }
0x2f: {  	lr =	sadd.s32 s0, s3;
	s0 =	sld [smem:$0x3FA7]  }
0x30: {  	s3 =	sld [smem:$0x3FAA]  }
0x31: {  	[smem:$0x3FB3] =	sst s10  }
0x32: {  	s10 =	sld [smem:$0x3FB1];
	_ =	sdelay $0x3  }
0x33: {  	p0 =	seq.s32 s10, $0x1;
	s10 =	sld [smem:$0x3FB3];
	_ =	sdelay $0x3  }
0x34: {  	[smem:$0x3FB3] =	sst s10  }
0x35: {  	s10 =	sld [smem:$0x3FB2];
	_ =	sdelay $0x3  }
0x36: {  	p1 =	seq.s32 s10, $0x1;
	s10 =	sld [smem:$0x3FB3];
	_ =	sdelay $0x3  }
0x37: {  	[smem:$0x3FB3] =	sst s10  }
0x38: {  	s10 =	sld [smem:$0x3FB4]  }
0x39: {  	_ = 	snop;
	(pc) =	sbr.ind lr, $3  }
0x3a: {  	_ = 	snop  }
0x3b: {  	_ = 	snop  }
0x3c: {  	p2 =	seq.s32 s10, $0x1;
	s10 =	sld [smem:$0x3FB3]  }
0x3d: {  	_ =	shalt  }
0x3e: {  	_ =	shalt  }
0x3f: {  	_ =	shalt  }
0x40: {  	_ =	shalt  }
0x41: {  	_ =	shalt  }
0x42: {  	_ =	shalt  }
0x43: {  	_ =	shalt  }
0x44: {  	_ =	shalt  }
0x45: {  	_ =	shalt  }
0x46: {  	_ =	shalt  }
0x47: {  	_ =	shalt  }
0x48: {  	_ =	shalt  }
0x49: {  	_ =	shalt  }
0x4a: {  	_ =	shalt  }
0x4b: {  	_ =	shalt  }
0x4c: {  	_ =	shalt  }
0x4d: {  	_ =	shalt  }
0x4e: {  	_ =	shalt  }
0x4f: {  	_ =	shalt  }
0x50: {  	_ =	shalt  }
0x51: {  	_ =	shalt  }
0x52: {  	_ =	shalt  }
0x53: {  	_ =	shalt  }
0x54: {  	_ =	shalt  }
0x55: {  	_ =	shalt  }
0x56: {  	_ =	shalt  }
0x57: {  	_ =	shalt  }
0x58: {  	_ =	shalt  }
0x59: {  	_ =	shalt  }
0x5a: {  	_ =	shalt  }
0x5b: {  	_ =	shalt  }
0x5c: {  	_ =	shalt  }
0x5d: {  	_ =	shalt  }
0x5e: {  	_ =	shalt  }
0x5f: {  	_ =	shalt  }
0x60: {  	_ =	shalt  }
0x61: {  	_ =	shalt  }
0x62: {  	_ =	shalt  }
0x63: {  	_ =	shalt  }
0x64: {  	_ =	shalt  }
0x65: {  	_ =	shalt  }
0x66: {  	_ =	shalt  }
0x67: {  	_ =	shalt  }
0x68: {  	_ =	shalt  }
0x69: {  	_ =	shalt  }
0x6a: {  	_ =	shalt  }
0x6b: {  	_ =	shalt  }
0x6c: {  	_ =	shalt  }
0x6d: {  	_ =	shalt  }
0x6e: {  	_ =	shalt  }
0x6f: {  	_ =	shalt  }
0x70: {  	_ =	shalt  }
0x71: {  	_ =	shalt  }
0x72: {  	_ =	shalt  }
0x73: {  	_ =	shalt  }
0x74: {  	_ =	shalt  }
0x75: {  	_ =	shalt  }
0x76: {  	_ =	shalt  }
0x77: {  	_ =	shalt  }
0x78: {  	_ =	shalt  }
0x79: {  	_ =	shalt  }
0x7a: {  	_ =	shalt  }
0x7b: {  	_ =	shalt  }
0x7c: {  	_ =	shalt  }
0x7d: {  	_ =	shalt  }
0x7e: {  	_ =	shalt  }
0x7f: {  	_ =	shalt  }
0x80: {  	_ =	shalt  }
0x81: {  	_ =	shalt  }
0x82: {  	_ =	shalt  }
0x83: {  	_ =	shalt  }
0x84: {  	_ =	shalt  }
0x85: {  	_ =	shalt  }
0x86: {  	_ =	shalt  }
0x87: {  	_ =	shalt  }
.Lfunc_end0:
.L_simem_size_0:
called_computation_lowered:
.L_overlay_start_0:
0x88: {  	s2 =	sld [smem:$0x3FD9]  }
0x89: {  	s3 =	sld [smem:$0x3FFE];
	_ =	sdelay $0x1  }
0x8a: {  	s1 =	srdreg.scid  }
0x8b: {  	s0 =	sand.u32 $0x1, s1  }
0x8c: {  	s17 =	sshll.u32 s0, $0xA;
	s2 =	sadd.s32 s3, s2  }
0x8d: {  	s2 =	sadd.s32 s2, s17  }
0x8e: {  	[smem:$0x3FBF] =	sst s2  }
0x8f: {  	_ = 	snop  }
0x90: {  	s18 =	sld [smem:$0x3FC9]  }
0x91: {  	s4 =	sld [smem:$0x3FC8];
	(tm) =	ssettm $0x1  }
0x92: {  	s19 =	sld [smem:$0x3FFB];
	_ =	sdelay $0x3  }
0x93: {  	_ =	strace s19  }
0x94: {  	s2 =	sld [smem:$0x3FFC];
	_ =	sdelay $0x3  }
0x95: {  	_ =	strace s2  }
0x96: {  	s2 =	sld [smem:$0x3FFD];
	_ =	sdelay $0x3  }
0x97: {  	_ =	strace s2  }
0x98: {  	_ =	strace $0x8FFFFFFF  }
0x99: {  	s20 =	sld [smem:$0x3FDB];
	_ =	sdelay $0x1  }
0x9a: {  	s5 =	simm.s32 $_scs_section_size  }
0x9b: {  	s6 =	simm.s32 $_size__tile_overlayer_lowered;
	s7 =	simm.s32 $_tile_overlayer_lowered  }
0x9c: {  	s8 =	simm.s32 $0x1BFF;
	s21 =	sshll.u32 s7, $0x1;
	s5 =	sadd.s32 s5, s20  }
0x9d: {  	s22 =	simm.s32 $0x0;
	s6 =	sshll.u32 s6, $0x1;
	s7 =	sadd.s32 s21, s5  }
0x9e: {  	[timem:s22], [sflag:s8] =	dma.local [hbm:s7], s6  }
0x9f: {  	_ =	swait.ge [sflag:s8], s6  }
0xa0: {  	s6 =	ssub.s32 $0x0, s6;
	[sflag:s8] =	ssyncset.done $0x0  }
0xa1: {  	[sflag:s8] =	ssyncadd.s32 s6;
	_ =	sdelay $0x1  }
0xa2: {  	s23 =	simm.s32 $0x1B8B  }
0xa3: {  	_ =	swait.ge [sflag:s23], $0x1  }
0xa4: {  	[sflag:s23] =	ssyncset.done $0x0  }
0xa5: {  	[sflag:s23] =	ssyncadd.s32 $0xFFFFFFFF  }
0xa6: {  	s6 =	sld [smem:$0x0]  }
0xa7: {  	s7 =	sand.u32 $0xFFFFFFFE, s1  }
0xa8: {  	p0 =	sne.s32 s1, s7  }
0xa9: {  	s7 =	sshll.u32 @p0 s7, $0xE  }
0xaa: {  	s7 =	sadd.s32 @p0 $0x11B8D, s7;
	s8 =	sshll.u32 @p0 s6, $0x11  }
0xab: {  	s7 =	sor.u32 @p0 s8, s7  }
0xac: {  	[sflag:s7] =	ssyncadd.remote.s32 @p0 $0x1;
	_ =	sdelay $0x1  }
0xad: {  	s7 =	simm.s32 @p0 $0x1B8D  }
0xae: {  	_ =	swait.eq @p0 [sflag:s7], $0x1  }
0xaf: {  	[sflag:s7] =	ssyncadd.s32 @p0 $0xFFFFFFFF  }
0xb0: {  	s8 =	sshll.u32 @!p0 s1, $0xE  }
0xb1: {  	s8 =	sor.u32 @!p0 $0x4000, s8;
	s7 =	simm.s32 @!p0 $0x1B8D  }
0xb2: {  	s6 =	sshll.u32 @!p0 s6, $0x11;
	s8 =	sadd.s32 @!p0 $0x11B8D, s8;
	_ =	swait.eq @!p0 [sflag:s7], $0x1  }
0xb3: {  	s6 =	sor.u32 @!p0 s6, s8;
	[sflag:s7] =	ssyncadd.s32 @!p0 $0xFFFFFFFF  }
0xb4: {  	s25 =	simm.s32 $0x1B8E;
	s24 =	sld [smem:$0x3FFE];
	[sflag:s6] =	ssyncadd.remote.s32 @!p0 $0x1  }
0xb5: {  	s26 =	simm.s32 $execute0_lowered;
	[smem:$0x3FD2] =	sst s25  }
0xb6: {  	s7 =	sshll.u32 s26, $0x1;
	_ =	strace $0x80000049;
	[dreg:$0x1] =	wrdreg $0xFFFFFFFF  }
0xb7: {  	s28 =	simm.s32 $_size_execute0_lowered;
	s5 =	sadd.s32 s5, s7;
	[dreg:$0x0] =	wrdreg $0x0  }
0xb8: {  	s7 =	sshll.u32 s28, $0x1;
	[dreg:$0x2] =	wrdreg s5  }
0xb9: {  	[dreg:$0x3] =	wrdreg s7  }
0xba: {  	[dreg:$0x4] =	wrdreg $0xC0  }
0xbb: {  	_ =	task [dreg:s22], $0x5FFFF  }
0xbc: {  	[dreg:$0x1] =	wrdreg $0xFFFFFFFF  }
0xbd: {  	[dreg:$0x0] =	wrdreg $0x60  }
0xbe: {  	[dreg:$0x2] =	wrdreg s18  }
0xbf: {  	[dreg:$0x3] =	wrdreg s4  }
0xc0: {  	[dreg:$0x4] =	wrdreg s24  }
0xc1: {  	[dreg:$0x5] =	wrdreg $0xC1800  }
0xc2: {  	[dreg:$0x6] =	wrdreg $0x9  }
0xc3: {  	_ =	task.clear_ibuf [dreg:s22], $0x7FFFF;
	_ =	strace $0x90000049  }
0xc4: {  	s29 =	simm.s32 $0x9;
	_ =	strace $0x8000004B  }
0xc5: {  	_ =	swait.ge [sflag:s29], $0x1  }
0xc6: {  	[sflag:s29] =	ssyncadd.s32 $0xFFFFFFFF  }
0xc7: {  	_ =	strace $0x9000004B  }
0xc8: {  	_ =	sfence  }
0xc9: {  	s30 =	sld [smem:$0x0];
	_ =	sdelay $0x2  }
0xca: {  	s31 =	sshll.u32 s1, $0xD;
	s1 =	sshrl.u32 s1, $0x2  }
0xcb: {  	s4 =	sand.u32 $0x4000, s31;
	s1 =	sadd.s32 s1, s30  }
0xcc: {  	s0 =	sor.u32 s4, s0;
	s1 =	sshll.u32 s1, $0x11  }
0xcd: {  	s0 =	sor.u32 s1, s0  }
0xce: {  	s0 =	sadd.s32 $0x8F2B, s0  }
0xcf: {  	[sflag:s0] =	ssyncadd.remote.s32 $0x1  }
0xd0: {  	_ =	sfence.sel $0xFFFF  }
0xd1: {  	[dreg:$0x0] =	wrdreg $0xFFFFFFFF;
	(pc) =	sbr.abs _section_cstart, $3  }
0xd2: {  	[dreg:$0x1] =	wrdreg $0xFFFFFFFF  }
0xd3: {  	_ =	task.clear_ibuf [dreg:s22], $0x2FFFF;
	_ =	strace $0x9FFFFFFF  }
0xd4: {  	(tm) =	ssettm $0x7FFFFFFF  }
0xd5: {  	_ =	shalt  }
tec
execute0_lowered:
.L_overlay_start_1:
0x0: {  	(tag) =	ssettag $0x1  }
0x1: {  	s0 =	rddreg [dreg:$0x0]  }
0x2: {  	s2 =	rddreg [dreg:$0x1]  }
0x3: {  	s5 =	rddreg [dreg:$0x2]  }
0x4: {  	s1 =	rddreg [dreg:$0x3];
	s3 =	simm.s32 $0x0  }
0x5: {  	s6 =	srdreg.scid;
	s17 =	stileid.u32;
	s28 =	simm.s32 $0x2  }
0x6: {  	s29 =	simm.s32 $0x3;
	s30 =	simm.s32 $0x5;
	[smem:$0x7FF] =	sst s3  }
0x7: {  	s4 =	sadd.s32 $0x50E00, s5;
	s6 =	sand.u32 $0x1, s6;
	s7 =	sshll.u32 s17, $0x1  }
0x8: {  	s5 =	sadd.s32 $0x51C00, s5;
	p0 =	slt.u32 s17, $0x2;
	s12 =	sshll.u32 s17, $0x6  }
0x9: {  	s22 =	smul.u32 $0x19000, s17;
	s25 =	sshll.u32 s17, $0x5;
	s14 =	sshll.u32 s17, $0xC  }
0xa: {  	s31 =	smul.u32 $0x6400, s17;
	_ =	strace $0x8000004A;
	s8 =	ssub.s32 $0x2, s6  }
0xb: {  	s7 =	sor.u32 s6, s7;
	[dreg:$0x9] =	wrdreg s12;
	s13 =	sor.u32 $0x1C07, s12  }
0xc: {  	s23 =	smul.u32 $0x138800, s6;
	s26 =	sshll.u32 s6, $0xB;
	s6 =	sshll.u32 s6, $0x4  }
0xd: {  	s9 =	sshrl.u32 s8, $0x1;
	s10 =	sshll.u32 s7, $0x4;
	s11 =	sshll.u32 s7, $0x7  }
0xe: {  	s20 =	sshll.u32 s7, $0xB;
	s24 =	sshrl.u32 s22, $0x2;
	s7 =	sor.u32 $0x80, s7  }
0xf: {  	s22 =	simm.s32 $0x4180;
	s8 =	ssub.s32 s8, s9;
	s18 =	sadd.s32 s2, s10  }
0x10: {  	s19 =	sor.u32 $0x1000, s11;
	s10 =	sadd.s32 s0, s20;
	s15 =	sadd.s32 s24, s1  }
0x11: {  	s20 =	simm.s32 $0x180;
	s24 =	simm.s32 $0x1;
	[dreg:$0x5] =	wrdreg s18  }
0x12: {  	s11 =	sshrl.u32 s19, $0x3;
	s9 =	sshll.u32 s19, $0x4;
	[dreg:$0x6] =	wrdreg s10  }
0x13: {  	s10 =	simm.s32 $0x4;
	s8 =	smax.u32 s8, $0x1;
	s19 =	sadd.s32 s31, s23  }
0x14: {  	s23 =	simm.s32 $0x7;
	s21 =	sadd.s32 s2, s11;
	s9 =	sadd.s32 s0, s9  }
0x15: {  	s11 =	simm.s32 $0x4;
	[dreg:$0xa] =	wrdreg s8;
	s2 =	sadd.s32 s25, s2  }
0x16: {  	s0 =	sadd.s32 s14, s0;
	s25 =	simm.s32 $0x100;
	[dreg:$0x7] =	wrdreg s21  }
0x17: {  	[dreg:$0x8] =	wrdreg s9;
	s11 =	simm.s32 @!p0 $0x3;
	s0 =	sadd.s32 s26, s0  }
0x18: {  	s16 =	sadd.s32 s6, s2;
	s21 =	simm.s32 $0x80;
	p0 =	sgt.u32 s17, $0x1  }
0x19: {  	s26 =	simm.s32 $0x8180;
	s8 =	sadd.s32 $0x40000, s0;
	s0 =	simm.s32 $0x0  }
.LBB2_1:
0x1a: {  	s2 =	rddreg [dreg:$0x5]  }
0x1b: {  	[tilespmem:s3], [sflag:$0x1] =	stream.linear.gather [hbm4b:s2+s3], $0x80, $0x38;
	[tilespmem:$0x1FA00] =	vst v63  }
0x1c: {  	s14 =	rddreg [dreg:$0x6]  }
0x1d: {  	[tilespmem:s20], [sflag:$0x1] =	stream.linear.gather [hbm4b:s14+s3], $0x4000, $0x38;
	[tilespmem:$0x1FA00] =	vst v63  }
0x1e: {  	s17 =	rddreg [dreg:$0x7];
	p1 =	sne.s32 s11, $0x1  }
0x1f: {  	[tilespmem:s21], [sflag:$0x2] =	stream.linear.gather [hbm4b:s17+s3], $0x80, $0x38;
	[tilespmem:$0x1FA00] =	vst v63  }
.Ltmp0:
0x20: {  	s18 =	rddreg [dreg:$0x8];
	s31 =	sshrl.u32 s15, $0x3;
	(pc) =	sbr.rel @!p1 .LBB2_3-.Ltmp0, $4  }
0x21: {  	[tilespmem:s22], [sflag:$0x2] =	stream.linear.gather [hbm4b:s18+s3], $0x4000, $0x38;
	[tilespmem:$0x1FA00] =	vst v63  }
0x22: {  	[spmem:s31], [sflag:s13] =	dma.local [hbm:s4], $0xC80  }
0x23: {  	_ =	swait.ge [sflag:s23], $0xC80  }
0x24: {  	s6 =	sadd.s32 $0x64000, s15;
	s2 =	sadd.s32 $0xFFFFFFFF, s11;
	[sflag:s23] =	ssyncset.done $0x0  }
.LBB2_2:
0x25: {  	s9 =	sshrl.u32 s6, $0x3;
	[sflag:s23] =	ssyncadd.s32 $0xFFFFF380;
	p2 =	sne.s32 s2, $0x1  }
0x26: {  	[spmem:s9], [sflag:s13] =	dma.local [hbm:s4], $0xC80  }
.Ltmp1:
0x27: {  	_ = 	snop;
	(pc) =	sbr.rel @p2 .LBB2_2-.Ltmp1, $4  }
0x28: {  	_ = 	snop  }
0x29: {  	s2 =	sadd.s32 $0xFFFFFFFF, s2  }
0x2a: {  	_ =	swait.ge [sflag:s23], $0xC80  }
0x2b: {  	s6 =	sadd.s32 $0x64000, s6;
	[sflag:s23] =	ssyncset.done $0x0  }
.LBB2_3:
0x2c: {  	[sflag:s23] =	ssyncadd.s32 $0xFFFFF380  }
0x2d: {  	[bflag:$0x0] =	sbarrier.arrive $0xFFFF  }
0x2e: {  	_ =	swait.ge [sflag:s24], $0x80  }
0x2f: {  	[sflag:s24] =	ssyncset.done $0x0  }
0x30: {  	[sflag:s24] =	ssyncadd.s32 $0xFFFFFF80  }
0x31: {  	_ =	swait.ge [sflag:s24], $0x4000  }
0x32: {  	p2 =	por $0x1, $0x1;
	[sflag:s24] =	ssyncset.done $0x0  }
0x33: {  	s2 =	simm.s32 @!p2 $0x6;
	[sflag:s24] =	ssyncadd.s32 $0xFFFFC000  }
0x34: {  	[spmem:s1] =	stream.indirect.scatter.add.f32 [tilespmem:s20], [sflag:$0x4], $0x80, s3, s21, $0xb8;
	[tilespmem:$0x1FA00] =	vst v63  }
0x35: {  	_ =	swait.ge @!p2 [sflag:s2], $0x4000  }
0x36: {  	s6 =	sadd.s32 $0x0, s16;
	[sflag:s2] =	ssyncset.done @!p2 $0x0  }
0x37: {  	s6 =	sadd.s32 $0x400, s6;
	[sflag:s2] =	ssyncadd.s32 @!p2 $0xFFFFC000  }
0x38: {  	[tilespmem:s25], [sflag:$0x3] =	stream.linear.gather [hbm4b:s6+s3], $0x80, $0x38;
	[tilespmem:$0x1FA00] =	vst v63  }
0x39: {  	s18 =	sadd.s32 $0xFFFE0000, s8  }
0x3a: {  	[tilespmem:s26], [sflag:$0x3] =	stream.linear.gather [hbm4b:s18+s3], $0x4000, $0x38;
	[tilespmem:$0x1FA00] =	vst v63  }
0x3b: {  	_ =	swait.ge [sflag:s28], $0x80  }
0x3c: {  	[sflag:s28] =	ssyncset.done $0x0  }
0x3d: {  	[sflag:s28] =	ssyncadd.s32 $0xFFFFFF80  }
0x3e: {  	_ =	swait.ge [sflag:s28], $0x4000  }
0x3f: {  	[sflag:s28] =	ssyncset.done $0x0  }
0x40: {  	s31 =	sadd.s32 $0xFFFFFFE0, s7;
	[sflag:s28] =	ssyncadd.s32 $0xFFFFC000  }
0x41: {  	[spmem:s1] =	stream.indirect.scatter.add.f32 [tilespmem:s22], [sflag:$0x5], $0x80, s21, s21, $0xb8;
	[tilespmem:$0x1FA00] =	vst v63  }
0x42: {  	p2 =	sgt.u32 s31, $0x9C3;
	_ =	swait.ge [sflag:s10], $0x4000  }
0x43: {  	s2 =	sadd.s32 @!p2 $0x0, s16;
	[sflag:s10] =	ssyncset.done $0x0  }
0x44: {  	s6 =	simm.s32 @!p2 $0x0;
	s2 =	sadd.s32 @!p2 $0x600, s2;
	[sflag:s10] =	ssyncadd.s32 $0xFFFFC000  }
0x45: {  	[tilespmem:s6], [sflag:$0x1] =	stream.linear.gather @!p2 [hbm4b:s2+s6], $0x80, $0x38;
	[tilespmem:$0x1FA00] =	vst v63  }
0x46: {  	s9 =	simm.s32 @!p2 $0x180;
	s2 =	sadd.s32 @!p2 $0xFFFF0000, s8  }
0x47: {  	[tilespmem:s9], [sflag:$0x1] =	stream.linear.gather @!p2 [hbm4b:s2+s6], $0x4000, $0x38;
	[tilespmem:$0x1FA00] =	vst v63  }
0x48: {  	_ =	swait.ge [sflag:s29], $0x80  }
0x49: {  	[sflag:s29] =	ssyncset.done $0x0  }
0x4a: {  	[sflag:s29] =	ssyncadd.s32 $0xFFFFFF80  }
0x4b: {  	_ =	swait.ge [sflag:s29], $0x4000  }
0x4c: {  	[sflag:s29] =	ssyncset.done $0x0  }
0x4d: {  	p3 =	sgt.u32 s7, $0x9C3;
	[sflag:s29] =	ssyncadd.s32 $0xFFFFC000  }
0x4e: {  	[spmem:s1] =	stream.indirect.scatter.add.f32 [tilespmem:s26], [sflag:$0x6], $0x80, s25, s21, $0xb8;
	[tilespmem:$0x1FA00] =	vst v63  }
0x4f: {  	s17 =	smov.u32 s8;
	s14 =	simm.s32 @!p3 $0x0;
	_ =	swait.ge [sflag:s30], $0x4000  }
0x50: {  	s12 =	simm.s32 @!p3 $0x4180;
	s2 =	sadd.s32 @!p3 $0x0, s16;
	[sflag:s30] =	ssyncset.done $0x0  }
0x51: {  	s6 =	simm.s32 @!p3 $0x80;
	s2 =	sadd.s32 @!p3 $0x800, s2;
	[sflag:s30] =	ssyncadd.s32 $0xFFFFC000  }
0x52: {  	[tilespmem:s6], [sflag:$0x2] =	stream.linear.gather @!p3 [hbm4b:s2+s14], $0x80, $0x38;
	[tilespmem:$0x1FA00] =	vst v63  }
0x53: {  	s18 =	smov.u32 s7;
	s2 =	simm.s32 $0x600;
	s6 =	smov.u32 s8  }
.LBB2_4:
0x54: {  	s17 =	sadd.s32 $0x30000, s17  }
0x55: {  	s18 =	sadd.s32 $0x60, s18;
	s9 =	smov.u32 s2;
	s2 =	sadd.s32 $0x600, s2  }
0x56: {  	[tilespmem:s12], [sflag:$0x2] =	stream.linear.gather @!p3 [hbm4b:s6+s14], $0x4000, $0x38;
	[tilespmem:$0x1FA00] =	vst v63  }
0x57: {  	p2 =	sne.s32 s2, $0x9C00;
	s6 =	smov.u32 s17;
	_ =	swait.ge [sflag:s24], $0x80  }
0x58: {  	[sflag:s24] =	ssyncset.done $0x0  }
0x59: {  	[sflag:s24] =	ssyncadd.s32 $0xFFFFFF80  }
0x5a: {  	_ =	swait.ge [sflag:s24], $0x4000  }
0x5b: {  	[sflag:s24] =	ssyncset.done $0x0  }
0x5c: {  	p3 =	seq.s32 s9, $0x0;
	[sflag:s24] =	ssyncadd.s32 $0xFFFFC000  }
0x5d: {  	[spmem:s1] =	stream.indirect.scatter.add.f32 [tilespmem:s20], [sflag:$0x4], $0x80, s3, s21, $0xb8;
	[tilespmem:$0x1FA00] =	vst v63  }
0x5e: {  	s12 =	simm.s32 @!p3 $0x6  }
0x5f: {  	s14 =	sadd.s32 s9, s16;
	_ =	swait.ge @!p3 [sflag:s12], $0x4000  }
0x60: {  	s14 =	sadd.s32 $0x400, s14;
	[sflag:s12] =	ssyncset.done @!p3 $0x0  }
0x61: {  	[sflag:s12] =	ssyncadd.s32 @!p3 $0xFFFFC000;
	s12 =	sadd.s32 $0xFFFE0000, s17  }
0x62: {  	[tilespmem:s25], [sflag:$0x3] =	stream.linear.gather [hbm4b:s14+s3], $0x80, $0x38;
	[tilespmem:$0x1FA00] =	vst v63  }
0x63: {  	_ = 	snop  }
0x64: {  	[tilespmem:s26], [sflag:$0x3] =	stream.linear.gather [hbm4b:s12+s3], $0x4000, $0x38;
	[tilespmem:$0x1FA00] =	vst v63  }
0x65: {  	_ =	swait.ge [sflag:s28], $0x80  }
0x66: {  	[sflag:s28] =	ssyncset.done $0x0  }
0x67: {  	[sflag:s28] =	ssyncadd.s32 $0xFFFFFF80  }
0x68: {  	_ =	swait.ge [sflag:s28], $0x4000  }
0x69: {  	[sflag:s28] =	ssyncset.done $0x0  }
0x6a: {  	s12 =	sadd.s32 $0xFFFFFFE0, s18;
	[sflag:s28] =	ssyncadd.s32 $0xFFFFC000  }
0x6b: {  	[spmem:s1] =	stream.indirect.scatter.add.f32 [tilespmem:s22], [sflag:$0x5], $0x80, s21, s21, $0xb8;
	[tilespmem:$0x1FA00] =	vst v63  }
0x6c: {  	p3 =	sgt.u32 s12, $0x9C3;
	_ =	swait.ge [sflag:s10], $0x4000  }
0x6d: {  	s12 =	sadd.s32 @!p3 s9, s16;
	s14 =	simm.s32 @!p3 $0x0;
	[sflag:s10] =	ssyncset.done $0x0  }
0x6e: {  	s31 =	sadd.s32 @!p3 $0xFFFF0000, s17;
	s12 =	sadd.s32 @!p3 $0x600, s12;
	[sflag:s10] =	ssyncadd.s32 $0xFFFFC000  }
0x6f: {  	[tilespmem:s14], [sflag:$0x1] =	stream.linear.gather @!p3 [hbm4b:s12+s14], $0x80, $0x38;
	[tilespmem:$0x1FA00] =	vst v63  }
0x70: {  	s12 =	simm.s32 @!p3 $0x180  }
0x71: {  	[tilespmem:s12], [sflag:$0x1] =	stream.linear.gather @!p3 [hbm4b:s31+s14], $0x4000, $0x38;
	[tilespmem:$0x1FA00] =	vst v63  }
0x72: {  	_ =	swait.ge [sflag:s29], $0x80  }
0x73: {  	[sflag:s29] =	ssyncset.done $0x0  }
0x74: {  	[sflag:s29] =	ssyncadd.s32 $0xFFFFFF80  }
0x75: {  	_ =	swait.ge [sflag:s29], $0x4000  }
0x76: {  	[sflag:s29] =	ssyncset.done $0x0  }
0x77: {  	p3 =	sgt.u32 s18, $0x9C3;
	[sflag:s29] =	ssyncadd.s32 $0xFFFFC000  }
0x78: {  	[spmem:s1] =	stream.indirect.scatter.add.f32 [tilespmem:s26], [sflag:$0x6], $0x80, s25, s21, $0xb8;
	[tilespmem:$0x1FA00] =	vst v63  }
.Ltmp2:
0x79: {  	_ = 	snop;
	(pc) =	sbr.rel @p2 .LBB2_4-.Ltmp2, $4  }
0x7a: {  	s9 =	sadd.s32 @!p3 s9, s16;
	s31 =	simm.s32 @!p3 $0x80;
	_ =	swait.ge [sflag:s30], $0x4000  }
0x7b: {  	s14 =	simm.s32 @!p3 $0x0;
	s9 =	sadd.s32 @!p3 $0x800, s9;
	[sflag:s30] =	ssyncset.done $0x0  }
0x7c: {  	s12 =	simm.s32 @!p3 $0x4180;
	[sflag:s30] =	ssyncadd.s32 $0xFFFFC000  }
0x7d: {  	[tilespmem:s31], [sflag:$0x2] =	stream.linear.gather @!p3 [hbm4b:s9+s14], $0x80, $0x38;
	[tilespmem:$0x1FA00] =	vst v63  }
0x7e: {  	[tilespmem:s12], [sflag:$0x2] =	stream.linear.gather @!p3 [hbm4b:s6+s14], $0x4000, $0x38;
	[tilespmem:$0x1FA00] =	vst v63  }
0x7f: {  	s2 =	simm.s32 $0x6  }
0x80: {  	_ =	swait.ge [sflag:s2], $0x4000  }
0x81: {  	[sflag:s2] =	ssyncset.done $0x0  }
0x82: {  	[sflag:s2] =	ssyncadd.s32 $0xFFFFC000;
	s2 =	simm.s32 @!p0 $0x1  }
0x83: {  	_ =	swait.ge @!p0 [sflag:s2], $0x80  }
0x84: {  	[sflag:s2] =	ssyncset.done @!p0 $0x0  }
0x85: {  	[sflag:s2] =	ssyncadd.s32 @!p0 $0xFFFFFF80  }
0x86: {  	_ =	swait.ge @!p0 [sflag:s2], $0x4000  }
0x87: {  	s6 =	simm.s32 @!p0 $0x0;
	[sflag:s2] =	ssyncset.done @!p0 $0x0  }
0x88: {  	s9 =	simm.s32 @!p0 $0x180;
	[sflag:s2] =	ssyncadd.s32 @!p0 $0xFFFFC000;
	s2 =	simm.s32 @!p0 $0x80  }
0x89: {  	[spmem:s1] =	stream.indirect.scatter.add.f32 @!p0 [tilespmem:s9], [sflag:$0x4], $0x80, s6, s2, $0xb8;
	[tilespmem:$0x1FA00] =	vst v63  }
0x8a: {  	s2 =	simm.s32 @!p0 $0x4  }
0x8b: {  	_ =	swait.ge @!p0 [sflag:s2], $0x4000  }
.Ltmp3:
0x8c: {  	[sflag:s2] =	ssyncset.done @!p0 $0x0;
	(pc) =	sbr.rel @!p1 .LBB2_7-.Ltmp3, $4  }
0x8d: {  	[sflag:s2] =	ssyncadd.s32 @!p0 $0xFFFFC000  }
0x8e: {  	s18 =	sshrl.u32 s19, $0x3;
	s14 =	sadd.s32 $0x64000, s15;
	[bflag:$0x0] =	sbarrier.arrive $0xFFFF  }
0x8f: {  	s17 =	sshrl.u32 s15, $0x3;
	s12 =	sadd.s32 s5, s18;
	s31 =	rddreg [dreg:$0x9]  }
0x90: {  	s9 =	sadd.s32 $0x64000, s19;
	s2 =	sadd.s32 $0xFFFFFFFF, s11;
	s6 =	sor.u32 $0x1C01, s31  }
.LBB2_6:
0x91: {  	[hbm:s12], [sflag:s6] =	dma.local [spmem:s17], $0xC80  }
0x92: {  	p2 =	sne.s32 s2, $0x1  }
.Ltmp4:
0x93: {  	s2 =	sadd.s32 $0xFFFFFFFF, s2;
	(pc) =	sbr.rel @p2 .LBB2_6-.Ltmp4, $3  }
0x94: {  	s17 =	smov.u32 s14;
	_ =	sdelay $0x1  }
0x95: {  	s12 =	sshrl.u32 s9, $0x3;
	s9 =	sadd.s32 $0x64000, s9;
	s14 =	sadd.s32 $0x64000, s14  }
0x96: {  	s12 =	sadd.s32 s5, s12;
	s17 =	sshrl.u32 s17, $0x3  }
.LBB2_7:
.Ltmp5:
0x97: {  	(pc) =	sbr.rel @!p1 .LBB2_9-.Ltmp5, $4  }
0x98: {  	_ = 	snop  }
0x99: {  	[hbm:s12], [sflag:s6] =	dma.local [spmem:s17], $0xC80  }
0x9a: {  	_ =	swait.ge [sflag:s24], $0xC80  }
0x9b: {  	s2 =	sadd.s32 $0xFFFFFFFF, s11;
	[sflag:s24] =	ssyncset.done $0x0  }
.LBB2_8:
0x9c: {  	p1 =	sne.s32 s2, $0x1;
	s2 =	sadd.s32 $0xFFFFFFFF, s2;
	[sflag:s24] =	ssyncadd.s32 $0xFFFFF380  }
.Ltmp6:
0x9d: {  	(pc) =	sbr.rel @p1 .LBB2_8-.Ltmp6, $3  }
0x9e: {  	_ =	sdelay $0x1  }
0x9f: {  	_ =	swait.ge [sflag:s24], $0xC80  }
0xa0: {  	[sflag:s24] =	ssyncset.done $0x0  }
.LBB2_9:
0xa1: {  	s0 =	sadd.s32 $0x1, s0;
	s2 =	rddreg [dreg:$0xa]  }
0xa2: {  	p1 =	sne.s32 s0, s2  }
.Ltmp7:
0xa3: {  	_ = 	snop;
	(pc) =	sbr.rel @p1 .LBB2_1-.Ltmp7, $2  }
0xa4: {  	_ =	sdelay $0x2  }
0xa5: {  	[sflag:s24] =	ssyncadd.s32 $0xFFFFF380  }
0xa6: {  	_ =	sfence.sel $0x180000  }
0xa7: {  	[bflag:$0x0] =	sbarrier.arrive $0xFFFF  }
0xa8: {  	_ =	strace $0x9000004A  }
0xa9: {  	s0 =	stileid.u32;
	[bflag:$0x2] =	sbarrier.arrive $0xFFFF  }
0xaa: {  	p0 =	sne.s32 s0, $0x0;
	s0 =	rddreg [dreg:$0x4]  }
0xab: {  	s0 =	sadd.s32 @!p0 $0x100000, s0  }
0xac: {  	[sflag:s0] =	ssyncadd.tile.s32 @!p0 $0x1;
	_ =	shalt  }
.Lfunc_end2:
_tile_overlayer_lowered:
.L_overlay_start_2:
0xad: {  	(tag) =	ssettag $0x2  }
0xae: {  	s0 =	rddreg [dreg:$0x0];
	s2 =	stileid.u32  }
0xaf: {  	s1 =	rddreg [dreg:$0x1];
	p0 =	sne.s32 s2, $0x0  }
0xb0: {  	s3 =	rddreg [dreg:$0x2];
	[bflag:$0x3] =	sbarrier.arrive $0xFFFF;
	s2 =	simm.s32 @!p0 $0x1C07  }
0xb1: {  	[timem:s3], [sflag:s2] =	dma.local @!p0 [hbm:s0], s1  }
0xb2: {  	s0 =	simm.s32 @!p0 $0x7  }
0xb3: {  	_ =	swait.ge @!p0 [sflag:s0], s1  }
0xb4: {  	s1 =	ssub.s32 @!p0 $0x0, s1;
	[sflag:s0] =	ssyncset.done @!p0 $0x0  }
0xb5: {  	[sflag:s0] =	ssyncadd.s32 @!p0 s1  }
0xb6: {  	[bflag:$0x3] =	sbarrier.arrive $0xFFFF  }
0xb7: {  	_ =	shalt  }

// kernel: kernel.8.cloned.1.call-start
scs
__scs_entry_jumppad:
0x0: {  	(pc) =	sbr.rel $0x88, $3  }
0x1: {  	(tag) =	ssettag $0x0;
	lr =	simm.s32 $0x1  }
0x2: {  	[smem:$0x3F98] =	sst lr;
	_ =	strace $0xD0000000  }
0x3: {  	_ = 	snop  }
0x4: {  	_ = 	snop  }
0x5: {  	_ = 	snop  }
0x6: {  	_ = 	snop  }
0x7: {  	_ = 	snop  }
__scs_overlays_trampoline_lowered:
0x8: {  	[smem:$0x3FA7] =	sst s0  }
0x9: {  	[smem:$0x3FA8] =	sst s1  }
0xa: {  	[smem:$0x3FA9] =	sst s2  }
0xb: {  	[smem:$0x3FAA] =	sst s3  }
0xc: {  	[smem:$0x3FAB] =	sst s4  }
0xd: {  	[smem:$0x3FAC] =	sst s5  }
0xe: {  	[smem:$0x3FAD] =	sst s6  }
0xf: {  	[smem:$0x3FAE] =	sst s7  }
0x10: {  	[smem:$0x3FAF] =	sst s8  }
0x11: {  	[smem:$0x3FB0] =	sst s9;
	s0 =	simm.s32 @!p0 $0x0  }
0x12: {  	s1 =	sld [smem:$0x3F96];
	s0 =	simm.s32 @p0 $0x1  }
0x13: {  	[smem:$0x3FB1] =	sst s0;
	s0 =	simm.s32 @!p1 $0x0  }
0x14: {  	s2 =	sld [smem:$0x3F95];
	s0 =	simm.s32 @p1 $0x1  }
0x15: {  	[smem:$0x3FB2] =	sst s0;
	s0 =	simm.s32 @!p2 $0x0  }
0x16: {  	s3 =	sld [smem:$0x3FDB];
	s0 =	simm.s32 @p2 $0x1  }
0x17: {  	s4 =	simm.s32 $0x1BF5;
	[smem:$0x3FB4] =	sst s0  }
0x18: {  	s0 =	sld [smem:$0x3F97];
	_ =	swait.ge [sflag:s4], $0x0  }
0x19: {  	s7 =	sld [smem:$0x3F98]  }
0x1a: {  	s8 =	sadd.s32 $0xFFFFE003, lr  }
0x1b: {  	s9 =	sadd.s32 $0xFFFFFEF7, lr;
	s5 =	simm.s32 $0xFFFFFFFF;
	p2 =	slt.u32 s8, $0xFFFFF086  }
0x1c: {  	p1 =	slt.u32 s9, $0xF7A;
	s5 =	simm.s32 @!p2 $0x0  }
0x1d: {  	s5 =	simm.s32 @p1 $0x1;
	p0 =	seq.s32 s7, s2  }
0x1e: {  	s7 =	smul.u32 @!p0 $0xF7A, s2;
	p2 =	seq.s32 @!p0 s5, $0x0  }
0x1f: {  	s9 =	smul.u32 $0xF7A, s1;
	s8 =	simm.s32 @!p0 $0x1BF5;
	p2 =	por !p2, p0  }
0x20: {  	[sflag:s8] =	ssyncset.s32 @!p0 $0xFFFFF086;
	s6 =	sadd.s32 @!p0 s3, s7;
	s7 =	simm.s32 @!p0 $0x108  }
0x21: {  	s3 =	sadd.s32 s3, s9;
	s6 =	sadd.s32 @!p0 $0x88, s6;
	s7 =	simm.s32 @p2 $0x1082  }
0x22: {  	[simem:s7], [sflag:s8] =	dma.local @!p0 [hbm:s6], $0xF7A  }
0x23: {  	s9 =	sor.u32 $0xD0000000, s2;
	s6 =	simm.s32 $0x108;
	_ =	swait.ge @!p0 [sflag:s8], $0x0  }
0x24: {  	s3 =	sadd.s32 $0x88, s3;
	s6 =	simm.s32 @!p1 $0x1082;
	[sflag:s4] =	ssyncset.s32 $0xFFFFF086  }
0x25: {  	[simem:s6], [sflag:s4] =	dma.local [hbm:s3], $0xF7A  }
0x26: {  	[smem:$0x3F98] =	sst s1;
	(tag) =	ssettag s2;
	_ =	strace s9  }
0x27: {  	s1 =	sld [smem:$0x3FA8]  }
0x28: {  	s2 =	sld [smem:$0x3FA9]  }
0x29: {  	s4 =	sld [smem:$0x3FAB]  }
0x2a: {  	p0 =	seq.s32 s5, $0x0;
	s5 =	sld [smem:$0x3FAC]  }
0x2b: {  	s6 =	sld [smem:$0x3FAD]  }
0x2c: {  	s7 =	sld [smem:$0x3FAE]  }
0x2d: {  	s3 =	simm.s32 $0x108;
	s8 =	sld [smem:$0x3FAF]  }
0x2e: {  	s3 =	simm.s32 @!p0 $0x1082;
	s9 =	sld [smem:$0x3FB0]  }
0x2f: {  	lr =	sadd.s32 s0, s3;
	s0 =	sld [smem:$0x3FA7]  }
0x30: {  	s3 =	sld [smem:$0x3FAA]  }
0x31: {  	[smem:$0x3FB3] =	sst s10  }
0x32: {  	s10 =	sld [smem:$0x3FB1];
	_ =	sdelay $0x3  }
0x33: {  	p0 =	seq.s32 s10, $0x1;
	s10 =	sld [smem:$0x3FB3];
	_ =	sdelay $0x3  }
0x34: {  	[smem:$0x3FB3] =	sst s10  }
0x35: {  	s10 =	sld [smem:$0x3FB2];
	_ =	sdelay $0x3  }
0x36: {  	p1 =	seq.s32 s10, $0x1;
	s10 =	sld [smem:$0x3FB3];
	_ =	sdelay $0x3  }
0x37: {  	[smem:$0x3FB3] =	sst s10  }
0x38: {  	s10 =	sld [smem:$0x3FB4]  }
0x39: {  	_ = 	snop;
	(pc) =	sbr.ind lr, $3  }
0x3a: {  	_ = 	snop  }
0x3b: {  	_ = 	snop  }
0x3c: {  	p2 =	seq.s32 s10, $0x1;
	s10 =	sld [smem:$0x3FB3]  }
0x3d: {  	_ =	shalt  }
0x3e: {  	_ =	shalt  }
0x3f: {  	_ =	shalt  }
0x40: {  	_ =	shalt  }
0x41: {  	_ =	shalt  }
0x42: {  	_ =	shalt  }
0x43: {  	_ =	shalt  }
0x44: {  	_ =	shalt  }
0x45: {  	_ =	shalt  }
0x46: {  	_ =	shalt  }
0x47: {  	_ =	shalt  }
0x48: {  	_ =	shalt  }
0x49: {  	_ =	shalt  }
0x4a: {  	_ =	shalt  }
0x4b: {  	_ =	shalt  }
0x4c: {  	_ =	shalt  }
0x4d: {  	_ =	shalt  }
0x4e: {  	_ =	shalt  }
0x4f: {  	_ =	shalt  }
0x50: {  	_ =	shalt  }
0x51: {  	_ =	shalt  }
0x52: {  	_ =	shalt  }
0x53: {  	_ =	shalt  }
0x54: {  	_ =	shalt  }
0x55: {  	_ =	shalt  }
0x56: {  	_ =	shalt  }
0x57: {  	_ =	shalt  }
0x58: {  	_ =	shalt  }
0x59: {  	_ =	shalt  }
0x5a: {  	_ =	shalt  }
0x5b: {  	_ =	shalt  }
0x5c: {  	_ =	shalt  }
0x5d: {  	_ =	shalt  }
0x5e: {  	_ =	shalt  }
0x5f: {  	_ =	shalt  }
0x60: {  	_ =	shalt  }
0x61: {  	_ =	shalt  }
0x62: {  	_ =	shalt  }
0x63: {  	_ =	shalt  }
0x64: {  	_ =	shalt  }
0x65: {  	_ =	shalt  }
0x66: {  	_ =	shalt  }
0x67: {  	_ =	shalt  }
0x68: {  	_ =	shalt  }
0x69: {  	_ =	shalt  }
0x6a: {  	_ =	shalt  }
0x6b: {  	_ =	shalt  }
0x6c: {  	_ =	shalt  }
0x6d: {  	_ =	shalt  }
0x6e: {  	_ =	shalt  }
0x6f: {  	_ =	shalt  }
0x70: {  	_ =	shalt  }
0x71: {  	_ =	shalt  }
0x72: {  	_ =	shalt  }
0x73: {  	_ =	shalt  }
0x74: {  	_ =	shalt  }
0x75: {  	_ =	shalt  }
0x76: {  	_ =	shalt  }
0x77: {  	_ =	shalt  }
0x78: {  	_ =	shalt  }
0x79: {  	_ =	shalt  }
0x7a: {  	_ =	shalt  }
0x7b: {  	_ =	shalt  }
0x7c: {  	_ =	shalt  }
0x7d: {  	_ =	shalt  }
0x7e: {  	_ =	shalt  }
0x7f: {  	_ =	shalt  }
0x80: {  	_ =	shalt  }
0x81: {  	_ =	shalt  }
0x82: {  	_ =	shalt  }
0x83: {  	_ =	shalt  }
0x84: {  	_ =	shalt  }
0x85: {  	_ =	shalt  }
0x86: {  	_ =	shalt  }
0x87: {  	_ =	shalt  }
.Lfunc_end0:
.L_simem_size_0:
called_computation.1_lowered:
.L_overlay_start_0:
0x88: {  	s2 =	sld [smem:$0x3FD9]  }
0x89: {  	s3 =	sld [smem:$0x3FFE];
	_ =	sdelay $0x1  }
0x8a: {  	s1 =	srdreg.scid  }
0x8b: {  	s0 =	sand.u32 $0x1, s1  }
0x8c: {  	s17 =	sshll.u32 s0, $0xA;
	s2 =	sadd.s32 s3, s2  }
0x8d: {  	s2 =	sadd.s32 s2, s17  }
0x8e: {  	[smem:$0x3FBF] =	sst s2  }
0x8f: {  	_ = 	snop  }
0x90: {  	s2 =	sld [smem:$0x3FC9]  }
0x91: {  	s18 =	sld [smem:$0x3FC8]  }
0x92: {  	s4 =	sld [smem:$0x3FC7]  }
0x93: {  	s5 =	sld [smem:$0x3FC6];
	(tm) =	ssettm $0x1  }
0x94: {  	s6 =	sld [smem:$0x3FFB];
	_ =	sdelay $0x3  }
0x95: {  	_ =	strace s6  }
0x96: {  	s6 =	sld [smem:$0x3FFC];
	_ =	sdelay $0x3  }
0x97: {  	_ =	strace s6  }
0x98: {  	s6 =	sld [smem:$0x3FFD];
	_ =	sdelay $0x3  }
0x99: {  	_ =	strace s6  }
0x9a: {  	_ =	strace $0x8FFFFFFF  }
0x9b: {  	s19 =	sld [smem:$0x3FDB];
	_ =	sdelay $0x1  }
0x9c: {  	s7 =	simm.s32 $_scs_section_size  }
0x9d: {  	s8 =	simm.s32 $_size__tile_overlayer_lowered;
	s9 =	simm.s32 $_tile_overlayer_lowered  }
0x9e: {  	s22 =	simm.s32 $0x1BFF;
	s21 =	sshll.u32 s9, $0x1;
	s6 =	sadd.s32 s7, s19  }
0x9f: {  	s10 =	simm.s32 $0x0;
	s20 =	sshll.u32 s8, $0x1;
	s8 =	sadd.s32 s21, s6  }
0xa0: {  	[timem:s10], [sflag:s22] =	dma.local [hbm:s8], s20  }
0xa1: {  	_ =	swait.ge [sflag:s22], s20  }
0xa2: {  	s7 =	ssub.s32 $0x0, s20;
	[sflag:s22] =	ssyncset.done $0x0  }
0xa3: {  	[sflag:s22] =	ssyncadd.s32 s7;
	_ =	sdelay $0x1  }
0xa4: {  	s23 =	simm.s32 $0x1B8B  }
0xa5: {  	_ =	swait.ge [sflag:s23], $0x1  }
0xa6: {  	[sflag:s23] =	ssyncset.done $0x0  }
0xa7: {  	s25 =	simm.s32 $0x1B8E;
	s24 =	sld [smem:$0x3FFE];
	[sflag:s23] =	ssyncadd.s32 $0xFFFFFFFF  }
0xa8: {  	s26 =	simm.s32 $execute0_lowered;
	[smem:$0x3FD2] =	sst s25  }
0xa9: {  	s8 =	sshll.u32 s26, $0x1;
	_ =	strace $0x80000046;
	[dreg:$0x1] =	wrdreg $0xFFFFFFFF  }
0xaa: {  	s28 =	simm.s32 $_size_execute0_lowered;
	s6 =	sadd.s32 s6, s8;
	[dreg:$0x0] =	wrdreg $0x0  }
0xab: {  	s8 =	sshll.u32 s28, $0x1;
	[dreg:$0x2] =	wrdreg s6  }
0xac: {  	[dreg:$0x3] =	wrdreg s8  }
0xad: {  	[dreg:$0x4] =	wrdreg $0xC0  }
0xae: {  	_ =	task [dreg:s10], $0x5FFFF  }
0xaf: {  	[dreg:$0x1] =	wrdreg $0xFFFFFFFF  }
0xb0: {  	[dreg:$0x0] =	wrdreg $0x60  }
0xb1: {  	[dreg:$0x2] =	wrdreg s2  }
0xb2: {  	[dreg:$0x3] =	wrdreg s18  }
0xb3: {  	[dreg:$0x4] =	wrdreg s5  }
0xb4: {  	[dreg:$0x5] =	wrdreg s4  }
0xb5: {  	[dreg:$0x6] =	wrdreg s24  }
0xb6: {  	[dreg:$0x7] =	wrdreg $0xAE800  }
0xb7: {  	[dreg:$0x8] =	wrdreg $0xA  }
0xb8: {  	_ =	task.clear_ibuf [dreg:s10], $0x9FFFF;
	_ =	strace $0x90000046  }
0xb9: {  	s29 =	simm.s32 $0xA;
	_ =	strace $0x80000048  }
0xba: {  	_ =	swait.ge [sflag:s29], $0x1  }
0xbb: {  	[sflag:s29] =	ssyncadd.s32 $0xFFFFFFFF  }
0xbc: {  	_ =	strace $0x90000048  }
0xbd: {  	_ =	sfence  }
0xbe: {  	s30 =	sld [smem:$0x0];
	_ =	sdelay $0x2  }
0xbf: {  	s31 =	sshll.u32 s1, $0xD;
	s1 =	sshrl.u32 s1, $0x2  }
0xc0: {  	s3 =	sand.u32 $0x4000, s31;
	s1 =	sadd.s32 s1, s30  }
0xc1: {  	s0 =	sor.u32 s3, s0;
	s1 =	sshll.u32 s1, $0x11  }
0xc2: {  	s0 =	sor.u32 s1, s0  }
0xc3: {  	s0 =	sadd.s32 $0x8F2B, s0  }
0xc4: {  	[sflag:s0] =	ssyncadd.remote.s32 $0x1  }
0xc5: {  	_ =	sfence.sel $0xFFFF  }
0xc6: {  	[dreg:$0x0] =	wrdreg $0xFFFFFFFF;
	(pc) =	sbr.abs _section_cstart, $3  }
0xc7: {  	[dreg:$0x1] =	wrdreg $0xFFFFFFFF  }
0xc8: {  	_ =	task.clear_ibuf [dreg:s10], $0x2FFFF;
	_ =	strace $0x9FFFFFFF  }
0xc9: {  	(tm) =	ssettm $0x7FFFFFFF  }
tec
execute0_lowered:
.L_overlay_start_1:
0x0: {  	(tag) =	ssettag $0x1  }
0x1: {  	s0 =	rddreg [dreg:$0x1]  }
0x2: {  	s1 =	rddreg [dreg:$0x2]  }
0x3: {  	s3 =	rddreg [dreg:$0x3]  }
0x4: {  	s4 =	rddreg [dreg:$0x4]  }
0x5: {  	s2 =	rddreg [dreg:$0x5];
	s5 =	simm.s32 $0x0;
	s7 =	srdreg.scid  }
0x6: {  	s17 =	stileid.u32;
	s28 =	simm.s32 $0x4;
	[smem:$0x7FF] =	sst s5  }
0x7: {  	s5 =	sadd.s32 $0x2000, s4;
	s6 =	sadd.s32 $0x2800, s4;
	s9 =	sand.u32 $0x1, s7  }
0x8: {  	s8 =	sshll.u32 s17, $0x1;
	s7 =	sadd.s32 $0x16200, s4;
	s4 =	sadd.s32 $0x29C00, s4  }
0x9: {  	p1 =	slt.u32 s17, $0x2;
	_ =	strace $0x80000047;
	s11 =	sor.u32 s9, s8  }
0xa: {  	s10 =	ssub.s32 $0x2, s9;
	s8 =	simm.s32 $0x14;
	s14 =	smul.u32 $0xA, s11  }
0xb: {  	s12 =	sshrl.u32 s10, $0x1;
	p0 =	slt.u32 s11, $0x11;
	s16 =	smul.u32 $0x50, s11  }
0xc: {  	s19 =	sshll.u32 s11, $0x6;
	s13 =	sor.u32 $0x20, s11;
	s24 =	smul.u32 $0x500, s11  }
0xd: {  	s26 =	smul.u32 $0x2800, s11;
	s10 =	ssub.s32 s10, s12;
	s8 =	simm.s32 @!p0 $0x13  }
0xe: {  	s15 =	sadd.s32 s0, s19;
	s20 =	sshll.u32 s13, $0x6;
	s22 =	smul.u32 $0xA, s13  }
0xf: {  	s12 =	sadd.s32 s1, s19;
	s31 =	smul.u32 $0x500, s13;
	[dreg:$0x7] =	wrdreg s15  }
0x10: {  	p0 =	seq.s32 s9, $0x1;
	s9 =	sshll.u32 s9, $0x6;
	[dreg:$0x8] =	wrdreg s12  }
0x11: {  	s21 =	sadd.s32 s0, s20;
	s15 =	sadd.s32 s1, s20;
	s23 =	sshrl.u32 s16, $0x3  }
0x12: {  	s14 =	sadd.s32 s3, s14;
	s16 =	sshrl.u32 s26, $0x3;
	[dreg:$0x9] =	wrdreg s21  }
0x13: {  	s26 =	smax.u32 s10, $0x1;
	s29 =	sadd.s32 $0xFFFFFFFF, s8;
	[dreg:$0xa] =	wrdreg s15  }
0x14: {  	s10 =	simm.s32 $0x1;
	s12 =	simm.s32 $0x800;
	[dreg:$0xb] =	wrdreg s14  }
0x15: {  	s25 =	sadd.s32 s3, s23;
	s3 =	sadd.s32 s3, s22;
	s14 =	sadd.s32 s4, s24  }
0x16: {  	s18 =	sadd.s32 s4, s16;
	s21 =	sshll.u32 s17, $0x7;
	s22 =	smul.u32 $0xC800, s17  }
0x17: {  	[dreg:$0x14] =	wrdreg s26;
	s15 =	simm.s32 $0x900;
	s16 =	simm.s32 $0x980  }
0x18: {  	[dreg:$0xc] =	wrdreg s3;
	s30 =	sadd.s32 $0x280, s25;
	s13 =	sadd.s32 $0x3C0, s25  }
0x19: {  	[dreg:$0xf] =	wrdreg s14;
	s3 =	sadd.s32 s4, s31;
	s1 =	sadd.s32 s21, s1  }
0x1a: {  	s0 =	sadd.s32 s21, s0;
	s24 =	sadd.s32 $0x14000, s18;
	s25 =	sadd.s32 $0x1E000, s18  }
0x1b: {  	s31 =	smul.u32 $0x3200, s17;
	s14 =	simm.s32 $0x880;
	[dreg:$0xd] =	wrdreg s30  }
0x1c: {  	s17 =	simm.s32 $0x2;
	s18 =	simm.s32 $0xA00;
	[dreg:$0xe] =	wrdreg s13  }
0x1d: {  	[dreg:$0x10] =	wrdreg s3;
	s19 =	sadd.s32 s9, s1;
	s20 =	sadd.s32 s9, s0  }
0x1e: {  	s0 =	simm.s32 $0x4;
	s23 =	sshrl.u32 s22, $0x2;
	[dreg:$0x12] =	wrdreg s24  }
0x1f: {  	[dreg:$0x13] =	wrdreg s25;
	s30 =	sor.u32 $0x60, s11;
	s9 =	simm.s32 $0x8  }
.Ltmp0:
0x20: {  	s13 =	simm.s32 $0xC00;
	s22 =	simm.s32 $0xA80;
	(pc) =	sbr.rel .LBB2_1-.Ltmp0, $4  }
0x21: {  	s24 =	simm.s32 $0x3;
	s1 =	simm.s32 $0x0;
	[dreg:$0x16] =	wrdreg s30  }
0x22: {  	s0 =	simm.s32 @!p1 $0x3;
	p1 =	sgt.u32 s11, $0x1C;
	[dreg:$0x17] =	wrdreg s31  }
0x23: {  	s11 =	simm.s32 $0x80;
	[dreg:$0x11] =	wrdreg s0;
	s0 =	sadd.s32 s23, s2  }
0x24: {  	v0 =	vimm.f32 $1.000000000e+00;
	s23 =	simm.s32 $0xB00;
	[dreg:$0x15] =	wrdreg s0;
	s0 =	simm.s32 $0xB80  }
.LBB2_19:
0x25: {  	[sflag:s10] =	ssyncadd.s32 $0xFFFFF9C0  }
.LBB2_20:
0x26: {  	s1 =	sadd.s32 $0x1, s1;
	s3 =	rddreg [dreg:$0x14]  }
0x27: {  	p2 =	sne.s32 s1, s3  }
.Ltmp1:
0x28: {  	_ = 	snop;
	(pc) =	sbr.rel @!p2 .LBB2_21-.Ltmp1, $1  }
0x29: {  	_ =	sdelay $0x3  }
.LBB2_1:
0x2a: {  	s3 =	simm.s32 $0x0;
	s21 =	rddreg [dreg:$0x7]  }
0x2b: {  	[tilespmem:s3], [sflag:$0x1] =	stream.linear.gather [hbm4b:s21+s3], $0x200, $0x38;
	[tilespmem:$0x14AC0] =	vst v63  }
0x2c: {  	s4 =	rddreg [dreg:$0x8];
	s25 =	simm.s32 $0x400  }
0x2d: {  	[tilespmem:s25], [sflag:$0x1] =	stream.linear.gather [hbm4b:s4+s3], $0x200, $0x38;
	[tilespmem:$0x14AC0] =	vst v63  }
0x2e: {  	s26 =	rddreg [dreg:$0x9];
	s30 =	simm.s32 $0x200  }
0x2f: {  	[tilespmem:s30], [sflag:$0x2] =	stream.linear.gather [hbm4b:s26+s3], $0x200, $0x38;
	[tilespmem:$0x14AC0] =	vst v63  }
0x30: {  	s31 =	rddreg [dreg:$0xa];
	s4 =	simm.s32 $0x600  }
0x31: {  	[tilespmem:s4], [sflag:$0x2] =	stream.linear.gather [hbm4b:s31+s3], $0x200, $0x38;
	[tilespmem:$0x14AC0] =	vst v63  }
0x32: {  	s26 =	rddreg [dreg:$0xb];
	s30 =	simm.s32 $0xC80  }
0x33: {  	[tilespmem:s30], [sflag:$0x5] =	stream.linear.gather [hbm4b:s26+s3], $0x50, $0x38;
	[tilespmem:$0x14AC0] =	vst v63  }
0x34: {  	s31 =	rddreg [dreg:$0xc];
	s4 =	simm.s32 $0xD00  }
0x35: {  	[tilespmem:s4], [sflag:$0x5] =	stream.linear.gather [hbm4b:s31+s3], $0x50, $0x38;
	[tilespmem:$0x14AC0] =	vst v63  }
0x36: {  	s21 =	simm.s32 @!p1 $0xE00;
	s25 =	rddreg [dreg:$0xd];
	s26 =	simm.s32 $0xD80  }
0x37: {  	[tilespmem:s26], [sflag:$0x5] =	stream.linear.gather [hbm4b:s25+s3], $0x50, $0x38;
	[tilespmem:$0x14AC0] =	vst v63  }
0x38: {  	s30 =	stileid.u32;
	s3 =	simm.s32 @!p1 $0x0;
	s25 =	rddreg [dreg:$0xe]  }
0x39: {  	[tilespmem:s21], [sflag:$0x5] =	stream.linear.gather @!p1 [hbm4b:s25+s3], $0x50, $0x38;
	[tilespmem:$0x14AC0] =	vst v63  }
0x3a: {  	s26 =	rddreg [dreg:$0x15];
	s3 =	sshll.u32 s30, $0x6  }
0x3b: {  	s31 =	sshrl.u32 s26, $0x3;
	[dreg:$0x18] =	wrdreg s3;
	s21 =	sor.u32 $0x1C08, s3  }
0x3c: {  	[spmem:s31], [sflag:s21] =	dma.local [hbm:s5], $0x640  }
0x3d: {  	s3 =	rddreg [dreg:$0x11]  }
0x3e: {  	p2 =	sne.s32 s3, $0x1  }
.Ltmp2:
0x3f: {  	_ = 	snop;
	(pc) =	sbr.rel @!p2 .LBB2_3-.Ltmp2, $3  }
0x40: {  	_ =	sdelay $0x1  }
0x41: {  	_ =	swait.ge [sflag:s9], $0x640  }
0x42: {  	s25 =	sadd.s32 $0xFFFFFFFF, s3;
	[sflag:s9] =	ssyncset.done $0x0;
	s3 =	sadd.s32 $0x32000, s26  }
.LBB2_2:
0x43: {  	s26 =	sshrl.u32 s3, $0x3;
	[sflag:s9] =	ssyncadd.s32 $0xFFFFF9C0;
	p3 =	sne.s32 s25, $0x1  }
0x44: {  	[spmem:s26], [sflag:s21] =	dma.local [hbm:s5], $0x640  }
.Ltmp3:
0x45: {  	_ = 	snop;
	(pc) =	sbr.rel @p3 .LBB2_2-.Ltmp3, $4  }
0x46: {  	_ = 	snop  }
0x47: {  	s25 =	sadd.s32 $0xFFFFFFFF, s25  }
0x48: {  	_ =	swait.ge [sflag:s9], $0x640  }
0x49: {  	s3 =	sadd.s32 $0x32000, s3;
	[sflag:s9] =	ssyncset.done $0x0  }
.LBB2_3:
0x4a: {  	[sflag:s9] =	ssyncadd.s32 $0xFFFFF9C0  }
0x4b: {  	[tilespmem:$0xC00] =	vst v0  }
0x4c: {  	[tilespmem:$0xC10] =	vst v0  }
0x4d: {  	[tilespmem:$0xC20] =	vst v0  }
0x4e: {  	[tilespmem:$0xC30] =	vst v0  }
0x4f: {  	[tilespmem:$0xC40] =	vst v0  }
.Ltmp4:
0x50: {  	[tilespmem:$0xC50] =	vst v0;
	(pc) =	sbr.rel .LBB2_4-.Ltmp4, $4  }
0x51: {  	[tilespmem:$0xC60] =	vst v0  }
0x52: {  	[tilespmem:$0xC70] =	vst v0  }
0x53: {  	[bflag:$0x0] =	sbarrier.arrive $0xFFFF  }
0x54: {  	s30 =	simm.s32 $0x0;
	s21 =	simm.s32 $0x0;
	s25 =	rddreg [dreg:$0x16]  }
.LBB2_8:
0x55: {  	s21 =	sadd.s32 $0x1000, s21  }
0x56: {  	p3 =	sne.s32 s21, $0xA000  }
.Ltmp5:
0x57: {  	_ = 	snop;
	(pc) =	sbr.rel @!p3 .LBB2_9-.Ltmp5, $2  }
0x58: {  	_ =	sdelay $0x2  }
0x59: {  	s25 =	sadd.s32 $0x40, s25;
	s30 =	sadd.s32 $0x2, s30  }
.LBB2_4:
0x5a: {  	p4 =	sge.u32 s30, s8  }
.Ltmp6:
0x5b: {  	_ = 	snop;
	(pc) =	sbr.rel @p4 .LBB2_6-.Ltmp6, $2  }
0x5c: {  	_ =	sdelay $0x2  }
0x5d: {  	p3 =	seq.s32 s21, $0x0  }
0x5e: {  	s3 =	simm.s32 @!p3 $0x3  }
0x5f: {  	_ =	swait.ge @!p3 [sflag:s3], $0x80  }
0x60: {  	[sflag:s3] =	ssyncset.done @!p3 $0x0  }
0x61: {  	[sflag:s3] =	ssyncadd.s32 @!p3 $0xFFFFFF80  }
0x62: {  	_ =	swait.ge @!p3 [sflag:s3], $0x80  }
0x63: {  	[sflag:s3] =	ssyncset.done @!p3 $0x0  }
0x64: {  	[sflag:s3] =	ssyncadd.s32 @!p3 $0xFFFFFF80  }
0x65: {  	_ =	swait.ge @!p3 [sflag:s3], $0x80  }
0x66: {  	[sflag:s3] =	ssyncset.done @!p3 $0x0  }
0x67: {  	[sflag:s3] =	ssyncadd.s32 @!p3 $0xFFFFFF80  }
0x68: {  	_ =	swait.ge @!p3 [sflag:s3], $0x80  }
0x69: {  	[sflag:s3] =	ssyncset.done @!p3 $0x0  }
0x6a: {  	[sflag:s3] =	ssyncadd.s32 @!p3 $0xFFFFFF80  }
0x6b: {  	_ =	swait.ge [sflag:s10], $0x200  }
0x6c: {  	[sflag:s10] =	ssyncset.done $0x0  }
0x6d: {  	[sflag:s10] =	ssyncadd.s32 $0xFFFFFE00  }
0x6e: {  	_ =	swait.ge [sflag:s10], $0x200  }
0x6f: {  	[sflag:s10] =	ssyncset.done $0x0  }
0x70: {  	[sflag:s10] =	ssyncadd.s32 $0xFFFFFE00  }
0x71: {  	v1 =	vld [tilespmem:$0x0]  }
0x72: {  	v2 =	vld [tilespmem:$0x400]  }
0x73: {  	v3 =	vld [tilespmem:$0x10]  }
0x74: {  	v4 =	vld [tilespmem:$0x410]  }
0x75: {  	v5 =	vld [tilespmem:$0x20]  }
0x76: {  	v6 =	vld [tilespmem:$0x420]  }
0x77: {  	v7 =	vld [tilespmem:$0x30]  }
0x78: {  	v8 =	vld [tilespmem:$0x430]  }
0x79: {  	v9 =	vld [tilespmem:$0x40]  }
0x7a: {  	v10 =	vld [tilespmem:$0x440]  }
0x7b: {  	v11 =	vld [tilespmem:$0x50]  }
0x7c: {  	v12 =	vld [tilespmem:$0x450]  }
0x7d: {  	v13 =	vld [tilespmem:$0x60]  }
0x7e: {  	v14 =	vld [tilespmem:$0x460]  }
0x7f: {  	v15 =	vld [tilespmem:$0x70]  }
0x80: {  	v16 =	vld [tilespmem:$0x470]  }
0x81: {  	v17 =	vld [tilespmem:$0x80]  }
0x82: {  	v18 =	vld [tilespmem:$0x480]  }
0x83: {  	v19 =	vld [tilespmem:$0x90]  }
0x84: {  	v20 =	vld [tilespmem:$0x490]  }
0x85: {  	v21 =	vld [tilespmem:$0xA0]  }
0x86: {  	v22 =	vld [tilespmem:$0x4A0]  }
0x87: {  	v23 =	vld [tilespmem:$0xB0]  }
0x88: {  	v24 =	vld [tilespmem:$0x4B0]  }
0x89: {  	v25 =	vld [tilespmem:$0xC0]  }
0x8a: {  	v26 =	vld [tilespmem:$0x4C0]  }
0x8b: {  	v27 =	vld [tilespmem:$0xD0]  }
0x8c: {  	v28 =	vld [tilespmem:$0x4D0]  }
0x8d: {  	v29 =	vld [tilespmem:$0xE0]  }
0x8e: {  	v30 =	vld [tilespmem:$0x4E0]  }
0x8f: {  	v31 =	vld [tilespmem:$0xF0]  }
0x90: {  	v32 =	vld [tilespmem:$0x4F0]  }
0x91: {  	v33 =	vld [tilespmem:$0x100]  }
0x92: {  	v34 =	vld [tilespmem:$0x500]  }
0x93: {  	v35 =	vld [tilespmem:$0x110]  }
0x94: {  	v36 =	vld [tilespmem:$0x510]  }
0x95: {  	v37 =	vld [tilespmem:$0x120];
	v1 =	vshll.u32 v1, $0x6  }
0x96: {  	v39 =	vld [tilespmem:$0x130];
	v1 =	vadd.s32 v2, v1;
	v2 =	vshll.u32 v3, $0x6  }
0x97: {  	v40 =	vld [tilespmem:$0x530];
	[tilespmem:$0x800] =	vst v1;
	v1 =	vadd.s32 v4, v2;
	v2 =	vshll.u32 v5, $0x6  }
0x98: {  	v41 =	vld [tilespmem:$0x140];
	[tilespmem:$0x810] =	vst v1;
	v1 =	vadd.s32 v6, v2;
	v2 =	vshll.u32 v7, $0x6  }
0x99: {  	v42 =	vld [tilespmem:$0x540];
	[tilespmem:$0x820] =	vst v1;
	v1 =	vadd.s32 v8, v2;
	v2 =	vshll.u32 v9, $0x6  }
0x9a: {  	v43 =	vld [tilespmem:$0x150];
	[tilespmem:$0x830] =	vst v1;
	v1 =	vadd.s32 v10, v2;
	v2 =	vshll.u32 v11, $0x6  }
0x9b: {  	v44 =	vld [tilespmem:$0x550];
	[tilespmem:$0x840] =	vst v1;
	v1 =	vadd.s32 v12, v2;
	v2 =	vshll.u32 v13, $0x6  }
0x9c: {  	v45 =	vld [tilespmem:$0x160];
	[tilespmem:$0x850] =	vst v1;
	v1 =	vadd.s32 v14, v2;
	v2 =	vshll.u32 v15, $0x6  }
0x9d: {  	v46 =	vld [tilespmem:$0x560];
	[tilespmem:$0x860] =	vst v1;
	v1 =	vadd.s32 v16, v2;
	v2 =	vshll.u32 v17, $0x6  }
0x9e: {  	v47 =	vld [tilespmem:$0x170];
	[tilespmem:$0x870] =	vst v1;
	v1 =	vadd.s32 v18, v2;
	v2 =	vshll.u32 v19, $0x6  }
0x9f: {  	v48 =	vld [tilespmem:$0x570];
	[tilespmem:$0x880] =	vst v1;
	v1 =	vadd.s32 v20, v2;
	v2 =	vshll.u32 v21, $0x6  }
0xa0: {  	v49 =	vld [tilespmem:$0x180];
	[tilespmem:$0x890] =	vst v1;
	v1 =	vadd.s32 v22, v2;
	v2 =	vshll.u32 v23, $0x6  }
0xa1: {  	v50 =	vld [tilespmem:$0x580];
	[tilespmem:$0x8A0] =	vst v1;
	v1 =	vadd.s32 v24, v2;
	v2 =	vshll.u32 v25, $0x6  }
0xa2: {  	v51 =	vld [tilespmem:$0x190];
	[tilespmem:$0x8B0] =	vst v1;
	v1 =	vadd.s32 v26, v2;
	v2 =	vshll.u32 v27, $0x6  }
0xa3: {  	v3 =	vld [tilespmem:$0x520];
	[tilespmem:$0x8C0] =	vst v1;
	v1 =	vadd.s32 v28, v2;
	v2 =	vshll.u32 v29, $0x6  }
0xa4: {  	v52 =	vld [tilespmem:$0x590];
	[tilespmem:$0x8D0] =	vst v1;
	v1 =	vadd.s32 v30, v2;
	v2 =	vshll.u32 v31, $0x6  }
0xa5: {  	v53 =	vld [tilespmem:$0x1A0];
	[tilespmem:$0x8E0] =	vst v1;
	v1 =	vadd.s32 v32, v2;
	v2 =	vshll.u32 v33, $0x6  }
0xa6: {  	v54 =	vld [tilespmem:$0x5A0];
	[tilespmem:$0x8F0] =	vst v1;
	v1 =	vadd.s32 v34, v2;
	v2 =	vshll.u32 v35, $0x6  }
0xa7: {  	v55 =	vld [tilespmem:$0x1B0];
	[tilespmem:$0x900] =	vst v1;
	v1 =	vadd.s32 v36, v2;
	v2 =	vshll.u32 v37, $0x6  }
0xa8: {  	v56 =	vld [tilespmem:$0x1C0];
	[tilespmem:$0x910] =	vst v1;
	v1 =	vadd.s32 v3, v2;
	v2 =	vshll.u32 v39, $0x6  }
0xa9: {  	v57 =	vld [tilespmem:$0x5C0];
	[tilespmem:$0x920] =	vst v1;
	v1 =	vadd.s32 v40, v2;
	v2 =	vshll.u32 v41, $0x6  }
0xaa: {  	v58 =	vld [tilespmem:$0x1D0];
	[tilespmem:$0x930] =	vst v1;
	v1 =	vadd.s32 v42, v2;
	v2 =	vshll.u32 v43, $0x6  }
0xab: {  	v59 =	vld [tilespmem:$0x5D0];
	[tilespmem:$0x940] =	vst v1;
	v1 =	vadd.s32 v44, v2;
	v2 =	vshll.u32 v45, $0x6  }
0xac: {  	v3 =	vld [tilespmem:$0x5B0];
	[tilespmem:$0x950] =	vst v1;
	v1 =	vadd.s32 v46, v2;
	v2 =	vshll.u32 v47, $0x6  }
0xad: {  	v60 =	vld [tilespmem:$0x1E0];
	[tilespmem:$0x960] =	vst v1;
	v1 =	vadd.s32 v48, v2;
	v2 =	vshll.u32 v49, $0x6  }
0xae: {  	v61 =	vld [tilespmem:$0x5E0];
	[tilespmem:$0x970] =	vst v1;
	v1 =	vadd.s32 v50, v2;
	v2 =	vshll.u32 v51, $0x6  }
0xaf: {  	v62 =	vld [tilespmem:$0x1F0];
	[tilespmem:$0x980] =	vst v1;
	v1 =	vadd.s32 v52, v2;
	v2 =	vshll.u32 v53, $0x6  }
0xb0: {  	v63 =	vld [tilespmem:$0x5F0];
	[tilespmem:$0x990] =	vst v1;
	v1 =	vadd.s32 v54, v2;
	v2 =	vshll.u32 v55, $0x6  }
0xb1: {  	[tilespmem:$0x9A0] =	vst v1;
	v1 =	vadd.s32 v3, v2;
	v2 =	vshll.u32 v56, $0x6  }
0xb2: {  	[tilespmem:$0x9B0] =	vst v1;
	v1 =	vadd.s32 v57, v2;
	v2 =	vshll.u32 v58, $0x6  }
0xb3: {  	[tilespmem:$0x9C0] =	vst v1;
	v1 =	vadd.s32 v59, v2;
	v2 =	vshll.u32 v60, $0x6  }
0xb4: {  	[tilespmem:$0x9D0] =	vst v1;
	v1 =	vadd.s32 v61, v2;
	v2 =	vshll.u32 v62, $0x6  }
0xb5: {  	[tilespmem:$0x9E0] =	vst v1;
	v1 =	vadd.s32 v63, v2  }
0xb6: {  	[tilespmem:$0x9F0] =	vst v1  }
0xb7: {  	[spmem:s2] =	stream.indirect.scatter.add.f32 [tilespmem:s13], [sflag:$0x3], $0x1, s12, s11, $0xb8;
	[tilespmem:$0x14AC0] =	vst v63  }
0xb8: {  	s31 =	sadd.s32 $0xFFFFFFE0, s25  }
0xb9: {  	[spmem:s2] =	stream.indirect.scatter.add.f32 [tilespmem:s13], [sflag:$0x3], $0x1, s14, s11, $0xb8;
	[tilespmem:$0x14AC0] =	vst v63  }
0xba: {  	p4 =	sgt.u32 s31, $0x270  }
0xbb: {  	[spmem:s2] =	stream.indirect.scatter.add.f32 [tilespmem:s13], [sflag:$0x3], $0x1, s15, s11, $0xb8;
	[tilespmem:$0x14AC0] =	vst v63  }
0xbc: {  	s3 =	sadd.s32 @!p4 s21, s20  }
0xbd: {  	[spmem:s2] =	stream.indirect.scatter.add.f32 [tilespmem:s13], [sflag:$0x3], $0x1, s16, s11, $0xb8;
	[tilespmem:$0x14AC0] =	vst v63  }
0xbe: {  	s26 =	simm.s32 @!p4 $0x0;
	s3 =	sadd.s32 @!p4 $0x1000, s3  }
0xbf: {  	[tilespmem:s26], [sflag:$0x1] =	stream.linear.gather @!p4 [hbm4b:s3+s26], $0x200, $0x38;
	[tilespmem:$0x14AC0] =	vst v63  }
0xc0: {  	s3 =	sadd.s32 @!p4 s21, s19  }
0xc1: {  	s31 =	simm.s32 @!p4 $0x400;
	s3 =	sadd.s32 @!p4 $0x1000, s3  }
0xc2: {  	[tilespmem:s31], [sflag:$0x1] =	stream.linear.gather @!p4 [hbm4b:s3+s26], $0x200, $0x38;
	[tilespmem:$0x14AC0] =	vst v63  }
.LBB2_6:
0xc3: {  	p4 =	sge.u32 s30, s29  }
.Ltmp7:
0xc4: {  	_ = 	snop;
	(pc) =	sbr.rel @p4 .LBB2_8-.Ltmp7, $1  }
0xc5: {  	_ =	sdelay $0x3  }
0xc6: {  	s3 =	simm.s32 @!p3 $0x4  }
0xc7: {  	_ =	swait.ge @!p3 [sflag:s3], $0x80  }
0xc8: {  	[sflag:s3] =	ssyncset.done @!p3 $0x0  }
0xc9: {  	[sflag:s3] =	ssyncadd.s32 @!p3 $0xFFFFFF80  }
0xca: {  	_ =	swait.ge @!p3 [sflag:s3], $0x80  }
0xcb: {  	[sflag:s3] =	ssyncset.done @!p3 $0x0  }
0xcc: {  	[sflag:s3] =	ssyncadd.s32 @!p3 $0xFFFFFF80  }
0xcd: {  	_ =	swait.ge @!p3 [sflag:s3], $0x80  }
0xce: {  	[sflag:s3] =	ssyncset.done @!p3 $0x0  }
0xcf: {  	[sflag:s3] =	ssyncadd.s32 @!p3 $0xFFFFFF80  }
0xd0: {  	_ =	swait.ge @!p3 [sflag:s3], $0x80  }
0xd1: {  	[sflag:s3] =	ssyncset.done @!p3 $0x0  }
0xd2: {  	[sflag:s3] =	ssyncadd.s32 @!p3 $0xFFFFFF80  }
0xd3: {  	_ =	swait.ge [sflag:s17], $0x200  }
0xd4: {  	[sflag:s17] =	ssyncset.done $0x0  }
0xd5: {  	[sflag:s17] =	ssyncadd.s32 $0xFFFFFE00  }
0xd6: {  	_ =	swait.ge [sflag:s17], $0x200  }
0xd7: {  	[sflag:s17] =	ssyncset.done $0x0  }
0xd8: {  	[sflag:s17] =	ssyncadd.s32 $0xFFFFFE00  }
0xd9: {  	v1 =	vld [tilespmem:$0x200]  }
0xda: {  	v2 =	vld [tilespmem:$0x600]  }
0xdb: {  	v3 =	vld [tilespmem:$0x210]  }
0xdc: {  	v4 =	vld [tilespmem:$0x610]  }
0xdd: {  	v5 =	vld [tilespmem:$0x220]  }
0xde: {  	v6 =	vld [tilespmem:$0x620]  }
0xdf: {  	v7 =	vld [tilespmem:$0x230]  }
0xe0: {  	v8 =	vld [tilespmem:$0x630]  }
0xe1: {  	v9 =	vld [tilespmem:$0x240]  }
0xe2: {  	v10 =	vld [tilespmem:$0x640]  }
0xe3: {  	v11 =	vld [tilespmem:$0x250]  }
0xe4: {  	v12 =	vld [tilespmem:$0x650]  }
0xe5: {  	v13 =	vld [tilespmem:$0x260]  }
0xe6: {  	v14 =	vld [tilespmem:$0x660]  }
0xe7: {  	v15 =	vld [tilespmem:$0x270]  }
0xe8: {  	v16 =	vld [tilespmem:$0x670]  }
0xe9: {  	v17 =	vld [tilespmem:$0x280]  }
0xea: {  	v18 =	vld [tilespmem:$0x680]  }
0xeb: {  	v19 =	vld [tilespmem:$0x290]  }
0xec: {  	v20 =	vld [tilespmem:$0x690]  }
0xed: {  	v21 =	vld [tilespmem:$0x2A0]  }
0xee: {  	v22 =	vld [tilespmem:$0x6A0]  }
0xef: {  	v23 =	vld [tilespmem:$0x2B0]  }
0xf0: {  	v24 =	vld [tilespmem:$0x6B0]  }
0xf1: {  	v25 =	vld [tilespmem:$0x2C0]  }
0xf2: {  	v26 =	vld [tilespmem:$0x6C0]  }
0xf3: {  	v27 =	vld [tilespmem:$0x2D0]  }
0xf4: {  	v28 =	vld [tilespmem:$0x6D0]  }
0xf5: {  	v29 =	vld [tilespmem:$0x2E0]  }
0xf6: {  	v30 =	vld [tilespmem:$0x6E0]  }
0xf7: {  	v31 =	vld [tilespmem:$0x2F0]  }
0xf8: {  	v32 =	vld [tilespmem:$0x6F0]  }
0xf9: {  	v33 =	vld [tilespmem:$0x300]  }
0xfa: {  	v34 =	vld [tilespmem:$0x700]  }
0xfb: {  	v35 =	vld [tilespmem:$0x310]  }
0xfc: {  	v36 =	vld [tilespmem:$0x710]  }
0xfd: {  	v37 =	vld [tilespmem:$0x320];
	v1 =	vshll.u32 v1, $0x6  }
0xfe: {  	v39 =	vld [tilespmem:$0x330];
	v1 =	vadd.s32 v2, v1;
	v2 =	vshll.u32 v3, $0x6  }
0xff: {  	v40 =	vld [tilespmem:$0x730];
	[tilespmem:$0xA00] =	vst v1;
	v1 =	vadd.s32 v4, v2;
	v2 =	vshll.u32 v5, $0x6  }
0x100: {  	v41 =	vld [tilespmem:$0x340];
	[tilespmem:$0xA10] =	vst v1;
	v1 =	vadd.s32 v6, v2;
	v2 =	vshll.u32 v7, $0x6  }
0x101: {  	v42 =	vld [tilespmem:$0x740];
	[tilespmem:$0xA20] =	vst v1;
	v1 =	vadd.s32 v8, v2;
	v2 =	vshll.u32 v9, $0x6  }
0x102: {  	v43 =	vld [tilespmem:$0x350];
	[tilespmem:$0xA30] =	vst v1;
	v1 =	vadd.s32 v10, v2;
	v2 =	vshll.u32 v11, $0x6  }
0x103: {  	v44 =	vld [tilespmem:$0x750];
	[tilespmem:$0xA40] =	vst v1;
	v1 =	vadd.s32 v12, v2;
	v2 =	vshll.u32 v13, $0x6  }
0x104: {  	v45 =	vld [tilespmem:$0x360];
	[tilespmem:$0xA50] =	vst v1;
	v1 =	vadd.s32 v14, v2;
	v2 =	vshll.u32 v15, $0x6  }
0x105: {  	v46 =	vld [tilespmem:$0x760];
	[tilespmem:$0xA60] =	vst v1;
	v1 =	vadd.s32 v16, v2;
	v2 =	vshll.u32 v17, $0x6  }
0x106: {  	v47 =	vld [tilespmem:$0x370];
	[tilespmem:$0xA70] =	vst v1;
	v1 =	vadd.s32 v18, v2;
	v2 =	vshll.u32 v19, $0x6  }
0x107: {  	v48 =	vld [tilespmem:$0x770];
	[tilespmem:$0xA80] =	vst v1;
	v1 =	vadd.s32 v20, v2;
	v2 =	vshll.u32 v21, $0x6  }
0x108: {  	v49 =	vld [tilespmem:$0x380];
	[tilespmem:$0xA90] =	vst v1;
	v1 =	vadd.s32 v22, v2;
	v2 =	vshll.u32 v23, $0x6  }
0x109: {  	v50 =	vld [tilespmem:$0x780];
	[tilespmem:$0xAA0] =	vst v1;
	v1 =	vadd.s32 v24, v2;
	v2 =	vshll.u32 v25, $0x6  }
0x10a: {  	v51 =	vld [tilespmem:$0x390];
	[tilespmem:$0xAB0] =	vst v1;
	v1 =	vadd.s32 v26, v2;
	v2 =	vshll.u32 v27, $0x6  }
0x10b: {  	v3 =	vld [tilespmem:$0x720];
	[tilespmem:$0xAC0] =	vst v1;
	v1 =	vadd.s32 v28, v2;
	v2 =	vshll.u32 v29, $0x6  }
0x10c: {  	v52 =	vld [tilespmem:$0x790];
	[tilespmem:$0xAD0] =	vst v1;
	v1 =	vadd.s32 v30, v2;
	v2 =	vshll.u32 v31, $0x6  }
0x10d: {  	v53 =	vld [tilespmem:$0x3A0];
	[tilespmem:$0xAE0] =	vst v1;
	v1 =	vadd.s32 v32, v2;
	v2 =	vshll.u32 v33, $0x6  }
0x10e: {  	v54 =	vld [tilespmem:$0x7A0];
	[tilespmem:$0xAF0] =	vst v1;
	v1 =	vadd.s32 v34, v2;
	v2 =	vshll.u32 v35, $0x6  }
0x10f: {  	v55 =	vld [tilespmem:$0x3B0];
	[tilespmem:$0xB00] =	vst v1;
	v1 =	vadd.s32 v36, v2;
	v2 =	vshll.u32 v37, $0x6  }
0x110: {  	v56 =	vld [tilespmem:$0x3C0];
	[tilespmem:$0xB10] =	vst v1;
	v1 =	vadd.s32 v3, v2;
	v2 =	vshll.u32 v39, $0x6  }
0x111: {  	v57 =	vld [tilespmem:$0x7C0];
	[tilespmem:$0xB20] =	vst v1;
	v1 =	vadd.s32 v40, v2;
	v2 =	vshll.u32 v41, $0x6  }
0x112: {  	v58 =	vld [tilespmem:$0x3D0];
	[tilespmem:$0xB30] =	vst v1;
	v1 =	vadd.s32 v42, v2;
	v2 =	vshll.u32 v43, $0x6  }
0x113: {  	v59 =	vld [tilespmem:$0x7D0];
	[tilespmem:$0xB40] =	vst v1;
	v1 =	vadd.s32 v44, v2;
	v2 =	vshll.u32 v45, $0x6  }
0x114: {  	v3 =	vld [tilespmem:$0x7B0];
	[tilespmem:$0xB50] =	vst v1;
	v1 =	vadd.s32 v46, v2;
	v2 =	vshll.u32 v47, $0x6  }
0x115: {  	v60 =	vld [tilespmem:$0x3E0];
	[tilespmem:$0xB60] =	vst v1;
	v1 =	vadd.s32 v48, v2;
	v2 =	vshll.u32 v49, $0x6  }
0x116: {  	v61 =	vld [tilespmem:$0x7E0];
	[tilespmem:$0xB70] =	vst v1;
	v1 =	vadd.s32 v50, v2;
	v2 =	vshll.u32 v51, $0x6  }
0x117: {  	v62 =	vld [tilespmem:$0x3F0];
	[tilespmem:$0xB80] =	vst v1;
	v1 =	vadd.s32 v52, v2;
	v2 =	vshll.u32 v53, $0x6  }
0x118: {  	v63 =	vld [tilespmem:$0x7F0];
	[tilespmem:$0xB90] =	vst v1;
	v1 =	vadd.s32 v54, v2;
	v2 =	vshll.u32 v55, $0x6  }
0x119: {  	[tilespmem:$0xBA0] =	vst v1;
	v1 =	vadd.s32 v3, v2;
	v2 =	vshll.u32 v56, $0x6  }
0x11a: {  	[tilespmem:$0xBB0] =	vst v1;
	v1 =	vadd.s32 v57, v2;
	v2 =	vshll.u32 v58, $0x6  }
0x11b: {  	[tilespmem:$0xBC0] =	vst v1;
	v1 =	vadd.s32 v59, v2;
	v2 =	vshll.u32 v60, $0x6  }
0x11c: {  	[tilespmem:$0xBD0] =	vst v1;
	v1 =	vadd.s32 v61, v2;
	v2 =	vshll.u32 v62, $0x6  }
0x11d: {  	[tilespmem:$0xBE0] =	vst v1;
	v1 =	vadd.s32 v63, v2  }
0x11e: {  	[tilespmem:$0xBF0] =	vst v1  }
0x11f: {  	[spmem:s2] =	stream.indirect.scatter.add.f32 [tilespmem:s13], [sflag:$0x4], $0x1, s18, s11, $0xb8;
	[tilespmem:$0x14AC0] =	vst v63  }
0x120: {  	_ = 	snop  }
0x121: {  	[spmem:s2] =	stream.indirect.scatter.add.f32 [tilespmem:s13], [sflag:$0x4], $0x1, s22, s11, $0xb8;
	[tilespmem:$0x14AC0] =	vst v63  }
0x122: {  	p3 =	sgt.u32 s25, $0x270  }
0x123: {  	[spmem:s2] =	stream.indirect.scatter.add.f32 [tilespmem:s13], [sflag:$0x4], $0x1, s23, s11, $0xb8;
	[tilespmem:$0x14AC0] =	vst v63  }
0x124: {  	s3 =	sadd.s32 @!p3 s21, s20;
	s26 =	simm.s32 @!p3 $0x0  }
0x125: {  	[spmem:s2] =	stream.indirect.scatter.add.f32 [tilespmem:s13], [sflag:$0x4], $0x1, s0, s11, $0xb8;
	[tilespmem:$0x14AC0] =	vst v63  }
.Ltmp8:
0x126: {  	s31 =	simm.s32 @!p3 $0x200;
	s3 =	sadd.s32 @!p3 $0x1800, s3;
	(pc) =	sbr.rel .LBB2_8-.Ltmp8, $4  }
0x127: {  	[tilespmem:s31], [sflag:$0x2] =	stream.linear.gather @!p3 [hbm4b:s3+s26], $0x200, $0x38;
	[tilespmem:$0x14AC0] =	vst v63  }
0x128: {  	s3 =	sadd.s32 @!p3 s21, s19  }
0x129: {  	s31 =	simm.s32 @!p3 $0x600;
	s3 =	sadd.s32 @!p3 $0x1800, s3  }
0x12a: {  	[tilespmem:s31], [sflag:$0x2] =	stream.linear.gather @!p3 [hbm4b:s3+s26], $0x200, $0x38;
	[tilespmem:$0x14AC0] =	vst v63  }
.LBB2_9:
0x12b: {  	_ =	swait.ge [sflag:s24], $0x80  }
0x12c: {  	[sflag:s24] =	ssyncset.done $0x0  }
0x12d: {  	[sflag:s24] =	ssyncadd.s32 $0xFFFFFF80  }
0x12e: {  	_ =	swait.ge [sflag:s24], $0x80  }
0x12f: {  	[sflag:s24] =	ssyncset.done $0x0  }
0x130: {  	[sflag:s24] =	ssyncadd.s32 $0xFFFFFF80  }
0x131: {  	_ =	swait.ge [sflag:s24], $0x80  }
0x132: {  	[sflag:s24] =	ssyncset.done $0x0  }
0x133: {  	[sflag:s24] =	ssyncadd.s32 $0xFFFFFF80  }
0x134: {  	_ =	swait.ge [sflag:s24], $0x80  }
0x135: {  	[sflag:s24] =	ssyncset.done $0x0  }
0x136: {  	[sflag:s24] =	ssyncadd.s32 $0xFFFFFF80  }
0x137: {  	_ =	swait.ge [sflag:s28], $0x80  }
0x138: {  	[sflag:s28] =	ssyncset.done $0x0  }
0x139: {  	[sflag:s28] =	ssyncadd.s32 $0xFFFFFF80  }
0x13a: {  	_ =	swait.ge [sflag:s28], $0x80  }
0x13b: {  	[sflag:s28] =	ssyncset.done $0x0  }
0x13c: {  	[sflag:s28] =	ssyncadd.s32 $0xFFFFFF80  }
0x13d: {  	_ =	swait.ge [sflag:s28], $0x80  }
0x13e: {  	[sflag:s28] =	ssyncset.done $0x0  }
0x13f: {  	[sflag:s28] =	ssyncadd.s32 $0xFFFFFF80  }
0x140: {  	_ =	swait.ge [sflag:s28], $0x80  }
0x141: {  	[sflag:s28] =	ssyncset.done $0x0  }
0x142: {  	s21 =	simm.s32 $0x5;
	[sflag:s28] =	ssyncadd.s32 $0xFFFFFF80  }
0x143: {  	_ =	swait.ge [sflag:s21], $0x50  }
0x144: {  	[sflag:s21] =	ssyncset.done $0x0  }
0x145: {  	s3 =	simm.s32 $0xC80;
	[sflag:s21] =	ssyncadd.s32 $0xFFFFFFB0  }
0x146: {  	s25 =	simm.s32 $0x50;
	s30 =	simm.s32 $0xE80;
	s26 =	rddreg [dreg:$0x0]  }
0x147: {  	[tilespmem:s30], [sflag:$0x6] =	stream.indirect.gather [hbm4b:s26+s25], $0x80, s3, s25, $0xb8;
	[tilespmem:$0x14AC0] =	vst v63  }
0x148: {  	_ =	swait.ge [sflag:s21], $0x50  }
0x149: {  	[sflag:s21] =	ssyncset.done $0x0  }
0x14a: {  	s4 =	simm.s32 $0xD00;
	s31 =	simm.s32 $0x3680;
	[sflag:s21] =	ssyncadd.s32 $0xFFFFFFB0  }
0x14b: {  	[tilespmem:s31], [sflag:$0x6] =	stream.indirect.gather [hbm4b:s26+s25], $0x80, s4, s25, $0xb8;
	[tilespmem:$0x14AC0] =	vst v63  }
0x14c: {  	_ =	swait.ge [sflag:s21], $0x50  }
0x14d: {  	s3 =	simm.s32 @!p1 $0x5;
	[sflag:s21] =	ssyncset.done $0x0  }
0x14e: {  	s4 =	simm.s32 $0x5E80;
	[sflag:s21] =	ssyncadd.s32 $0xFFFFFFB0;
	s21 =	simm.s32 $0xD80  }
0x14f: {  	[tilespmem:s4], [sflag:$0x6] =	stream.indirect.gather [hbm4b:s26+s25], $0x80, s21, s25, $0xb8;
	[tilespmem:$0x14AC0] =	vst v63  }
0x150: {  	_ =	swait.ge @!p1 [sflag:s3], $0x50  }
0x151: {  	s21 =	simm.s32 @!p1 $0xE00;
	[sflag:s3] =	ssyncset.done @!p1 $0x0  }
0x152: {  	s25 =	simm.s32 @!p1 $0x8680;
	[sflag:s3] =	ssyncadd.s32 @!p1 $0xFFFFFFB0;
	s3 =	simm.s32 @!p1 $0x50  }
0x153: {  	[tilespmem:s25], [sflag:$0x6] =	stream.indirect.gather @!p1 [hbm4b:s26+s3], $0x80, s21, s3, $0xb8;
	[tilespmem:$0x14AC0] =	vst v63  }
0x154: {  	s26 =	simm.s32 $0x6  }
0x155: {  	_ =	swait.ge [sflag:s26], $0x2800  }
0x156: {  	[sflag:s26] =	ssyncset.done $0x0  }
0x157: {  	s3 =	simm.s32 $0x0;
	s21 =	rddreg [dreg:$0xf];
	[sflag:s26] =	ssyncadd.s32 $0xFFFFD800  }
0x158: {  	[hbm4b:s21+s3] =	stream.linear.scatter [tilespmem:s30], [sflag:$0x7], $0x2800, $0x38;
	[tilespmem:$0x14AC0] =	vst v63  }
0x159: {  	_ =	swait.ge [sflag:s26], $0x2800  }
0x15a: {  	[sflag:s26] =	ssyncset.done $0x0  }
0x15b: {  	s30 =	rddreg [dreg:$0x10];
	[sflag:s26] =	ssyncadd.s32 $0xFFFFD800  }
0x15c: {  	[hbm4b:s30+s3] =	stream.linear.scatter [tilespmem:s31], [sflag:$0x7], $0x2800, $0x38;
	[tilespmem:$0x14AC0] =	vst v63  }
0x15d: {  	_ =	swait.ge [sflag:s26], $0x2800  }
0x15e: {  	[sflag:s26] =	ssyncset.done $0x0  }
0x15f: {  	s30 =	rddreg [dreg:$0x12];
	[sflag:s26] =	ssyncadd.s32 $0xFFFFD800  }
0x160: {  	[hbm4b:s30+s3] =	stream.linear.scatter [tilespmem:s4], [sflag:$0x7], $0x2800, $0x38;
	[tilespmem:$0x14AC0] =	vst v63  }
0x161: {  	s3 =	simm.s32 @!p1 $0x6  }
0x162: {  	_ =	swait.ge @!p1 [sflag:s3], $0x2800  }
0x163: {  	[sflag:s3] =	ssyncset.done @!p1 $0x0  }
0x164: {  	s21 =	rddreg [dreg:$0x13];
	[sflag:s3] =	ssyncadd.s32 @!p1 $0xFFFFD800;
	s3 =	simm.s32 @!p1 $0x0  }
0x165: {  	[hbm4b:s21+s3] =	stream.linear.scatter @!p1 [tilespmem:s25], [sflag:$0x7], $0x2800, $0x38;
	[tilespmem:$0x14AC0] =	vst v63  }
0x166: {  	s3 =	simm.s32 @!p1 $0x7  }
0x167: {  	_ =	swait.ge @!p1 [sflag:s3], $0x2800  }
0x168: {  	[sflag:s3] =	ssyncset.done @!p1 $0x0  }
0x169: {  	s31 =	simm.s32 $0x7;
	[sflag:s3] =	ssyncadd.s32 @!p1 $0xFFFFD800  }
0x16a: {  	_ =	swait.ge [sflag:s31], $0x2800  }
0x16b: {  	[sflag:s31] =	ssyncset.done $0x0  }
0x16c: {  	[sflag:s31] =	ssyncadd.s32 $0xFFFFD800  }
0x16d: {  	_ =	swait.ge [sflag:s31], $0x2800  }
0x16e: {  	[sflag:s31] =	ssyncset.done $0x0  }
0x16f: {  	[sflag:s31] =	ssyncadd.s32 $0xFFFFD800  }
.Ltmp9:
0x170: {  	_ =	swait.ge [sflag:s31], $0x2800;
	(pc) =	sbr.rel @!p0 .LBB2_10-.Ltmp9, $3  }
0x171: {  	[sflag:s31] =	ssyncset.done $0x0  }
0x172: {  	[sflag:s31] =	ssyncadd.s32 $0xFFFFD800  }
0x173: {  	[bflag:$0x0] =	sbarrier.arrive $0xFFFF;
	_ =	sdelay $0x1  }
.Ltmp10:
0x174: {  	s3 =	rddreg [dreg:$0x11];
	(pc) =	sbr.rel @!p2 .LBB2_17-.Ltmp10, $4  }
0x175: {  	s26 =	rddreg [dreg:$0x17]  }
0x176: {  	s25 =	sshrl.u32 s26, $0x3;
	s30 =	sadd.s32 $0x32000, s26;
	s26 =	rddreg [dreg:$0x15]  }
0x177: {  	s4 =	rddreg [dreg:$0x18];
	s21 =	sadd.s32 $0xFFFFFFFF, s3;
	s3 =	sadd.s32 $0x32000, s26  }
0x178: {  	s31 =	sadd.s32 s7, s25;
	s25 =	sor.u32 $0x1C01, s4;
	s26 =	sshrl.u32 s26, $0x3  }
.LBB2_16:
0x179: {  	[hbm:s31], [sflag:s25] =	dma.local [spmem:s26], $0x640  }
0x17a: {  	p3 =	sne.s32 s21, $0x1  }
.Ltmp11:
0x17b: {  	s21 =	sadd.s32 $0xFFFFFFFF, s21;
	(pc) =	sbr.rel @p3 .LBB2_16-.Ltmp11, $3  }
0x17c: {  	s26 =	smov.u32 s3;
	_ =	sdelay $0x1  }
0x17d: {  	s31 =	sshrl.u32 s30, $0x3;
	s30 =	sadd.s32 $0x32000, s30;
	s3 =	sadd.s32 $0x32000, s3  }
0x17e: {  	s31 =	sadd.s32 s7, s31;
	s26 =	sshrl.u32 s26, $0x3  }
.LBB2_17:
.Ltmp12:
0x17f: {  	(pc) =	sbr.rel @!p2 .LBB2_19-.Ltmp12, $4  }
0x180: {  	[hbm:s31], [sflag:s25] =	dma.local [spmem:s26], $0x640  }
0x181: {  	_ =	swait.ge [sflag:s10], $0x640  }
0x182: {  	s3 =	rddreg [dreg:$0x11]  }
0x183: {  	[sflag:s10] =	ssyncset.done $0x0;
	s3 =	sadd.s32 $0xFFFFFFFF, s3  }
.LBB2_18:
0x184: {  	p2 =	sne.s32 s3, $0x1;
	s3 =	sadd.s32 $0xFFFFFFFF, s3;
	[sflag:s10] =	ssyncadd.s32 $0xFFFFF9C0  }
.Ltmp13:
0x185: {  	(pc) =	sbr.rel @p2 .LBB2_18-.Ltmp13, $3  }
0x186: {  	_ =	sdelay $0x1  }
0x187: {  	_ =	swait.ge [sflag:s10], $0x640  }
0x188: {  	[sflag:s10] =	ssyncset.done $0x0  }
.Ltmp14:
0x189: {  	_ = 	snop;
	(pc) =	sbr.rel .LBB2_19-.Ltmp14, $1  }
0x18a: {  	_ =	sdelay $0x3  }
.LBB2_10:
.Ltmp15:
0x18b: {  	s3 =	rddreg [dreg:$0x11];
	(pc) =	sbr.rel @!p2 .LBB2_12-.Ltmp15, $4  }
0x18c: {  	s26 =	rddreg [dreg:$0x17]  }
0x18d: {  	s25 =	sshrl.u32 s26, $0x3;
	s30 =	sadd.s32 $0x32000, s26;
	s26 =	rddreg [dreg:$0x15]  }
0x18e: {  	s4 =	rddreg [dreg:$0x18];
	s21 =	sadd.s32 $0xFFFFFFFF, s3;
	s3 =	sadd.s32 $0x32000, s26  }
0x18f: {  	s31 =	sadd.s32 s6, s25;
	s25 =	sor.u32 $0x1C01, s4;
	s26 =	sshrl.u32 s26, $0x3  }
.LBB2_11:
0x190: {  	[hbm:s31], [sflag:s25] =	dma.local [spmem:s26], $0x640  }
0x191: {  	p2 =	sne.s32 s21, $0x1  }
.Ltmp16:
0x192: {  	s21 =	sadd.s32 $0xFFFFFFFF, s21;
	(pc) =	sbr.rel @p2 .LBB2_11-.Ltmp16, $3  }
0x193: {  	s26 =	smov.u32 s3;
	_ =	sdelay $0x1  }
0x194: {  	s31 =	sshrl.u32 s30, $0x3;
	s30 =	sadd.s32 $0x32000, s30;
	s3 =	sadd.s32 $0x32000, s3  }
0x195: {  	s31 =	sadd.s32 s6, s31;
	s26 =	sshrl.u32 s26, $0x3  }
.LBB2_12:
0x196: {  	[hbm:s31], [sflag:s25] =	dma.local [spmem:s26], $0x640  }
0x197: {  	s3 =	rddreg [dreg:$0x11]  }
0x198: {  	p2 =	seq.s32 s3, $0x1  }
.Ltmp17:
0x199: {  	_ = 	snop;
	(pc) =	sbr.rel @p2 .LBB2_14-.Ltmp17, $3  }
0x19a: {  	_ =	sdelay $0x1  }
0x19b: {  	_ =	swait.ge [sflag:s10], $0x640  }
0x19c: {  	s3 =	sadd.s32 $0xFFFFFFFF, s3;
	[sflag:s10] =	ssyncset.done $0x0  }
.LBB2_13:
0x19d: {  	p2 =	seq.s32 s3, $0x1;
	s3 =	sadd.s32 $0xFFFFFFFF, s3;
	[sflag:s10] =	ssyncadd.s32 $0xFFFFF9C0  }
.Ltmp18:
0x19e: {  	(pc) =	sbr.rel @!p2 .LBB2_13-.Ltmp18, $3  }
0x19f: {  	_ =	sdelay $0x1  }
0x1a0: {  	_ =	swait.ge [sflag:s10], $0x640  }
0x1a1: {  	[sflag:s10] =	ssyncset.done $0x0  }
.LBB2_14:
.Ltmp19:
0x1a2: {  	(pc) =	sbr.rel .LBB2_20-.Ltmp19, $2  }
0x1a3: {  	_ =	sdelay $0x2  }
0x1a4: {  	[sflag:s10] =	ssyncadd.s32 $0xFFFFF9C0  }
.LBB2_21:
0x1a5: {  	_ =	sfence.sel $0x180000  }
0x1a6: {  	[bflag:$0x0] =	sbarrier.arrive $0xFFFF  }
0x1a7: {  	_ =	strace $0x90000047  }
0x1a8: {  	s0 =	stileid.u32;
	[bflag:$0x2] =	sbarrier.arrive $0xFFFF  }
0x1a9: {  	p0 =	sne.s32 s0, $0x0;
	s0 =	rddreg [dreg:$0x6]  }
0x1aa: {  	s0 =	sadd.s32 @!p0 $0x100000, s0  }
0x1ab: {  	[sflag:s0] =	ssyncadd.tile.s32 @!p0 $0x1;
	_ =	shalt  }
.Lfunc_end2:
_tile_overlayer_lowered:
.L_overlay_start_2:
0x1ac: {  	(tag) =	ssettag $0x2  }
0x1ad: {  	s0 =	rddreg [dreg:$0x0];
	s2 =	stileid.u32  }
0x1ae: {  	s1 =	rddreg [dreg:$0x1];
	p0 =	sne.s32 s2, $0x0  }
0x1af: {  	s3 =	rddreg [dreg:$0x2];
	[bflag:$0x3] =	sbarrier.arrive $0xFFFF;
	s2 =	simm.s32 @!p0 $0x1C08  }
0x1b0: {  	[timem:s3], [sflag:s2] =	dma.local @!p0 [hbm:s0], s1  }
0x1b1: {  	s0 =	simm.s32 @!p0 $0x8  }
0x1b2: {  	_ =	swait.ge @!p0 [sflag:s0], s1  }
0x1b3: {  	s1 =	ssub.s32 @!p0 $0x0, s1;
	[sflag:s0] =	ssyncset.done @!p0 $0x0  }
0x1b4: {  	[sflag:s0] =	ssyncadd.s32 @!p0 s1  }
0x1b5: {  	[bflag:$0x3] =	sbarrier.arrive $0xFFFF  }
0x1b6: {  	_ =	shalt  }

</sc_bundles>
